<compile_context>
chip_gen: v7x
topology: tpu7x:2x2x1
jax: 0.10.2.dev20260603
libtpu: 0.0.44.dev20260713+nightly
codegen_flags: <defaults>
</compile_context>

<pallas_src>
import functools

import jax
import jax.numpy as jnp
from jax import lax
from jax.experimental import pallas as pl
from jax.experimental.pallas import tpu as pltpu
from jax.experimental.pallas import tpu_sc as plsc

_K = 8
_PAD = 16



def _net_merge(a, b):
    if len(a) == 1:
        lo = jnp.minimum(a[0], b[0])
        hi = jnp.maximum(a[0], b[0])
        return [lo, hi]
    even = _net_merge(a[0::2], b[0::2])
    odd = _net_merge(a[1::2], b[1::2])
    res = [even[0]]
    for i in range(1, len(even)):
        res.append(jnp.minimum(odd[i - 1], even[i]))
        res.append(jnp.maximum(odd[i - 1], even[i]))
    res.append(odd[-1])
    return res


def _net_sort(xs):
    if len(xs) == 1:
        return xs
    h = len(xs) // 2
    return _net_merge(_net_sort(xs[:h]), _net_sort(xs[h:]))


def _knn_body(x_blk_ref, x_all_ref, idx_ref, d_ref):
    n = x_all_ref.shape[0]
    xb = x_blk_ref[...]
    xa = x_all_ref[...]
    a2a = jnp.sum(xa * xa, axis=1)[None, :]
    a2b = jnp.sum(xb * xb, axis=1, keepdims=True)
    g = lax.dot_general(xb, xa, (((1,), (1,)), ((), ())),
                        preferred_element_type=jnp.float32)
    d2 = jnp.maximum(a2b + a2a - 2.0 * g, 0.0)
    kb = lax.bitcast_convert_type(d2, jnp.int32)
    colsu = lax.broadcasted_iota(jnp.int32, d2.shape, 1)
    keys = jnp.bitwise_or(jnp.bitwise_and(kb, jnp.int32(-4096)), colsu)
    groups = [keys[:, g * 128:(g + 1) * 128] for g in range(n // 128)]
    cand = jnp.concatenate(_net_sort(groups)[:_K + 1], axis=1)
    idx_cols = []
    d_cols = []
    for _ in range(_K + 1):
        m = jnp.min(cand, axis=1, keepdims=True)
        idx_cols.append(jnp.bitwise_and(m, jnp.int32(4095)))
        d_cols.append(lax.bitcast_convert_type(
            jnp.bitwise_and(m, jnp.int32(-4096)), jnp.float32))
        cand = jnp.where(cand == m, jnp.int32(0x7FFFFFFF), cand)
    rb = xb.shape[0]
    pad = _PAD - (_K + 1)
    idx_ref[...] = jnp.concatenate(
        idx_cols + [jnp.full((rb, pad), -1, jnp.int32)], axis=1)
    d_ref[...] = jnp.concatenate(
        d_cols + [jnp.zeros((rb, pad), jnp.float32)], axis=1)


def _knn_topk(X, rb=1024):
    n, d_in = X.shape
    return pl.pallas_call(
        _knn_body,
        grid=(n // rb,),
        in_specs=[
            pl.BlockSpec((rb, d_in), lambda i: (i, 0)),
            pl.BlockSpec((n, d_in), lambda i: (0, 0)),
        ],
        out_specs=[
            pl.BlockSpec((rb, _PAD), lambda i: (i, 0)),
            pl.BlockSpec((rb, _PAD), lambda i: (i, 0)),
        ],
        out_shape=[
            jax.ShapeDtypeStruct((n, _PAD), jnp.int32),
            jax.ShapeDtypeStruct((n, _PAD), jnp.float32),
        ],
    )(X, X)



_SPAD = 16


def _edge_loss_call(nbr16, d16, Z):
    n, d_lat = Z.shape
    nc, ns, nl = 2, 16, 16
    nw = nc * ns
    rpw = n // nw
    epw = rpw * _K
    ch = 128
    nch = epw // ch
    gpc = ch // nl

    mesh = plsc.VectorSubcoreMesh(core_axis_name="c", subcore_axis_name="s")

    @functools.partial(
        pl.kernel,
        mesh=mesh,
        compiler_params=pltpu.CompilerParams(
            needs_layout_passes=False, use_tc_tiling_on_sc=False),
        out_type=jax.ShapeDtypeStruct((nw, nl), jnp.float32),
        scratch_types=[
            pltpu.VMEM((n * _SPAD,), jnp.int32),
            pltpu.VMEM((rpw * _SPAD,), jnp.float32),
            pltpu.VMEM((rpw, d_lat), jnp.float32),
            pltpu.VMEM((ch,), jnp.int32),
            pltpu.VMEM((ch, d_lat), jnp.float32),
            pltpu.VMEM((ch,), jnp.float32),
            pltpu.VMEM((nl,), jnp.float32),
            pltpu.SemaphoreType.DMA,
        ],
    )
    def launch(nbr_hbm, d_hbm, z_hbm, out_hbm,
               nbr_v, d_v, zi_v, jidx_v, zj_v, coef_v, sum_v, sem):
        cid = lax.axis_index("c")
        sid = lax.axis_index("s")
        wid = sid * nc + cid
        row0 = wid * rpw
        pltpu.sync_copy(nbr_hbm, nbr_v)
        pltpu.sync_copy(d_hbm.at[pl.ds(row0 * _SPAD, rpw * _SPAD)], d_v)
        pltpu.sync_copy(z_hbm.at[pl.ds(row0, rpw)], zi_v)

        lanes = lax.iota(jnp.int32, nl)

        def chunk_body(c, acc):
            ebase = c * ch
            for t in range(gpc):
                el = ebase + t * nl + lanes
                rl = lax.shift_right_logical(el, 3)
                cl = 1 + lax.bitwise_and(el, 7)
                rg = rl + row0
                jv = plsc.load_gather(nbr_v, [rg * _SPAD + cl])
                dv = plsc.load_gather(d_v, [rl * _SPAD + cl])
                w = jnp.exp(-dv)
                mut = jnp.zeros((nl,), jnp.int32)
                for cc in range(1, _K + 1):
                    cand = plsc.load_gather(nbr_v, [jv * _SPAD + cc])
                    mut = jnp.where(cand == rg, 1, mut)
                jidx_v[pl.ds(t * nl, nl)] = jv
                coef_v[pl.ds(t * nl, nl)] = w * (2.0 - mut.astype(jnp.float32))
            pltpu.async_copy(z_hbm.at[jidx_v], zj_v, sem).wait()

            def group_body(g, a):
                for u in range(nl):
                    e = g * nl + u
                    r = lax.shift_right_logical(ebase + e, 3)
                    cf = plsc.load_gather(
                        coef_v, [jnp.full((nl,), e, jnp.int32)])
                    for cc in range(d_lat // nl):
                        zi = zi_v[r, pl.ds(cc * nl, nl)]
                        zj_ = zj_v[e, pl.ds(cc * nl, nl)]
                        dlt = zi - zj_
                        a = a + cf * dlt * dlt
                return a

            return lax.fori_loop(0, gpc, group_body, acc)

        acc = lax.fori_loop(0, nch, chunk_body, jnp.zeros((nl,), jnp.float32))
        sum_v[...] = acc
        pltpu.sync_copy(sum_v, out_hbm.at[wid])

    return launch(nbr16.reshape(-1), d16.reshape(-1), Z)


def kernel(X, Z):
    n = X.shape[0]
    nbr16, d16 = _knn_topk(X)
    parts = _edge_loss_call(nbr16, d16, Z)
    return jnp.sum(parts) / (n * _K)

# --- scband reference (transcript-rebuilt; emitter-appended) ---
"""Pipeline reference for scband-graph-laplacian-loss-5634997093002 (READ-ONLY COPY).

The authoritative reference and input builder live on the scoring server;
editing this copy changes nothing except your own understanding.
"""

import jax, jax.numpy as jnp
import numpy as np

K = 8
SIGMA = 1.0
N = 4096
D_IN = 256
D_LAT = 64


def setup_inputs(seed: int = 0) -> dict:
    key = jax.random.key(seed)
    k1, k2 = jax.random.split(key)
    X = jax.random.normal(k1, (N, D_IN), dtype=jnp.float32)
    Z = jax.random.normal(k2, (N, D_LAT), dtype=jnp.float32)
    return {"X": X, "Z": Z}


def _pairwise_sqdist(A):
    # ||a_i - a_j||^2 via the expansion identity (mathematically identical to
    # summing elementwise squared differences), clamped at 0 for fp safety.
    a2 = jnp.sum(A * A, axis=1)
    d2 = a2[:, None] + a2[None, :] - 2.0 * (A @ A.T)
    return jnp.maximum(d2, 0.0)


def _safe_sqrt(d2):
    # sqrt with a zero-safe gradient (diagonal of the distance matrix is 0).
    pos = d2 > 0
    return jnp.where(pos, jnp.sqrt(jnp.where(pos, d2, 1.0)), 0.0)


def reference(X, Z):
    n = X.shape[0]
    # D = torch.cdist(X, X, p=2)
    D = _safe_sqrt(_pairwise_sqdist(X))
    # knn = torch.topk(D, k+1, largest=False).indices ; drop self column
    _, knn = jax.lax.top_k(-D, K + 1)
    neighbors = knn[:, 1:]
    # Build symmetric sparse weight matrix W (same values as the torch loop;
    # duplicate symmetric writes assign identical values, so .set is faithful)
    rows = jnp.repeat(jnp.arange(n), K)
    cols = neighbors.reshape(-1)
    d_sel = D[rows, cols]
    w = jnp.exp(-(d_sel ** 2) / (SIGMA ** 2))
    W = jnp.zeros((n, n), dtype=X.dtype)
    W = W.at[rows, cols].set(w)
    W = W.at[cols, rows].set(w)
    # sqdist[i,j] = ||z_i - z_j||^2
    sqdist = _pairwise_sqdist(Z)
    return jnp.sum(W * sqdist) / (n * K)

if __name__ == "__main__":
    import jax
    _d = setup_inputs()
    print(jax.jit(kernel)(*tuple(_d.values())))

</pallas_src>

<mosaic_0001>
#map = affine_map<(d0, d1) -> (0)>
#map1 = affine_map<(d0, d1) -> (0, 0)>
module attributes {stable_mosaic.version = 14 : i64} {
  func.func @launch(%arg0: i32, %arg1: i32, %arg2: memref<65536xi32, #tpu.memory_space<hbm>>, %arg3: memref<65536xf32, #tpu.memory_space<hbm>>, %arg4: memref<4096x64xf32, #tpu.memory_space<hbm>>, %arg5: memref<32x16xf32, #tpu.memory_space<hbm>>, %arg6: memref<65536xi32, #tpu.memory_space<vmem>>, %arg7: memref<2048xf32, #tpu.memory_space<vmem>>, %arg8: memref<128x64xf32, #tpu.memory_space<vmem>>, %arg9: memref<128xi32, #tpu.memory_space<vmem>>, %arg10: memref<128x64xf32, #tpu.memory_space<vmem>>, %arg11: memref<128xf32, #tpu.memory_space<vmem>>, %arg12: memref<16xf32, #tpu.memory_space<vmem>>, %arg13: memref<!tpu.dma_semaphore, #tpu.memory_space<semaphore_mem>>) attributes {dimension_semantics = [#tpu.dimension_semantics<core_parallel>, #tpu.dimension_semantics<subcore_parallel>], iteration_bounds = array<i64: 2, 16>, scalar_prefetch = 0 : i64, scratch_operands = 8 : i64, tpu.core_type = #tpu.core_type<sc_vector_subcore>, window_params = [{transform_indices = #map}, {transform_indices = #map}, {transform_indices = #map1}, {transform_indices = #map1}]} {
    %mul3A = arith.constant 2 : i32
    %mul3A_0 = arith.muli %arg1, %mul3A : i32
    %add3A = arith.addi %mul3A_0, %arg0 : i32
    %mul3A_1 = arith.constant 128 : i32
    %mul3A_2 = arith.muli %add3A, %mul3A_1 : i32
    "tpu.region"() ({
      %run_scoped3A = tpu.sem_alloc : memref<!tpu.dma_semaphore, #tpu.memory_space<semaphore_mem>>
      tpu.enqueue_dma source(%arg2 : memref<65536xi32, #tpu.memory_space<hbm>>) target(%arg6 : memref<65536xi32, #tpu.memory_space<vmem>>) target_semaphore(%run_scoped3A : memref<!tpu.dma_semaphore, #tpu.memory_space<semaphore_mem>>)
      tpu.wait_dma2 semaphore(%run_scoped3A : memref<!tpu.dma_semaphore, #tpu.memory_space<semaphore_mem>>) src(%arg2 : memref<65536xi32, #tpu.memory_space<hbm>>) dst(%arg6 : memref<65536xi32, #tpu.memory_space<vmem>>)
      tpu.yield
    }) : () -> ()
    %mul3A_3 = arith.constant 16 : i32
    %mul3A_4 = arith.muli %mul3A_2, %mul3A_3 : i32
    "tpu.region"() ({
      %run_scoped3A = tpu.sem_alloc : memref<!tpu.dma_semaphore, #tpu.memory_space<semaphore_mem>>
      %dma_start3A = tpu.memref_slice %arg3[%mul3A_4] : memref<65536xf32, #tpu.memory_space<hbm>> -> memref<2048xf32, #tpu.memory_space<hbm>>
      %dma_start3A_12 = tpu.memref_slice %arg3[%mul3A_4] : memref<65536xf32, #tpu.memory_space<hbm>> -> memref<2048xf32, #tpu.memory_space<hbm>>
      tpu.enqueue_dma source(%dma_start3A_12 : memref<2048xf32, #tpu.memory_space<hbm>>) target(%arg7 : memref<2048xf32, #tpu.memory_space<vmem>>) target_semaphore(%run_scoped3A : memref<!tpu.dma_semaphore, #tpu.memory_space<semaphore_mem>>)
      %dma_wait3A = tpu.memref_slice %arg3[%mul3A_4] : memref<65536xf32, #tpu.memory_space<hbm>> -> memref<2048xf32, #tpu.memory_space<hbm>>
      %dma_wait3A_13 = tpu.memref_slice %arg3[%mul3A_4] : memref<65536xf32, #tpu.memory_space<hbm>> -> memref<2048xf32, #tpu.memory_space<hbm>>
      tpu.wait_dma2 semaphore(%run_scoped3A : memref<!tpu.dma_semaphore, #tpu.memory_space<semaphore_mem>>) src(%dma_wait3A_13 : memref<2048xf32, #tpu.memory_space<hbm>>) dst(%arg7 : memref<2048xf32, #tpu.memory_space<vmem>>)
      tpu.yield
    }) : () -> ()
    "tpu.region"() ({
      %run_scoped3A = tpu.sem_alloc : memref<!tpu.dma_semaphore, #tpu.memory_space<semaphore_mem>>
      %dma_start3A = arith.constant 0 : i32
      %dma_start3A_12 = tpu.memref_slice %arg4[%mul3A_2, %dma_start3A] : memref<4096x64xf32, #tpu.memory_space<hbm>> -> memref<128x64xf32, #tpu.memory_space<hbm>>
      %dma_start3A_13 = arith.constant 0 : i32
      %dma_start3A_14 = tpu.memref_slice %arg4[%mul3A_2, %dma_start3A_13] : memref<4096x64xf32, #tpu.memory_space<hbm>> -> memref<128x64xf32, #tpu.memory_space<hbm>>
      tpu.enqueue_dma source(%dma_start3A_14 : memref<128x64xf32, #tpu.memory_space<hbm>>) target(%arg8 : memref<128x64xf32, #tpu.memory_space<vmem>>) target_semaphore(%run_scoped3A : memref<!tpu.dma_semaphore, #tpu.memory_space<semaphore_mem>>)
      %dma_wait3A = arith.constant 0 : i32
      %dma_wait3A_15 = tpu.memref_slice %arg4[%mul3A_2, %dma_wait3A] : memref<4096x64xf32, #tpu.memory_space<hbm>> -> memref<128x64xf32, #tpu.memory_space<hbm>>
      %dma_wait3A_16 = arith.constant 0 : i32
      %dma_wait3A_17 = tpu.memref_slice %arg4[%mul3A_2, %dma_wait3A_16] : memref<4096x64xf32, #tpu.memory_space<hbm>> -> memref<128x64xf32, #tpu.memory_space<hbm>>
      tpu.wait_dma2 semaphore(%run_scoped3A : memref<!tpu.dma_semaphore, #tpu.memory_space<semaphore_mem>>) src(%dma_wait3A_17 : memref<128x64xf32, #tpu.memory_space<hbm>>) dst(%arg8 : memref<128x64xf32, #tpu.memory_space<vmem>>)
      tpu.yield
    }) : () -> ()
    %iota3A = tpu.iota {dimensions = array<i32: 0>} : vector<16xi32>
    %broadcast_in_dim3A = arith.constant 0.000000e+00 : f32
    %broadcast_in_dim3A_5 = vector.broadcast %broadcast_in_dim3A : f32 to vector<16xf32>
    %scan3A = arith.constant 0 : i32
    %scan3A_6 = arith.constant 8 : i32
    %scan3A_7 = arith.addi %scan3A, %scan3A_6 : i32
    %scan3A_8 = arith.constant 1 : i32
    %scan3A_9 = scf.for %scan3A_12 = %scan3A to %scan3A_7 step %scan3A_8 iter_args(%scan3A_13 = %broadcast_in_dim3A_5) -> (vector<16xf32>)  : i32 {
      %mul3A_14 = arith.constant 128 : i32
      %mul3A_15 = arith.muli %scan3A_12, %mul3A_14 : i32
      %add3A_16 = arith.constant 0 : i32
      %add3A_17 = arith.addi %mul3A_15, %add3A_16 : i32
      %add3A_18 = vector.broadcast %add3A_17 : i32 to vector<16xi32>
      %add3A_19 = arith.addi %add3A_18, %iota3A : vector<16xi32>
      %shift_right_logical3A = arith.constant 3 : i32
      %shift_right_logical3A_20 = vector.broadcast %shift_right_logical3A : i32 to vector<16xi32>
      %shift_right_logical3A_21 = arith.shrui %add3A_19, %shift_right_logical3A_20 : vector<16xi32>
      %and3A = arith.constant 7 : i32
      %and3A_22 = vector.broadcast %and3A : i32 to vector<16xi32>
      %and3A_23 = arith.andi %add3A_19, %and3A_22 : vector<16xi32>
      %add3A_24 = arith.constant 1 : i32
      %add3A_25 = vector.broadcast %add3A_24 : i32 to vector<16xi32>
      %add3A_26 = arith.addi %add3A_25, %and3A_23 : vector<16xi32>
      %add3A_27 = vector.broadcast %mul3A_2 : i32 to vector<16xi32>
      %add3A_28 = arith.addi %shift_right_logical3A_21, %add3A_27 : vector<16xi32>
      %mul3A_29 = arith.constant 16 : i32
      %mul3A_30 = vector.broadcast %mul3A_29 : i32 to vector<16xi32>
      %mul3A_31 = arith.muli %add3A_28, %mul3A_30 : vector<16xi32>
      %add3A_32 = arith.addi %mul3A_31, %add3A_26 : vector<16xi32>
      %gather3A = tpu.vector_load_idx %arg6[%add3A_32] : memref<65536xi32, #tpu.memory_space<vmem>>[vector<16xi32>], vector<16xi32>,
      %mul3A_33 = arith.constant 16 : i32
      %mul3A_34 = vector.broadcast %mul3A_33 : i32 to vector<16xi32>
      %mul3A_35 = arith.muli %shift_right_logical3A_21, %mul3A_34 : vector<16xi32>
      %add3A_36 = arith.addi %mul3A_35, %add3A_26 : vector<16xi32>
      %gather3A_37 = tpu.vector_load_idx %arg7[%add3A_36] : memref<2048xf32, #tpu.memory_space<vmem>>[vector<16xi32>], vector<16xf32>,
      %neg3A = arith.constant 0.000000e+00 : f32
      %neg3A_38 = vector.broadcast %neg3A : f32 to vector<16xf32>
      %neg3A_39 = arith.subf %neg3A_38, %gather3A_37 : vector<16xf32>
      %exp3A = math.exp %neg3A_39 : vector<16xf32>
      %broadcast_in_dim3A_40 = arith.constant 0 : i32
      %broadcast_in_dim3A_41 = vector.broadcast %broadcast_in_dim3A_40 : i32 to vector<16xi32>
      %mul3A_42 = arith.constant 16 : i32
      %mul3A_43 = vector.broadcast %mul3A_42 : i32 to vector<16xi32>
      %mul3A_44 = arith.muli %gather3A, %mul3A_43 : vector<16xi32>
      %add3A_45 = arith.constant 1 : i32
      %add3A_46 = vector.broadcast %add3A_45 : i32 to vector<16xi32>
      %add3A_47 = arith.addi %mul3A_44, %add3A_46 : vector<16xi32>
      %gather3A_48 = tpu.vector_load_idx %arg6[%add3A_47] : memref<65536xi32, #tpu.memory_space<vmem>>[vector<16xi32>], vector<16xi32>,
      %eq3A = arith.cmpi eq, %gather3A_48, %add3A_28 : vector<16xi32>
      %jit3A = arith.constant 1 : i32
      %broadcast_in_dim3A_49 = vector.broadcast %jit3A : i32 to vector<16xi32>
      %select_n3A = arith.select %eq3A, %broadcast_in_dim3A_49, %broadcast_in_dim3A_41 : vector<16xi1>, vector<16xi32>
      %mul3A_50 = arith.constant 16 : i32
      %mul3A_51 = vector.broadcast %mul3A_50 : i32 to vector<16xi32>
      %mul3A_52 = arith.muli %gather3A, %mul3A_51 : vector<16xi32>
      %add3A_53 = arith.constant 2 : i32
      %add3A_54 = vector.broadcast %add3A_53 : i32 to vector<16xi32>
      %add3A_55 = arith.addi %mul3A_52, %add3A_54 : vector<16xi32>
      %gather3A_56 = tpu.vector_load_idx %arg6[%add3A_55] : memref<65536xi32, #tpu.memory_space<vmem>>[vector<16xi32>], vector<16xi32>,
      %eq3A_57 = arith.cmpi eq, %gather3A_56, %add3A_28 : vector<16xi32>
      %jit3A_58 = arith.constant 1 : i32
      %broadcast_in_dim3A_59 = vector.broadcast %jit3A_58 : i32 to vector<16xi32>
      %select_n3A_60 = arith.select %eq3A_57, %broadcast_in_dim3A_59, %select_n3A : vector<16xi1>, vector<16xi32>
      %mul3A_61 = arith.constant 16 : i32
      %mul3A_62 = vector.broadcast %mul3A_61 : i32 to vector<16xi32>
      %mul3A_63 = arith.muli %gather3A, %mul3A_62 : vector<16xi32>
      %add3A_64 = arith.constant 3 : i32
      %add3A_65 = vector.broadcast %add3A_64 : i32 to vector<16xi32>
      %add3A_66 = arith.addi %mul3A_63, %add3A_65 : vector<16xi32>
      %gather3A_67 = tpu.vector_load_idx %arg6[%add3A_66] : memref<65536xi32, #tpu.memory_space<vmem>>[vector<16xi32>], vector<16xi32>,
      %eq3A_68 = arith.cmpi eq, %gather3A_67, %add3A_28 : vector<16xi32>
      %jit3A_69 = arith.constant 1 : i32
      %broadcast_in_dim3A_70 = vector.broadcast %jit3A_69 : i32 to vector<16xi32>
      %select_n3A_71 = arith.select %eq3A_68, %broadcast_in_dim3A_70, %select_n3A_60 : vector<16xi1>, vector<16xi32>
      %mul3A_72 = arith.constant 16 : i32
      %mul3A_73 = vector.broadcast %mul3A_72 : i32 to vector<16xi32>
      %mul3A_74 = arith.muli %gather3A, %mul3A_73 : vector<16xi32>
      %add3A_75 = arith.constant 4 : i32
      %add3A_76 = vector.broadcast %add3A_75 : i32 to vector<16xi32>
      %add3A_77 = arith.addi %mul3A_74, %add3A_76 : vector<16xi32>
      %gather3A_78 = tpu.vector_load_idx %arg6[%add3A_77] : memref<65536xi32, #tpu.memory_space<vmem>>[vector<16xi32>], vector<16xi32>,
      %eq3A_79 = arith.cmpi eq, %gather3A_78, %add3A_28 : vector<16xi32>
      %jit3A_80 = arith.constant 1 : i32
      %broadcast_in_dim3A_81 = vector.broadcast %jit3A_80 : i32 to vector<16xi32>
      %select_n3A_82 = arith.select %eq3A_79, %broadcast_in_dim3A_81, %select_n3A_71 : vector<16xi1>, vector<16xi32>
      %mul3A_83 = arith.constant 16 : i32
      %mul3A_84 = vector.broadcast %mul3A_83 : i32 to vector<16xi32>
      %mul3A_85 = arith.muli %gather3A, %mul3A_84 : vector<16xi32>
      %add3A_86 = arith.constant 5 : i32
      %add3A_87 = vector.broadcast %add3A_86 : i32 to vector<16xi32>
      %add3A_88 = arith.addi %mul3A_85, %add3A_87 : vector<16xi32>
      %gather3A_89 = tpu.vector_load_idx %arg6[%add3A_88] : memref<65536xi32, #tpu.memory_space<vmem>>[vector<16xi32>], vector<16xi32>,
      %eq3A_90 = arith.cmpi eq, %gather3A_89, %add3A_28 : vector<16xi32>
      %jit3A_91 = arith.constant 1 : i32
      %broadcast_in_dim3A_92 = vector.broadcast %jit3A_91 : i32 to vector<16xi32>
      %select_n3A_93 = arith.select %eq3A_90, %broadcast_in_dim3A_92, %select_n3A_82 : vector<16xi1>, vector<16xi32>
      %mul3A_94 = arith.constant 16 : i32
      %mul3A_95 = vector.broadcast %mul3A_94 : i32 to vector<16xi32>
      %mul3A_96 = arith.muli %gather3A, %mul3A_95 : vector<16xi32>
      %add3A_97 = arith.constant 6 : i32
      %add3A_98 = vector.broadcast %add3A_97 : i32 to vector<16xi32>
      %add3A_99 = arith.addi %mul3A_96, %add3A_98 : vector<16xi32>
      %gather3A_100 = tpu.vector_load_idx %arg6[%add3A_99] : memref<65536xi32, #tpu.memory_space<vmem>>[vector<16xi32>], vector<16xi32>,
      %eq3A_101 = arith.cmpi eq, %gather3A_100, %add3A_28 : vector<16xi32>
      %jit3A_102 = arith.constant 1 : i32
      %broadcast_in_dim3A_103 = vector.broadcast %jit3A_102 : i32 to vector<16xi32>
      %select_n3A_104 = arith.select %eq3A_101, %broadcast_in_dim3A_103, %select_n3A_93 : vector<16xi1>, vector<16xi32>
      %mul3A_105 = arith.constant 16 : i32
      %mul3A_106 = vector.broadcast %mul3A_105 : i32 to vector<16xi32>
      %mul3A_107 = arith.muli %gather3A, %mul3A_106 : vector<16xi32>
      %add3A_108 = arith.constant 7 : i32
      %add3A_109 = vector.broadcast %add3A_108 : i32 to vector<16xi32>
      %add3A_110 = arith.addi %mul3A_107, %add3A_109 : vector<16xi32>
      %gather3A_111 = tpu.vector_load_idx %arg6[%add3A_110] : memref<65536xi32, #tpu.memory_space<vmem>>[vector<16xi32>], vector<16xi32>,
      %eq3A_112 = arith.cmpi eq, %gather3A_111, %add3A_28 : vector<16xi32>
      %jit3A_113 = arith.constant 1 : i32
      %broadcast_in_dim3A_114 = vector.broadcast %jit3A_113 : i32 to vector<16xi32>
      %select_n3A_115 = arith.select %eq3A_112, %broadcast_in_dim3A_114, %select_n3A_104 : vector<16xi1>, vector<16xi32>
      %mul3A_116 = arith.constant 16 : i32
      %mul3A_117 = vector.broadcast %mul3A_116 : i32 to vector<16xi32>
      %mul3A_118 = arith.muli %gather3A, %mul3A_117 : vector<16xi32>
      %add3A_119 = arith.constant 8 : i32
      %add3A_120 = vector.broadcast %add3A_119 : i32 to vector<16xi32>
      %add3A_121 = arith.addi %mul3A_118, %add3A_120 : vector<16xi32>
      %gather3A_122 = tpu.vector_load_idx %arg6[%add3A_121] : memref<65536xi32, #tpu.memory_space<vmem>>[vector<16xi32>], vector<16xi32>,
      %eq3A_123 = arith.cmpi eq, %gather3A_122, %add3A_28 : vector<16xi32>
      %jit3A_124 = arith.constant 1 : i32
      %broadcast_in_dim3A_125 = vector.broadcast %jit3A_124 : i32 to vector<16xi32>
      %select_n3A_126 = arith.select %eq3A_123, %broadcast_in_dim3A_125, %select_n3A_115 : vector<16xi1>, vector<16xi32>
      %swap3A_127 = arith.constant 0 : index
      %swap3A_128 = tpu.vector_load %arg9[%swap3A_127] {strides = array<i32>} : memref<128xi32, #tpu.memory_space<vmem>>, vector<16xi32>,
      tpu.vector_store %arg9[%swap3A_127], %gather3A {strides = array<i32>} : memref<128xi32, #tpu.memory_space<vmem>>, vector<16xi32>,
      %convert_element_type3A = arith.sitofp %select_n3A_126 : vector<16xi32> to vector<16xf32>
      %sub3A = arith.constant 2.000000e+00 : f32
      %sub3A_129 = vector.broadcast %sub3A : f32 to vector<16xf32>
      %sub3A_130 = arith.subf %sub3A_129, %convert_element_type3A : vector<16xf32>
      %mul3A_131 = arith.mulf %exp3A, %sub3A_130 : vector<16xf32>
      %swap3A_132 = arith.constant 0 : index
      %swap3A_133 = tpu.vector_load %arg11[%swap3A_132] {strides = array<i32>} : memref<128xf32, #tpu.memory_space<vmem>>, vector<16xf32>,
      tpu.vector_store %arg11[%swap3A_132], %mul3A_131 {strides = array<i32>} : memref<128xf32, #tpu.memory_space<vmem>>, vector<16xf32>,
      %add3A_134 = arith.constant 16 : i32
      %add3A_135 = arith.addi %mul3A_15, %add3A_134 : i32
      %add3A_136 = vector.broadcast %add3A_135 : i32 to vector<16xi32>
      %add3A_137 = arith.addi %add3A_136, %iota3A : vector<16xi32>
      %shift_right_logical3A_138 = arith.constant 3 : i32
      %shift_right_logical3A_139 = vector.broadcast %shift_right_logical3A_138 : i32 to vector<16xi32>
      %shift_right_logical3A_140 = arith.shrui %add3A_137, %shift_right_logical3A_139 : vector<16xi32>
      %and3A_141 = arith.constant 7 : i32
      %and3A_142 = vector.broadcast %and3A_141 : i32 to vector<16xi32>
      %and3A_143 = arith.andi %add3A_137, %and3A_142 : vector<16xi32>
      %add3A_144 = arith.constant 1 : i32
      %add3A_145 = vector.broadcast %add3A_144 : i32 to vector<16xi32>
      %add3A_146 = arith.addi %add3A_145, %and3A_143 : vector<16xi32>
      %add3A_147 = vector.broadcast %mul3A_2 : i32 to vector<16xi32>
      %add3A_148 = arith.addi %shift_right_logical3A_140, %add3A_147 : vector<16xi32>
      %mul3A_149 = arith.constant 16 : i32
      %mul3A_150 = vector.broadcast %mul3A_149 : i32 to vector<16xi32>
      %mul3A_151 = arith.muli %add3A_148, %mul3A_150 : vector<16xi32>
      %add3A_152 = arith.addi %mul3A_151, %add3A_146 : vector<16xi32>
      %gather3A_153 = tpu.vector_load_idx %arg6[%add3A_152] : memref<65536xi32, #tpu.memory_space<vmem>>[vector<16xi32>], vector<16xi32>,
      %mul3A_154 = arith.constant 16 : i32
      %mul3A_155 = vector.broadcast %mul3A_154 : i32 to vector<16xi32>
      %mul3A_156 = arith.muli %shift_right_logical3A_140, %mul3A_155 : vector<16xi32>
      %add3A_157 = arith.addi %mul3A_156, %add3A_146 : vector<16xi32>
      %gather3A_158 = tpu.vector_load_idx %arg7[%add3A_157] : memref<2048xf32, #tpu.memory_space<vmem>>[vector<16xi32>], vector<16xf32>,
      %neg3A_159 = arith.constant 0.000000e+00 : f32
      %neg3A_160 = vector.broadcast %neg3A_159 : f32 to vector<16xf32>
      %neg3A_161 = arith.subf %neg3A_160, %gather3A_158 : vector<16xf32>
      %exp3A_162 = math.exp %neg3A_161 : vector<16xf32>
      %broadcast_in_dim3A_163 = arith.constant 0 : i32
      %broadcast_in_dim3A_164 = vector.broadcast %broadcast_in_dim3A_163 : i32 to vector<16xi32>
      %mul3A_165 = arith.constant 16 : i32
      %mul3A_166 = vector.broadcast %mul3A_165 : i32 to vector<16xi32>
      %mul3A_167 = arith.muli %gather3A_153, %mul3A_166 : vector<16xi32>
      %add3A_168 = arith.constant 1 : i32
      %add3A_169 = vector.broadcast %add3A_168 : i32 to vector<16xi32>
      %add3A_170 = arith.addi %mul3A_167, %add3A_169 : vector<16xi32>
      %gather3A_171 = tpu.vector_load_idx %arg6[%add3A_170] : memref<65536xi32, #tpu.memory_space<vmem>>[vector<16xi32>], vector<16xi32>,
      %eq3A_172 = arith.cmpi eq, %gather3A_171, %add3A_148 : vector<16xi32>
      %jit3A_173 = arith.constant 1 : i32
      %broadcast_in_dim3A_174 = vector.broadcast %jit3A_173 : i32 to vector<16xi32>
      %select_n3A_175 = arith.select %eq3A_172, %broadcast_in_dim3A_174, %broadcast_in_dim3A_164 : vector<16xi1>, vector<16xi32>
      %mul3A_176 = arith.constant 16 : i32
      %mul3A_177 = vector.broadcast %mul3A_176 : i32 to vector<16xi32>
      %mul3A_178 = arith.muli %gather3A_153, %mul3A_177 : vector<16xi32>
      %add3A_179 = arith.constant 2 : i32
      %add3A_180 = vector.broadcast %add3A_179 : i32 to vector<16xi32>
      %add3A_181 = arith.addi %mul3A_178, %add3A_180 : vector<16xi32>
      %gather3A_182 = tpu.vector_load_idx %arg6[%add3A_181] : memref<65536xi32, #tpu.memory_space<vmem>>[vector<16xi32>], vector<16xi32>,
      %eq3A_183 = arith.cmpi eq, %gather3A_182, %add3A_148 : vector<16xi32>
      %jit3A_184 = arith.constant 1 : i32
      %broadcast_in_dim3A_185 = vector.broadcast %jit3A_184 : i32 to vector<16xi32>
      %select_n3A_186 = arith.select %eq3A_183, %broadcast_in_dim3A_185, %select_n3A_175 : vector<16xi1>, vector<16xi32>
      %mul3A_187 = arith.constant 16 : i32
      %mul3A_188 = vector.broadcast %mul3A_187 : i32 to vector<16xi32>
      %mul3A_189 = arith.muli %gather3A_153, %mul3A_188 : vector<16xi32>
      %add3A_190 = arith.constant 3 : i32
      %add3A_191 = vector.broadcast %add3A_190 : i32 to vector<16xi32>
      %add3A_192 = arith.addi %mul3A_189, %add3A_191 : vector<16xi32>
      %gather3A_193 = tpu.vector_load_idx %arg6[%add3A_192] : memref<65536xi32, #tpu.memory_space<vmem>>[vector<16xi32>], vector<16xi32>,
      %eq3A_194 = arith.cmpi eq, %gather3A_193, %add3A_148 : vector<16xi32>
      %jit3A_195 = arith.constant 1 : i32
      %broadcast_in_dim3A_196 = vector.broadcast %jit3A_195 : i32 to vector<16xi32>
      %select_n3A_197 = arith.select %eq3A_194, %broadcast_in_dim3A_196, %select_n3A_186 : vector<16xi1>, vector<16xi32>
      %mul3A_198 = arith.constant 16 : i32
      %mul3A_199 = vector.broadcast %mul3A_198 : i32 to vector<16xi32>
      %mul3A_200 = arith.muli %gather3A_153, %mul3A_199 : vector<16xi32>
      %add3A_201 = arith.constant 4 : i32
      %add3A_202 = vector.broadcast %add3A_201 : i32 to vector<16xi32>
      %add3A_203 = arith.addi %mul3A_200, %add3A_202 : vector<16xi32>
      %gather3A_204 = tpu.vector_load_idx %arg6[%add3A_203] : memref<65536xi32, #tpu.memory_space<vmem>>[vector<16xi32>], vector<16xi32>,
      %eq3A_205 = arith.cmpi eq, %gather3A_204, %add3A_148 : vector<16xi32>
      %jit3A_206 = arith.constant 1 : i32
      %broadcast_in_dim3A_207 = vector.broadcast %jit3A_206 : i32 to vector<16xi32>
      %select_n3A_208 = arith.select %eq3A_205, %broadcast_in_dim3A_207, %select_n3A_197 : vector<16xi1>, vector<16xi32>
      %mul3A_209 = arith.constant 16 : i32
      %mul3A_210 = vector.broadcast %mul3A_209 : i32 to vector<16xi32>
      %mul3A_211 = arith.muli %gather3A_153, %mul3A_210 : vector<16xi32>
      %add3A_212 = arith.constant 5 : i32
      %add3A_213 = vector.broadcast %add3A_212 : i32 to vector<16xi32>
      %add3A_214 = arith.addi %mul3A_211, %add3A_213 : vector<16xi32>
      %gather3A_215 = tpu.vector_load_idx %arg6[%add3A_214] : memref<65536xi32, #tpu.memory_space<vmem>>[vector<16xi32>], vector<16xi32>,
      %eq3A_216 = arith.cmpi eq, %gather3A_215, %add3A_148 : vector<16xi32>
      %jit3A_217 = arith.constant 1 : i32
      %broadcast_in_dim3A_218 = vector.broadcast %jit3A_217 : i32 to vector<16xi32>
      %select_n3A_219 = arith.select %eq3A_216, %broadcast_in_dim3A_218, %select_n3A_208 : vector<16xi1>, vector<16xi32>
      %mul3A_220 = arith.constant 16 : i32
      %mul3A_221 = vector.broadcast %mul3A_220 : i32 to vector<16xi32>
      %mul3A_222 = arith.muli %gather3A_153, %mul3A_221 : vector<16xi32>
      %add3A_223 = arith.constant 6 : i32
      %add3A_224 = vector.broadcast %add3A_223 : i32 to vector<16xi32>
      %add3A_225 = arith.addi %mul3A_222, %add3A_224 : vector<16xi32>
      %gather3A_226 = tpu.vector_load_idx %arg6[%add3A_225] : memref<65536xi32, #tpu.memory_space<vmem>>[vector<16xi32>], vector<16xi32>,
      %eq3A_227 = arith.cmpi eq, %gather3A_226, %add3A_148 : vector<16xi32>
      %jit3A_228 = arith.constant 1 : i32
      %broadcast_in_dim3A_229 = vector.broadcast %jit3A_228 : i32 to vector<16xi32>
      %select_n3A_230 = arith.select %eq3A_227, %broadcast_in_dim3A_229, %select_n3A_219 : vector<16xi1>, vector<16xi32>
      %mul3A_231 = arith.constant 16 : i32
      %mul3A_232 = vector.broadcast %mul3A_231 : i32 to vector<16xi32>
      %mul3A_233 = arith.muli %gather3A_153, %mul3A_232 : vector<16xi32>
      %add3A_234 = arith.constant 7 : i32
      %add3A_235 = vector.broadcast %add3A_234 : i32 to vector<16xi32>
      %add3A_236 = arith.addi %mul3A_233, %add3A_235 : vector<16xi32>
      %gather3A_237 = tpu.vector_load_idx %arg6[%add3A_236] : memref<65536xi32, #tpu.memory_space<vmem>>[vector<16xi32>], vector<16xi32>,
      %eq3A_238 = arith.cmpi eq, %gather3A_237, %add3A_148 : vector<16xi32>
      %jit3A_239 = arith.constant 1 : i32
      %broadcast_in_dim3A_240 = vector.broadcast %jit3A_239 : i32 to vector<16xi32>
      %select_n3A_241 = arith.select %eq3A_238, %broadcast_in_dim3A_240, %select_n3A_230 : vector<16xi1>, vector<16xi32>
      %mul3A_242 = arith.constant 16 : i32
      %mul3A_243 = vector.broadcast %mul3A_242 : i32 to vector<16xi32>
      %mul3A_244 = arith.muli %gather3A_153, %mul3A_243 : vector<16xi32>
      %add3A_245 = arith.constant 8 : i32
      %add3A_246 = vector.broadcast %add3A_245 : i32 to vector<16xi32>
      %add3A_247 = arith.addi %mul3A_244, %add3A_246 : vector<16xi32>
      %gather3A_248 = tpu.vector_load_idx %arg6[%add3A_247] : memref<65536xi32, #tpu.memory_space<vmem>>[vector<16xi32>], vector<16xi32>,
      %eq3A_249 = arith.cmpi eq, %gather3A_248, %add3A_148 : vector<16xi32>
      %jit3A_250 = arith.constant 1 : i32
      %broadcast_in_dim3A_251 = vector.broadcast %jit3A_250 : i32 to vector<16xi32>
      %select_n3A_252 = arith.select %eq3A_249, %broadcast_in_dim3A_251, %select_n3A_241 : vector<16xi1>, vector<16xi32>
      %swap3A_253 = arith.constant 16 : index
      %swap3A_254 = tpu.vector_load %arg9[%swap3A_253] {strides = array<i32>} : memref<128xi32, #tpu.memory_space<vmem>>, vector<16xi32>,
      tpu.vector_store %arg9[%swap3A_253], %gather3A_153 {strides = array<i32>} : memref<128xi32, #tpu.memory_space<vmem>>, vector<16xi32>,
      %convert_element_type3A_255 = arith.sitofp %select_n3A_252 : vector<16xi32> to vector<16xf32>
      %sub3A_256 = arith.constant 2.000000e+00 : f32
      %sub3A_257 = vector.broadcast %sub3A_256 : f32 to vector<16xf32>
      %sub3A_258 = arith.subf %sub3A_257, %convert_element_type3A_255 : vector<16xf32>
      %mul3A_259 = arith.mulf %exp3A_162, %sub3A_258 : vector<16xf32>
      %swap3A_260 = arith.constant 16 : index
      %swap3A_261 = tpu.vector_load %arg11[%swap3A_260] {strides = array<i32>} : memref<128xf32, #tpu.memory_space<vmem>>, vector<16xf32>,
      tpu.vector_store %arg11[%swap3A_260], %mul3A_259 {strides = array<i32>} : memref<128xf32, #tpu.memory_space<vmem>>, vector<16xf32>,
      %add3A_262 = arith.constant 32 : i32
      %add3A_263 = arith.addi %mul3A_15, %add3A_262 : i32
      %add3A_264 = vector.broadcast %add3A_263 : i32 to vector<16xi32>
      %add3A_265 = arith.addi %add3A_264, %iota3A : vector<16xi32>
      %shift_right_logical3A_266 = arith.constant 3 : i32
      %shift_right_logical3A_267 = vector.broadcast %shift_right_logical3A_266 : i32 to vector<16xi32>
      %shift_right_logical3A_268 = arith.shrui %add3A_265, %shift_right_logical3A_267 : vector<16xi32>
      %and3A_269 = arith.constant 7 : i32
      %and3A_270 = vector.broadcast %and3A_269 : i32 to vector<16xi32>
      %and3A_271 = arith.andi %add3A_265, %and3A_270 : vector<16xi32>
      %add3A_272 = arith.constant 1 : i32
      %add3A_273 = vector.broadcast %add3A_272 : i32 to vector<16xi32>
      %add3A_274 = arith.addi %add3A_273, %and3A_271 : vector<16xi32>
      %add3A_275 = vector.broadcast %mul3A_2 : i32 to vector<16xi32>
      %add3A_276 = arith.addi %shift_right_logical3A_268, %add3A_275 : vector<16xi32>
      %mul3A_277 = arith.constant 16 : i32
      %mul3A_278 = vector.broadcast %mul3A_277 : i32 to vector<16xi32>
      %mul3A_279 = arith.muli %add3A_276, %mul3A_278 : vector<16xi32>
      %add3A_280 = arith.addi %mul3A_279, %add3A_274 : vector<16xi32>
      %gather3A_281 = tpu.vector_load_idx %arg6[%add3A_280] : memref<65536xi32, #tpu.memory_space<vmem>>[vector<16xi32>], vector<16xi32>,
      %mul3A_282 = arith.constant 16 : i32
      %mul3A_283 = vector.broadcast %mul3A_282 : i32 to vector<16xi32>
      %mul3A_284 = arith.muli %shift_right_logical3A_268, %mul3A_283 : vector<16xi32>
      %add3A_285 = arith.addi %mul3A_284, %add3A_274 : vector<16xi32>
      %gather3A_286 = tpu.vector_load_idx %arg7[%add3A_285] : memref<2048xf32, #tpu.memory_space<vmem>>[vector<16xi32>], vector<16xf32>,
      %neg3A_287 = arith.constant 0.000000e+00 : f32
      %neg3A_288 = vector.broadcast %neg3A_287 : f32 to vector<16xf32>
      %neg3A_289 = arith.subf %neg3A_288, %gather3A_286 : vector<16xf32>
      %exp3A_290 = math.exp %neg3A_289 : vector<16xf32>
      %broadcast_in_dim3A_291 = arith.constant 0 : i32
      %broadcast_in_dim3A_292 = vector.broadcast %broadcast_in_dim3A_291 : i32 to vector<16xi32>
      %mul3A_293 = arith.constant 16 : i32
      %mul3A_294 = vector.broadcast %mul3A_293 : i32 to vector<16xi32>
      %mul3A_295 = arith.muli %gather3A_281, %mul3A_294 : vector<16xi32>
      %add3A_296 = arith.constant 1 : i32
      %add3A_297 = vector.broadcast %add3A_296 : i32 to vector<16xi32>
      %add3A_298 = arith.addi %mul3A_295, %add3A_297 : vector<16xi32>
      %gather3A_299 = tpu.vector_load_idx %arg6[%add3A_298] : memref<65536xi32, #tpu.memory_space<vmem>>[vector<16xi32>], vector<16xi32>,
      %eq3A_300 = arith.cmpi eq, %gather3A_299, %add3A_276 : vector<16xi32>
      %jit3A_301 = arith.constant 1 : i32
      %broadcast_in_dim3A_302 = vector.broadcast %jit3A_301 : i32 to vector<16xi32>
      %select_n3A_303 = arith.select %eq3A_300, %broadcast_in_dim3A_302, %broadcast_in_dim3A_292 : vector<16xi1>, vector<16xi32>
      %mul3A_304 = arith.constant 16 : i32
      %mul3A_305 = vector.broadcast %mul3A_304 : i32 to vector<16xi32>
      %mul3A_306 = arith.muli %gather3A_281, %mul3A_305 : vector<16xi32>
      %add3A_307 = arith.constant 2 : i32
      %add3A_308 = vector.broadcast %add3A_307 : i32 to vector<16xi32>
      %add3A_309 = arith.addi %mul3A_306, %add3A_308 : vector<16xi32>
      %gather3A_310 = tpu.vector_load_idx %arg6[%add3A_309] : memref<65536xi32, #tpu.memory_space<vmem>>[vector<16xi32>], vector<16xi32>,
      %eq3A_311 = arith.cmpi eq, %gather3A_310, %add3A_276 : vector<16xi32>
      %jit3A_312 = arith.constant 1 : i32
      %broadcast_in_dim3A_313 = vector.broadcast %jit3A_312 : i32 to vector<16xi32>
      %select_n3A_314 = arith.select %eq3A_311, %broadcast_in_dim3A_313, %select_n3A_303 : vector<16xi1>, vector<16xi32>
      %mul3A_315 = arith.constant 16 : i32
      %mul3A_316 = vector.broadcast %mul3A_315 : i32 to vector<16xi32>
      %mul3A_317 = arith.muli %gather3A_281, %mul3A_316 : vector<16xi32>
      %add3A_318 = arith.constant 3 : i32
      %add3A_319 = vector.broadcast %add3A_318 : i32 to vector<16xi32>
      %add3A_320 = arith.addi %mul3A_317, %add3A_319 : vector<16xi32>
      %gather3A_321 = tpu.vector_load_idx %arg6[%add3A_320] : memref<65536xi32, #tpu.memory_space<vmem>>[vector<16xi32>], vector<16xi32>,
      %eq3A_322 = arith.cmpi eq, %gather3A_321, %add3A_276 : vector<16xi32>
      %jit3A_323 = arith.constant 1 : i32
      %broadcast_in_dim3A_324 = vector.broadcast %jit3A_323 : i32 to vector<16xi32>
      %select_n3A_325 = arith.select %eq3A_322, %broadcast_in_dim3A_324, %select_n3A_314 : vector<16xi1>, vector<16xi32>
      %mul3A_326 = arith.constant 16 : i32
      %mul3A_327 = vector.broadcast %mul3A_326 : i32 to vector<16xi32>
      %mul3A_328 = arith.muli %gather3A_281, %mul3A_327 : vector<16xi32>
      %add3A_329 = arith.constant 4 : i32
      %add3A_330 = vector.broadcast %add3A_329 : i32 to vector<16xi32>
      %add3A_331 = arith.addi %mul3A_328, %add3A_330 : vector<16xi32>
      %gather3A_332 = tpu.vector_load_idx %arg6[%add3A_331] : memref<65536xi32, #tpu.memory_space<vmem>>[vector<16xi32>], vector<16xi32>,
      %eq3A_333 = arith.cmpi eq, %gather3A_332, %add3A_276 : vector<16xi32>
      %jit3A_334 = arith.constant 1 : i32
      %broadcast_in_dim3A_335 = vector.broadcast %jit3A_334 : i32 to vector<16xi32>
      %select_n3A_336 = arith.select %eq3A_333, %broadcast_in_dim3A_335, %select_n3A_325 : vector<16xi1>, vector<16xi32>
      %mul3A_337 = arith.constant 16 : i32
      %mul3A_338 = vector.broadcast %mul3A_337 : i32 to vector<16xi32>
      %mul3A_339 = arith.muli %gather3A_281, %mul3A_338 : vector<16xi32>
      %add3A_340 = arith.constant 5 : i32
      %add3A_341 = vector.broadcast %add3A_340 : i32 to vector<16xi32>
      %add3A_342 = arith.addi %mul3A_339, %add3A_341 : vector<16xi32>
      %gather3A_343 = tpu.vector_load_idx %arg6[%add3A_342] : memref<65536xi32, #tpu.memory_space<vmem>>[vector<16xi32>], vector<16xi32>,
      %eq3A_344 = arith.cmpi eq, %gather3A_343, %add3A_276 : vector<16xi32>
      %jit3A_345 = arith.constant 1 : i32
      %broadcast_in_dim3A_346 = vector.broadcast %jit3A_345 : i32 to vector<16xi32>
      %select_n3A_347 = arith.select %eq3A_344, %broadcast_in_dim3A_346, %select_n3A_336 : vector<16xi1>, vector<16xi32>
      %mul3A_348 = arith.constant 16 : i32
      %mul3A_349 = vector.broadcast %mul3A_348 : i32 to vector<16xi32>
      %mul3A_350 = arith.muli %gather3A_281, %mul3A_349 : vector<16xi32>
      %add3A_351 = arith.constant 6 : i32
      %add3A_352 = vector.broadcast %add3A_351 : i32 to vector<16xi32>
      %add3A_353 = arith.addi %mul3A_350, %add3A_352 : vector<16xi32>
      %gather3A_354 = tpu.vector_load_idx %arg6[%add3A_353] : memref<65536xi32, #tpu.memory_space<vmem>>[vector<16xi32>], vector<16xi32>,
      %eq3A_355 = arith.cmpi eq, %gather3A_354, %add3A_276 : vector<16xi32>
      %jit3A_356 = arith.constant 1 : i32
      %broadcast_in_dim3A_357 = vector.broadcast %jit3A_356 : i32 to vector<16xi32>
      %select_n3A_358 = arith.select %eq3A_355, %broadcast_in_dim3A_357, %select_n3A_347 : vector<16xi1>, vector<16xi32>
      %mul3A_359 = arith.constant 16 : i32
      %mul3A_360 = vector.broadcast %mul3A_359 : i32 to vector<16xi32>
      %mul3A_361 = arith.muli %gather3A_281, %mul3A_360 : vector<16xi32>
      %add3A_362 = arith.constant 7 : i32
      %add3A_363 = vector.broadcast %add3A_362 : i32 to vector<16xi32>
      %add3A_364 = arith.addi %mul3A_361, %add3A_363 : vector<16xi32>
      %gather3A_365 = tpu.vector_load_idx %arg6[%add3A_364] : memref<65536xi32, #tpu.memory_space<vmem>>[vector<16xi32>], vector<16xi32>,
      %eq3A_366 = arith.cmpi eq, %gather3A_365, %add3A_276 : vector<16xi32>
      %jit3A_367 = arith.constant 1 : i32
      %broadcast_in_dim3A_368 = vector.broadcast %jit3A_367 : i32 to vector<16xi32>
      %select_n3A_369 = arith.select %eq3A_366, %broadcast_in_dim3A_368, %select_n3A_358 : vector<16xi1>, vector<16xi32>
      %mul3A_370 = arith.constant 16 : i32
      %mul3A_371 = vector.broadcast %mul3A_370 : i32 to vector<16xi32>
      %mul3A_372 = arith.muli %gather3A_281, %mul3A_371 : vector<16xi32>
      %add3A_373 = arith.constant 8 : i32
      %add3A_374 = vector.broadcast %add3A_373 : i32 to vector<16xi32>
      %add3A_375 = arith.addi %mul3A_372, %add3A_374 : vector<16xi32>
      %gather3A_376 = tpu.vector_load_idx %arg6[%add3A_375] : memref<65536xi32, #tpu.memory_space<vmem>>[vector<16xi32>], vector<16xi32>,
      %eq3A_377 = arith.cmpi eq, %gather3A_376, %add3A_276 : vector<16xi32>
      %jit3A_378 = arith.constant 1 : i32
      %broadcast_in_dim3A_379 = vector.broadcast %jit3A_378 : i32 to vector<16xi32>
      %select_n3A_380 = arith.select %eq3A_377, %broadcast_in_dim3A_379, %select_n3A_369 : vector<16xi1>, vector<16xi32>
      %swap3A_381 = arith.constant 32 : index
      %swap3A_382 = tpu.vector_load %arg9[%swap3A_381] {strides = array<i32>} : memref<128xi32, #tpu.memory_space<vmem>>, vector<16xi32>,
      tpu.vector_store %arg9[%swap3A_381], %gather3A_281 {strides = array<i32>} : memref<128xi32, #tpu.memory_space<vmem>>, vector<16xi32>,
      %convert_element_type3A_383 = arith.sitofp %select_n3A_380 : vector<16xi32> to vector<16xf32>
      %sub3A_384 = arith.constant 2.000000e+00 : f32
      %sub3A_385 = vector.broadcast %sub3A_384 : f32 to vector<16xf32>
      %sub3A_386 = arith.subf %sub3A_385, %convert_element_type3A_383 : vector<16xf32>
      %mul3A_387 = arith.mulf %exp3A_290, %sub3A_386 : vector<16xf32>
      %swap3A_388 = arith.constant 32 : index
      %swap3A_389 = tpu.vector_load %arg11[%swap3A_388] {strides = array<i32>} : memref<128xf32, #tpu.memory_space<vmem>>, vector<16xf32>,
      tpu.vector_store %arg11[%swap3A_388], %mul3A_387 {strides = array<i32>} : memref<128xf32, #tpu.memory_space<vmem>>, vector<16xf32>,
      %add3A_390 = arith.constant 48 : i32
      %add3A_391 = arith.addi %mul3A_15, %add3A_390 : i32
      %add3A_392 = vector.broadcast %add3A_391 : i32 to vector<16xi32>
      %add3A_393 = arith.addi %add3A_392, %iota3A : vector<16xi32>
      %shift_right_logical3A_394 = arith.constant 3 : i32
      %shift_right_logical3A_395 = vector.broadcast %shift_right_logical3A_394 : i32 to vector<16xi32>
      %shift_right_logical3A_396 = arith.shrui %add3A_393, %shift_right_logical3A_395 : vector<16xi32>
      %and3A_397 = arith.constant 7 : i32
      %and3A_398 = vector.broadcast %and3A_397 : i32 to vector<16xi32>
      %and3A_399 = arith.andi %add3A_393, %and3A_398 : vector<16xi32>
      %add3A_400 = arith.constant 1 : i32
      %add3A_401 = vector.broadcast %add3A_400 : i32 to vector<16xi32>
      %add3A_402 = arith.addi %add3A_401, %and3A_399 : vector<16xi32>
      %add3A_403 = vector.broadcast %mul3A_2 : i32 to vector<16xi32>
      %add3A_404 = arith.addi %shift_right_logical3A_396, %add3A_403 : vector<16xi32>
      %mul3A_405 = arith.constant 16 : i32
      %mul3A_406 = vector.broadcast %mul3A_405 : i32 to vector<16xi32>
      %mul3A_407 = arith.muli %add3A_404, %mul3A_406 : vector<16xi32>
      %add3A_408 = arith.addi %mul3A_407, %add3A_402 : vector<16xi32>
      %gather3A_409 = tpu.vector_load_idx %arg6[%add3A_408] : memref<65536xi32, #tpu.memory_space<vmem>>[vector<16xi32>], vector<16xi32>,
      %mul3A_410 = arith.constant 16 : i32
      %mul3A_411 = vector.broadcast %mul3A_410 : i32 to vector<16xi32>
      %mul3A_412 = arith.muli %shift_right_logical3A_396, %mul3A_411 : vector<16xi32>
      %add3A_413 = arith.addi %mul3A_412, %add3A_402 : vector<16xi32>
      %gather3A_414 = tpu.vector_load_idx %arg7[%add3A_413] : memref<2048xf32, #tpu.memory_space<vmem>>[vector<16xi32>], vector<16xf32>,
      %neg3A_415 = arith.constant 0.000000e+00 : f32
      %neg3A_416 = vector.broadcast %neg3A_415 : f32 to vector<16xf32>
      %neg3A_417 = arith.subf %neg3A_416, %gather3A_414 : vector<16xf32>
      %exp3A_418 = math.exp %neg3A_417 : vector<16xf32>
      %broadcast_in_dim3A_419 = arith.constant 0 : i32
      %broadcast_in_dim3A_420 = vector.broadcast %broadcast_in_dim3A_419 : i32 to vector<16xi32>
      %mul3A_421 = arith.constant 16 : i32
      %mul3A_422 = vector.broadcast %mul3A_421 : i32 to vector<16xi32>
      %mul3A_423 = arith.muli %gather3A_409, %mul3A_422 : vector<16xi32>
      %add3A_424 = arith.constant 1 : i32
      %add3A_425 = vector.broadcast %add3A_424 : i32 to vector<16xi32>
      %add3A_426 = arith.addi %mul3A_423, %add3A_425 : vector<16xi32>
      %gather3A_427 = tpu.vector_load_idx %arg6[%add3A_426] : memref<65536xi32, #tpu.memory_space<vmem>>[vector<16xi32>], vector<16xi32>,
      %eq3A_428 = arith.cmpi eq, %gather3A_427, %add3A_404 : vector<16xi32>
      %jit3A_429 = arith.constant 1 : i32
      %broadcast_in_dim3A_430 = vector.broadcast %jit3A_429 : i32 to vector<16xi32>
      %select_n3A_431 = arith.select %eq3A_428, %broadcast_in_dim3A_430, %broadcast_in_dim3A_420 : vector<16xi1>, vector<16xi32>
      %mul3A_432 = arith.constant 16 : i32
      %mul3A_433 = vector.broadcast %mul3A_432 : i32 to vector<16xi32>
      %mul3A_434 = arith.muli %gather3A_409, %mul3A_433 : vector<16xi32>
      %add3A_435 = arith.constant 2 : i32
      %add3A_436 = vector.broadcast %add3A_435 : i32 to vector<16xi32>
      %add3A_437 = arith.addi %mul3A_434, %add3A_436 : vector<16xi32>
      %gather3A_438 = tpu.vector_load_idx %arg6[%add3A_437] : memref<65536xi32, #tpu.memory_space<vmem>>[vector<16xi32>], vector<16xi32>,
      %eq3A_439 = arith.cmpi eq, %gather3A_438, %add3A_404 : vector<16xi32>
      %jit3A_440 = arith.constant 1 : i32
      %broadcast_in_dim3A_441 = vector.broadcast %jit3A_440 : i32 to vector<16xi32>
      %select_n3A_442 = arith.select %eq3A_439, %broadcast_in_dim3A_441, %select_n3A_431 : vector<16xi1>, vector<16xi32>
      %mul3A_443 = arith.constant 16 : i32
      %mul3A_444 = vector.broadcast %mul3A_443 : i32 to vector<16xi32>
      %mul3A_445 = arith.muli %gather3A_409, %mul3A_444 : vector<16xi32>
      %add3A_446 = arith.constant 3 : i32
      %add3A_447 = vector.broadcast %add3A_446 : i32 to vector<16xi32>
      %add3A_448 = arith.addi %mul3A_445, %add3A_447 : vector<16xi32>
      %gather3A_449 = tpu.vector_load_idx %arg6[%add3A_448] : memref<65536xi32, #tpu.memory_space<vmem>>[vector<16xi32>], vector<16xi32>,
      %eq3A_450 = arith.cmpi eq, %gather3A_449, %add3A_404 : vector<16xi32>
      %jit3A_451 = arith.constant 1 : i32
      %broadcast_in_dim3A_452 = vector.broadcast %jit3A_451 : i32 to vector<16xi32>
      %select_n3A_453 = arith.select %eq3A_450, %broadcast_in_dim3A_452, %select_n3A_442 : vector<16xi1>, vector<16xi32>
      %mul3A_454 = arith.constant 16 : i32
      %mul3A_455 = vector.broadcast %mul3A_454 : i32 to vector<16xi32>
      %mul3A_456 = arith.muli %gather3A_409, %mul3A_455 : vector<16xi32>
      %add3A_457 = arith.constant 4 : i32
      %add3A_458 = vector.broadcast %add3A_457 : i32 to vector<16xi32>
      %add3A_459 = arith.addi %mul3A_456, %add3A_458 : vector<16xi32>
      %gather3A_460 = tpu.vector_load_idx %arg6[%add3A_459] : memref<65536xi32, #tpu.memory_space<vmem>>[vector<16xi32>], vector<16xi32>,
      %eq3A_461 = arith.cmpi eq, %gather3A_460, %add3A_404 : vector<16xi32>
      %jit3A_462 = arith.constant 1 : i32
      %broadcast_in_dim3A_463 = vector.broadcast %jit3A_462 : i32 to vector<16xi32>
      %select_n3A_464 = arith.select %eq3A_461, %broadcast_in_dim3A_463, %select_n3A_453 : vector<16xi1>, vector<16xi32>
      %mul3A_465 = arith.constant 16 : i32
      %mul3A_466 = vector.broadcast %mul3A_465 : i32 to vector<16xi32>
      %mul3A_467 = arith.muli %gather3A_409, %mul3A_466 : vector<16xi32>
      %add3A_468 = arith.constant 5 : i32
      %add3A_469 = vector.broadcast %add3A_468 : i32 to vector<16xi32>
      %add3A_470 = arith.addi %mul3A_467, %add3A_469 : vector<16xi32>
      %gather3A_471 = tpu.vector_load_idx %arg6[%add3A_470] : memref<65536xi32, #tpu.memory_space<vmem>>[vector<16xi32>], vector<16xi32>,
      %eq3A_472 = arith.cmpi eq, %gather3A_471, %add3A_404 : vector<16xi32>
      %jit3A_473 = arith.constant 1 : i32
      %broadcast_in_dim3A_474 = vector.broadcast %jit3A_473 : i32 to vector<16xi32>
      %select_n3A_475 = arith.select %eq3A_472, %broadcast_in_dim3A_474, %select_n3A_464 : vector<16xi1>, vector<16xi32>
      %mul3A_476 = arith.constant 16 : i32
      %mul3A_477 = vector.broadcast %mul3A_476 : i32 to vector<16xi32>
      %mul3A_478 = arith.muli %gather3A_409, %mul3A_477 : vector<16xi32>
      %add3A_479 = arith.constant 6 : i32
      %add3A_480 = vector.broadcast %add3A_479 : i32 to vector<16xi32>
      %add3A_481 = arith.addi %mul3A_478, %add3A_480 : vector<16xi32>
      %gather3A_482 = tpu.vector_load_idx %arg6[%add3A_481] : memref<65536xi32, #tpu.memory_space<vmem>>[vector<16xi32>], vector<16xi32>,
      %eq3A_483 = arith.cmpi eq, %gather3A_482, %add3A_404 : vector<16xi32>
      %jit3A_484 = arith.constant 1 : i32
      %broadcast_in_dim3A_485 = vector.broadcast %jit3A_484 : i32 to vector<16xi32>
      %select_n3A_486 = arith.select %eq3A_483, %broadcast_in_dim3A_485, %select_n3A_475 : vector<16xi1>, vector<16xi32>
      %mul3A_487 = arith.constant 16 : i32
      %mul3A_488 = vector.broadcast %mul3A_487 : i32 to vector<16xi32>
      %mul3A_489 = arith.muli %gather3A_409, %mul3A_488 : vector<16xi32>
      %add3A_490 = arith.constant 7 : i32
      %add3A_491 = vector.broadcast %add3A_490 : i32 to vector<16xi32>
      %add3A_492 = arith.addi %mul3A_489, %add3A_491 : vector<16xi32>
      %gather3A_493 = tpu.vector_load_idx %arg6[%add3A_492] : memref<65536xi32, #tpu.memory_space<vmem>>[vector<16xi32>], vector<16xi32>,
      %eq3A_494 = arith.cmpi eq, %gather3A_493, %add3A_404 : vector<16xi32>
      %jit3A_495 = arith.constant 1 : i32
      %broadcast_in_dim3A_496 = vector.broadcast %jit3A_495 : i32 to vector<16xi32>
      %select_n3A_497 = arith.select %eq3A_494, %broadcast_in_dim3A_496, %select_n3A_486 : vector<16xi1>, vector<16xi32>
      %mul3A_498 = arith.constant 16 : i32
      %mul3A_499 = vector.broadcast %mul3A_498 : i32 to vector<16xi32>
      %mul3A_500 = arith.muli %gather3A_409, %mul3A_499 : vector<16xi32>
      %add3A_501 = arith.constant 8 : i32
      %add3A_502 = vector.broadcast %add3A_501 : i32 to vector<16xi32>
      %add3A_503 = arith.addi %mul3A_500, %add3A_502 : vector<16xi32>
      %gather3A_504 = tpu.vector_load_idx %arg6[%add3A_503] : memref<65536xi32, #tpu.memory_space<vmem>>[vector<16xi32>], vector<16xi32>,
      %eq3A_505 = arith.cmpi eq, %gather3A_504, %add3A_404 : vector<16xi32>
      %jit3A_506 = arith.constant 1 : i32
      %broadcast_in_dim3A_507 = vector.broadcast %jit3A_506 : i32 to vector<16xi32>
      %select_n3A_508 = arith.select %eq3A_505, %broadcast_in_dim3A_507, %select_n3A_497 : vector<16xi1>, vector<16xi32>
      %swap3A_509 = arith.constant 48 : index
      %swap3A_510 = tpu.vector_load %arg9[%swap3A_509] {strides = array<i32>} : memref<128xi32, #tpu.memory_space<vmem>>, vector<16xi32>,
      tpu.vector_store %arg9[%swap3A_509], %gather3A_409 {strides = array<i32>} : memref<128xi32, #tpu.memory_space<vmem>>, vector<16xi32>,
      %convert_element_type3A_511 = arith.sitofp %select_n3A_508 : vector<16xi32> to vector<16xf32>
      %sub3A_512 = arith.constant 2.000000e+00 : f32
      %sub3A_513 = vector.broadcast %sub3A_512 : f32 to vector<16xf32>
      %sub3A_514 = arith.subf %sub3A_513, %convert_element_type3A_511 : vector<16xf32>
      %mul3A_515 = arith.mulf %exp3A_418, %sub3A_514 : vector<16xf32>
      %swap3A_516 = arith.constant 48 : index
      %swap3A_517 = tpu.vector_load %arg11[%swap3A_516] {strides = array<i32>} : memref<128xf32, #tpu.memory_space<vmem>>, vector<16xf32>,
      tpu.vector_store %arg11[%swap3A_516], %mul3A_515 {strides = array<i32>} : memref<128xf32, #tpu.memory_space<vmem>>, vector<16xf32>,
      %add3A_518 = arith.constant 64 : i32
      %add3A_519 = arith.addi %mul3A_15, %add3A_518 : i32
      %add3A_520 = vector.broadcast %add3A_519 : i32 to vector<16xi32>
      %add3A_521 = arith.addi %add3A_520, %iota3A : vector<16xi32>
      %shift_right_logical3A_522 = arith.constant 3 : i32
      %shift_right_logical3A_523 = vector.broadcast %shift_right_logical3A_522 : i32 to vector<16xi32>
      %shift_right_logical3A_524 = arith.shrui %add3A_521, %shift_right_logical3A_523 : vector<16xi32>
      %and3A_525 = arith.constant 7 : i32
      %and3A_526 = vector.broadcast %and3A_525 : i32 to vector<16xi32>
      %and3A_527 = arith.andi %add3A_521, %and3A_526 : vector<16xi32>
      %add3A_528 = arith.constant 1 : i32
      %add3A_529 = vector.broadcast %add3A_528 : i32 to vector<16xi32>
      %add3A_530 = arith.addi %add3A_529, %and3A_527 : vector<16xi32>
      %add3A_531 = vector.broadcast %mul3A_2 : i32 to vector<16xi32>
      %add3A_532 = arith.addi %shift_right_logical3A_524, %add3A_531 : vector<16xi32>
      %mul3A_533 = arith.constant 16 : i32
      %mul3A_534 = vector.broadcast %mul3A_533 : i32 to vector<16xi32>
      %mul3A_535 = arith.muli %add3A_532, %mul3A_534 : vector<16xi32>
      %add3A_536 = arith.addi %mul3A_535, %add3A_530 : vector<16xi32>
      %gather3A_537 = tpu.vector_load_idx %arg6[%add3A_536] : memref<65536xi32, #tpu.memory_space<vmem>>[vector<16xi32>], vector<16xi32>,
      %mul3A_538 = arith.constant 16 : i32
      %mul3A_539 = vector.broadcast %mul3A_538 : i32 to vector<16xi32>
      %mul3A_540 = arith.muli %shift_right_logical3A_524, %mul3A_539 : vector<16xi32>
      %add3A_541 = arith.addi %mul3A_540, %add3A_530 : vector<16xi32>
      %gather3A_542 = tpu.vector_load_idx %arg7[%add3A_541] : memref<2048xf32, #tpu.memory_space<vmem>>[vector<16xi32>], vector<16xf32>,
      %neg3A_543 = arith.constant 0.000000e+00 : f32
      %neg3A_544 = vector.broadcast %neg3A_543 : f32 to vector<16xf32>
      %neg3A_545 = arith.subf %neg3A_544, %gather3A_542 : vector<16xf32>
      %exp3A_546 = math.exp %neg3A_545 : vector<16xf32>
      %broadcast_in_dim3A_547 = arith.constant 0 : i32
      %broadcast_in_dim3A_548 = vector.broadcast %broadcast_in_dim3A_547 : i32 to vector<16xi32>
      %mul3A_549 = arith.constant 16 : i32
      %mul3A_550 = vector.broadcast %mul3A_549 : i32 to vector<16xi32>
      %mul3A_551 = arith.muli %gather3A_537, %mul3A_550 : vector<16xi32>
      %add3A_552 = arith.constant 1 : i32
      %add3A_553 = vector.broadcast %add3A_552 : i32 to vector<16xi32>
      %add3A_554 = arith.addi %mul3A_551, %add3A_553 : vector<16xi32>
      %gather3A_555 = tpu.vector_load_idx %arg6[%add3A_554] : memref<65536xi32, #tpu.memory_space<vmem>>[vector<16xi32>], vector<16xi32>,
      %eq3A_556 = arith.cmpi eq, %gather3A_555, %add3A_532 : vector<16xi32>
      %jit3A_557 = arith.constant 1 : i32
      %broadcast_in_dim3A_558 = vector.broadcast %jit3A_557 : i32 to vector<16xi32>
      %select_n3A_559 = arith.select %eq3A_556, %broadcast_in_dim3A_558, %broadcast_in_dim3A_548 : vector<16xi1>, vector<16xi32>
      %mul3A_560 = arith.constant 16 : i32
      %mul3A_561 = vector.broadcast %mul3A_560 : i32 to vector<16xi32>
      %mul3A_562 = arith.muli %gather3A_537, %mul3A_561 : vector<16xi32>
      %add3A_563 = arith.constant 2 : i32
      %add3A_564 = vector.broadcast %add3A_563 : i32 to vector<16xi32>
      %add3A_565 = arith.addi %mul3A_562, %add3A_564 : vector<16xi32>
      %gather3A_566 = tpu.vector_load_idx %arg6[%add3A_565] : memref<65536xi32, #tpu.memory_space<vmem>>[vector<16xi32>], vector<16xi32>,
      %eq3A_567 = arith.cmpi eq, %gather3A_566, %add3A_532 : vector<16xi32>
      %jit3A_568 = arith.constant 1 : i32
      %broadcast_in_dim3A_569 = vector.broadcast %jit3A_568 : i32 to vector<16xi32>
      %select_n3A_570 = arith.select %eq3A_567, %broadcast_in_dim3A_569, %select_n3A_559 : vector<16xi1>, vector<16xi32>
      %mul3A_571 = arith.constant 16 : i32
      %mul3A_572 = vector.broadcast %mul3A_571 : i32 to vector<16xi32>
      %mul3A_573 = arith.muli %gather3A_537, %mul3A_572 : vector<16xi32>
      %add3A_574 = arith.constant 3 : i32
      %add3A_575 = vector.broadcast %add3A_574 : i32 to vector<16xi32>
      %add3A_576 = arith.addi %mul3A_573, %add3A_575 : vector<16xi32>
      %gather3A_577 = tpu.vector_load_idx %arg6[%add3A_576] : memref<65536xi32, #tpu.memory_space<vmem>>[vector<16xi32>], vector<16xi32>,
      %eq3A_578 = arith.cmpi eq, %gather3A_577, %add3A_532 : vector<16xi32>
      %jit3A_579 = arith.constant 1 : i32
      %broadcast_in_dim3A_580 = vector.broadcast %jit3A_579 : i32 to vector<16xi32>
      %select_n3A_581 = arith.select %eq3A_578, %broadcast_in_dim3A_580, %select_n3A_570 : vector<16xi1>, vector<16xi32>
      %mul3A_582 = arith.constant 16 : i32
      %mul3A_583 = vector.broadcast %mul3A_582 : i32 to vector<16xi32>
      %mul3A_584 = arith.muli %gather3A_537, %mul3A_583 : vector<16xi32>
      %add3A_585 = arith.constant 4 : i32
      %add3A_586 = vector.broadcast %add3A_585 : i32 to vector<16xi32>
      %add3A_587 = arith.addi %mul3A_584, %add3A_586 : vector<16xi32>
      %gather3A_588 = tpu.vector_load_idx %arg6[%add3A_587] : memref<65536xi32, #tpu.memory_space<vmem>>[vector<16xi32>], vector<16xi32>,
      %eq3A_589 = arith.cmpi eq, %gather3A_588, %add3A_532 : vector<16xi32>
      %jit3A_590 = arith.constant 1 : i32
      %broadcast_in_dim3A_591 = vector.broadcast %jit3A_590 : i32 to vector<16xi32>
      %select_n3A_592 = arith.select %eq3A_589, %broadcast_in_dim3A_591, %select_n3A_581 : vector<16xi1>, vector<16xi32>
      %mul3A_593 = arith.constant 16 : i32
      %mul3A_594 = vector.broadcast %mul3A_593 : i32 to vector<16xi32>
      %mul3A_595 = arith.muli %gather3A_537, %mul3A_594 : vector<16xi32>
      %add3A_596 = arith.constant 5 : i32
      %add3A_597 = vector.broadcast %add3A_596 : i32 to vector<16xi32>
      %add3A_598 = arith.addi %mul3A_595, %add3A_597 : vector<16xi32>
      %gather3A_599 = tpu.vector_load_idx %arg6[%add3A_598] : memref<65536xi32, #tpu.memory_space<vmem>>[vector<16xi32>], vector<16xi32>,
      %eq3A_600 = arith.cmpi eq, %gather3A_599, %add3A_532 : vector<16xi32>
      %jit3A_601 = arith.constant 1 : i32
      %broadcast_in_dim3A_602 = vector.broadcast %jit3A_601 : i32 to vector<16xi32>
      %select_n3A_603 = arith.select %eq3A_600, %broadcast_in_dim3A_602, %select_n3A_592 : vector<16xi1>, vector<16xi32>
      %mul3A_604 = arith.constant 16 : i32
      %mul3A_605 = vector.broadcast %mul3A_604 : i32 to vector<16xi32>
      %mul3A_606 = arith.muli %gather3A_537, %mul3A_605 : vector<16xi32>
      %add3A_607 = arith.constant 6 : i32
      %add3A_608 = vector.broadcast %add3A_607 : i32 to vector<16xi32>
      %add3A_609 = arith.addi %mul3A_606, %add3A_608 : vector<16xi32>
      %gather3A_610 = tpu.vector_load_idx %arg6[%add3A_609] : memref<65536xi32, #tpu.memory_space<vmem>>[vector<16xi32>], vector<16xi32>,
      %eq3A_611 = arith.cmpi eq, %gather3A_610, %add3A_532 : vector<16xi32>
      %jit3A_612 = arith.constant 1 : i32
      %broadcast_in_dim3A_613 = vector.broadcast %jit3A_612 : i32 to vector<16xi32>
      %select_n3A_614 = arith.select %eq3A_611, %broadcast_in_dim3A_613, %select_n3A_603 : vector<16xi1>, vector<16xi32>
      %mul3A_615 = arith.constant 16 : i32
      %mul3A_616 = vector.broadcast %mul3A_615 : i32 to vector<16xi32>
      %mul3A_617 = arith.muli %gather3A_537, %mul3A_616 : vector<16xi32>
      %add3A_618 = arith.constant 7 : i32
      %add3A_619 = vector.broadcast %add3A_618 : i32 to vector<16xi32>
      %add3A_620 = arith.addi %mul3A_617, %add3A_619 : vector<16xi32>
      %gather3A_621 = tpu.vector_load_idx %arg6[%add3A_620] : memref<65536xi32, #tpu.memory_space<vmem>>[vector<16xi32>], vector<16xi32>,
      %eq3A_622 = arith.cmpi eq, %gather3A_621, %add3A_532 : vector<16xi32>
      %jit3A_623 = arith.constant 1 : i32
      %broadcast_in_dim3A_624 = vector.broadcast %jit3A_623 : i32 to vector<16xi32>
      %select_n3A_625 = arith.select %eq3A_622, %broadcast_in_dim3A_624, %select_n3A_614 : vector<16xi1>, vector<16xi32>
      %mul3A_626 = arith.constant 16 : i32
      %mul3A_627 = vector.broadcast %mul3A_626 : i32 to vector<16xi32>
      %mul3A_628 = arith.muli %gather3A_537, %mul3A_627 : vector<16xi32>
      %add3A_629 = arith.constant 8 : i32
      %add3A_630 = vector.broadcast %add3A_629 : i32 to vector<16xi32>
      %add3A_631 = arith.addi %mul3A_628, %add3A_630 : vector<16xi32>
      %gather3A_632 = tpu.vector_load_idx %arg6[%add3A_631] : memref<65536xi32, #tpu.memory_space<vmem>>[vector<16xi32>], vector<16xi32>,
      %eq3A_633 = arith.cmpi eq, %gather3A_632, %add3A_532 : vector<16xi32>
      %jit3A_634 = arith.constant 1 : i32
      %broadcast_in_dim3A_635 = vector.broadcast %jit3A_634 : i32 to vector<16xi32>
      %select_n3A_636 = arith.select %eq3A_633, %broadcast_in_dim3A_635, %select_n3A_625 : vector<16xi1>, vector<16xi32>
      %swap3A_637 = arith.constant 64 : index
      %swap3A_638 = tpu.vector_load %arg9[%swap3A_637] {strides = array<i32>} : memref<128xi32, #tpu.memory_space<vmem>>, vector<16xi32>,
      tpu.vector_store %arg9[%swap3A_637], %gather3A_537 {strides = array<i32>} : memref<128xi32, #tpu.memory_space<vmem>>, vector<16xi32>,
      %convert_element_type3A_639 = arith.sitofp %select_n3A_636 : vector<16xi32> to vector<16xf32>
      %sub3A_640 = arith.constant 2.000000e+00 : f32
      %sub3A_641 = vector.broadcast %sub3A_640 : f32 to vector<16xf32>
      %sub3A_642 = arith.subf %sub3A_641, %convert_element_type3A_639 : vector<16xf32>
      %mul3A_643 = arith.mulf %exp3A_546, %sub3A_642 : vector<16xf32>
      %swap3A_644 = arith.constant 64 : index
      %swap3A_645 = tpu.vector_load %arg11[%swap3A_644] {strides = array<i32>} : memref<128xf32, #tpu.memory_space<vmem>>, vector<16xf32>,
      tpu.vector_store %arg11[%swap3A_644], %mul3A_643 {strides = array<i32>} : memref<128xf32, #tpu.memory_space<vmem>>, vector<16xf32>,
      %add3A_646 = arith.constant 80 : i32
      %add3A_647 = arith.addi %mul3A_15, %add3A_646 : i32
      %add3A_648 = vector.broadcast %add3A_647 : i32 to vector<16xi32>
      %add3A_649 = arith.addi %add3A_648, %iota3A : vector<16xi32>
      %shift_right_logical3A_650 = arith.constant 3 : i32
      %shift_right_logical3A_651 = vector.broadcast %shift_right_logical3A_650 : i32 to vector<16xi32>
      %shift_right_logical3A_652 = arith.shrui %add3A_649, %shift_right_logical3A_651 : vector<16xi32>
      %and3A_653 = arith.constant 7 : i32
      %and3A_654 = vector.broadcast %and3A_653 : i32 to vector<16xi32>
      %and3A_655 = arith.andi %add3A_649, %and3A_654 : vector<16xi32>
      %add3A_656 = arith.constant 1 : i32
      %add3A_657 = vector.broadcast %add3A_656 : i32 to vector<16xi32>
      %add3A_658 = arith.addi %add3A_657, %and3A_655 : vector<16xi32>
      %add3A_659 = vector.broadcast %mul3A_2 : i32 to vector<16xi32>
      %add3A_660 = arith.addi %shift_right_logical3A_652, %add3A_659 : vector<16xi32>
      %mul3A_661 = arith.constant 16 : i32
      %mul3A_662 = vector.broadcast %mul3A_661 : i32 to vector<16xi32>
      %mul3A_663 = arith.muli %add3A_660, %mul3A_662 : vector<16xi32>
      %add3A_664 = arith.addi %mul3A_663, %add3A_658 : vector<16xi32>
      %gather3A_665 = tpu.vector_load_idx %arg6[%add3A_664] : memref<65536xi32, #tpu.memory_space<vmem>>[vector<16xi32>], vector<16xi32>,
      %mul3A_666 = arith.constant 16 : i32
      %mul3A_667 = vector.broadcast %mul3A_666 : i32 to vector<16xi32>
      %mul3A_668 = arith.muli %shift_right_logical3A_652, %mul3A_667 : vector<16xi32>
      %add3A_669 = arith.addi %mul3A_668, %add3A_658 : vector<16xi32>
      %gather3A_670 = tpu.vector_load_idx %arg7[%add3A_669] : memref<2048xf32, #tpu.memory_space<vmem>>[vector<16xi32>], vector<16xf32>,
      %neg3A_671 = arith.constant 0.000000e+00 : f32
      %neg3A_672 = vector.broadcast %neg3A_671 : f32 to vector<16xf32>
      %neg3A_673 = arith.subf %neg3A_672, %gather3A_670 : vector<16xf32>
      %exp3A_674 = math.exp %neg3A_673 : vector<16xf32>
      %broadcast_in_dim3A_675 = arith.constant 0 : i32
      %broadcast_in_dim3A_676 = vector.broadcast %broadcast_in_dim3A_675 : i32 to vector<16xi32>
      %mul3A_677 = arith.constant 16 : i32
      %mul3A_678 = vector.broadcast %mul3A_677 : i32 to vector<16xi32>
      %mul3A_679 = arith.muli %gather3A_665, %mul3A_678 : vector<16xi32>
      %add3A_680 = arith.constant 1 : i32
      %add3A_681 = vector.broadcast %add3A_680 : i32 to vector<16xi32>
      %add3A_682 = arith.addi %mul3A_679, %add3A_681 : vector<16xi32>
      %gather3A_683 = tpu.vector_load_idx %arg6[%add3A_682] : memref<65536xi32, #tpu.memory_space<vmem>>[vector<16xi32>], vector<16xi32>,
      %eq3A_684 = arith.cmpi eq, %gather3A_683, %add3A_660 : vector<16xi32>
      %jit3A_685 = arith.constant 1 : i32
      %broadcast_in_dim3A_686 = vector.broadcast %jit3A_685 : i32 to vector<16xi32>
      %select_n3A_687 = arith.select %eq3A_684, %broadcast_in_dim3A_686, %broadcast_in_dim3A_676 : vector<16xi1>, vector<16xi32>
      %mul3A_688 = arith.constant 16 : i32
      %mul3A_689 = vector.broadcast %mul3A_688 : i32 to vector<16xi32>
      %mul3A_690 = arith.muli %gather3A_665, %mul3A_689 : vector<16xi32>
      %add3A_691 = arith.constant 2 : i32
      %add3A_692 = vector.broadcast %add3A_691 : i32 to vector<16xi32>
      %add3A_693 = arith.addi %mul3A_690, %add3A_692 : vector<16xi32>
      %gather3A_694 = tpu.vector_load_idx %arg6[%add3A_693] : memref<65536xi32, #tpu.memory_space<vmem>>[vector<16xi32>], vector<16xi32>,
      %eq3A_695 = arith.cmpi eq, %gather3A_694, %add3A_660 : vector<16xi32>
      %jit3A_696 = arith.constant 1 : i32
      %broadcast_in_dim3A_697 = vector.broadcast %jit3A_696 : i32 to vector<16xi32>
      %select_n3A_698 = arith.select %eq3A_695, %broadcast_in_dim3A_697, %select_n3A_687 : vector<16xi1>, vector<16xi32>
      %mul3A_699 = arith.constant 16 : i32
      %mul3A_700 = vector.broadcast %mul3A_699 : i32 to vector<16xi32>
      %mul3A_701 = arith.muli %gather3A_665, %mul3A_700 : vector<16xi32>
      %add3A_702 = arith.constant 3 : i32
      %add3A_703 = vector.broadcast %add3A_702 : i32 to vector<16xi32>
      %add3A_704 = arith.addi %mul3A_701, %add3A_703 : vector<16xi32>
      %gather3A_705 = tpu.vector_load_idx %arg6[%add3A_704] : memref<65536xi32, #tpu.memory_space<vmem>>[vector<16xi32>], vector<16xi32>,
      %eq3A_706 = arith.cmpi eq, %gather3A_705, %add3A_660 : vector<16xi32>
      %jit3A_707 = arith.constant 1 : i32
      %broadcast_in_dim3A_708 = vector.broadcast %jit3A_707 : i32 to vector<16xi32>
      %select_n3A_709 = arith.select %eq3A_706, %broadcast_in_dim3A_708, %select_n3A_698 : vector<16xi1>, vector<16xi32>
      %mul3A_710 = arith.constant 16 : i32
      %mul3A_711 = vector.broadcast %mul3A_710 : i32 to vector<16xi32>
      %mul3A_712 = arith.muli %gather3A_665, %mul3A_711 : vector<16xi32>
      %add3A_713 = arith.constant 4 : i32
      %add3A_714 = vector.broadcast %add3A_713 : i32 to vector<16xi32>
      %add3A_715 = arith.addi %mul3A_712, %add3A_714 : vector<16xi32>
      %gather3A_716 = tpu.vector_load_idx %arg6[%add3A_715] : memref<65536xi32, #tpu.memory_space<vmem>>[vector<16xi32>], vector<16xi32>,
      %eq3A_717 = arith.cmpi eq, %gather3A_716, %add3A_660 : vector<16xi32>
      %jit3A_718 = arith.constant 1 : i32
      %broadcast_in_dim3A_719 = vector.broadcast %jit3A_718 : i32 to vector<16xi32>
      %select_n3A_720 = arith.select %eq3A_717, %broadcast_in_dim3A_719, %select_n3A_709 : vector<16xi1>, vector<16xi32>
      %mul3A_721 = arith.constant 16 : i32
      %mul3A_722 = vector.broadcast %mul3A_721 : i32 to vector<16xi32>
      %mul3A_723 = arith.muli %gather3A_665, %mul3A_722 : vector<16xi32>
      %add3A_724 = arith.constant 5 : i32
      %add3A_725 = vector.broadcast %add3A_724 : i32 to vector<16xi32>
      %add3A_726 = arith.addi %mul3A_723, %add3A_725 : vector<16xi32>
      %gather3A_727 = tpu.vector_load_idx %arg6[%add3A_726] : memref<65536xi32, #tpu.memory_space<vmem>>[vector<16xi32>], vector<16xi32>,
      %eq3A_728 = arith.cmpi eq, %gather3A_727, %add3A_660 : vector<16xi32>
      %jit3A_729 = arith.constant 1 : i32
      %broadcast_in_dim3A_730 = vector.broadcast %jit3A_729 : i32 to vector<16xi32>
      %select_n3A_731 = arith.select %eq3A_728, %broadcast_in_dim3A_730, %select_n3A_720 : vector<16xi1>, vector<16xi32>
      %mul3A_732 = arith.constant 16 : i32
      %mul3A_733 = vector.broadcast %mul3A_732 : i32 to vector<16xi32>
      %mul3A_734 = arith.muli %gather3A_665, %mul3A_733 : vector<16xi32>
      %add3A_735 = arith.constant 6 : i32
      %add3A_736 = vector.broadcast %add3A_735 : i32 to vector<16xi32>
      %add3A_737 = arith.addi %mul3A_734, %add3A_736 : vector<16xi32>
      %gather3A_738 = tpu.vector_load_idx %arg6[%add3A_737] : memref<65536xi32, #tpu.memory_space<vmem>>[vector<16xi32>], vector<16xi32>,
      %eq3A_739 = arith.cmpi eq, %gather3A_738, %add3A_660 : vector<16xi32>
      %jit3A_740 = arith.constant 1 : i32
      %broadcast_in_dim3A_741 = vector.broadcast %jit3A_740 : i32 to vector<16xi32>
      %select_n3A_742 = arith.select %eq3A_739, %broadcast_in_dim3A_741, %select_n3A_731 : vector<16xi1>, vector<16xi32>
      %mul3A_743 = arith.constant 16 : i32
      %mul3A_744 = vector.broadcast %mul3A_743 : i32 to vector<16xi32>
      %mul3A_745 = arith.muli %gather3A_665, %mul3A_744 : vector<16xi32>
      %add3A_746 = arith.constant 7 : i32
      %add3A_747 = vector.broadcast %add3A_746 : i32 to vector<16xi32>
      %add3A_748 = arith.addi %mul3A_745, %add3A_747 : vector<16xi32>
      %gather3A_749 = tpu.vector_load_idx %arg6[%add3A_748] : memref<65536xi32, #tpu.memory_space<vmem>>[vector<16xi32>], vector<16xi32>,
      %eq3A_750 = arith.cmpi eq, %gather3A_749, %add3A_660 : vector<16xi32>
      %jit3A_751 = arith.constant 1 : i32
      %broadcast_in_dim3A_752 = vector.broadcast %jit3A_751 : i32 to vector<16xi32>
      %select_n3A_753 = arith.select %eq3A_750, %broadcast_in_dim3A_752, %select_n3A_742 : vector<16xi1>, vector<16xi32>
      %mul3A_754 = arith.constant 16 : i32
      %mul3A_755 = vector.broadcast %mul3A_754 : i32 to vector<16xi32>
      %mul3A_756 = arith.muli %gather3A_665, %mul3A_755 : vector<16xi32>
      %add3A_757 = arith.constant 8 : i32
      %add3A_758 = vector.broadcast %add3A_757 : i32 to vector<16xi32>
      %add3A_759 = arith.addi %mul3A_756, %add3A_758 : vector<16xi32>
      %gather3A_760 = tpu.vector_load_idx %arg6[%add3A_759] : memref<65536xi32, #tpu.memory_space<vmem>>[vector<16xi32>], vector<16xi32>,
      %eq3A_761 = arith.cmpi eq, %gather3A_760, %add3A_660 : vector<16xi32>
      %jit3A_762 = arith.constant 1 : i32
      %broadcast_in_dim3A_763 = vector.broadcast %jit3A_762 : i32 to vector<16xi32>
      %select_n3A_764 = arith.select %eq3A_761, %broadcast_in_dim3A_763, %select_n3A_753 : vector<16xi1>, vector<16xi32>
      %swap3A_765 = arith.constant 80 : index
      %swap3A_766 = tpu.vector_load %arg9[%swap3A_765] {strides = array<i32>} : memref<128xi32, #tpu.memory_space<vmem>>, vector<16xi32>,
      tpu.vector_store %arg9[%swap3A_765], %gather3A_665 {strides = array<i32>} : memref<128xi32, #tpu.memory_space<vmem>>, vector<16xi32>,
      %convert_element_type3A_767 = arith.sitofp %select_n3A_764 : vector<16xi32> to vector<16xf32>
      %sub3A_768 = arith.constant 2.000000e+00 : f32
      %sub3A_769 = vector.broadcast %sub3A_768 : f32 to vector<16xf32>
      %sub3A_770 = arith.subf %sub3A_769, %convert_element_type3A_767 : vector<16xf32>
      %mul3A_771 = arith.mulf %exp3A_674, %sub3A_770 : vector<16xf32>
      %swap3A_772 = arith.constant 80 : index
      %swap3A_773 = tpu.vector_load %arg11[%swap3A_772] {strides = array<i32>} : memref<128xf32, #tpu.memory_space<vmem>>, vector<16xf32>,
      tpu.vector_store %arg11[%swap3A_772], %mul3A_771 {strides = array<i32>} : memref<128xf32, #tpu.memory_space<vmem>>, vector<16xf32>,
      %add3A_774 = arith.constant 96 : i32
      %add3A_775 = arith.addi %mul3A_15, %add3A_774 : i32
      %add3A_776 = vector.broadcast %add3A_775 : i32 to vector<16xi32>
      %add3A_777 = arith.addi %add3A_776, %iota3A : vector<16xi32>
      %shift_right_logical3A_778 = arith.constant 3 : i32
      %shift_right_logical3A_779 = vector.broadcast %shift_right_logical3A_778 : i32 to vector<16xi32>
      %shift_right_logical3A_780 = arith.shrui %add3A_777, %shift_right_logical3A_779 : vector<16xi32>
      %and3A_781 = arith.constant 7 : i32
      %and3A_782 = vector.broadcast %and3A_781 : i32 to vector<16xi32>
      %and3A_783 = arith.andi %add3A_777, %and3A_782 : vector<16xi32>
      %add3A_784 = arith.constant 1 : i32
      %add3A_785 = vector.broadcast %add3A_784 : i32 to vector<16xi32>
      %add3A_786 = arith.addi %add3A_785, %and3A_783 : vector<16xi32>
      %add3A_787 = vector.broadcast %mul3A_2 : i32 to vector<16xi32>
      %add3A_788 = arith.addi %shift_right_logical3A_780, %add3A_787 : vector<16xi32>
      %mul3A_789 = arith.constant 16 : i32
      %mul3A_790 = vector.broadcast %mul3A_789 : i32 to vector<16xi32>
      %mul3A_791 = arith.muli %add3A_788, %mul3A_790 : vector<16xi32>
      %add3A_792 = arith.addi %mul3A_791, %add3A_786 : vector<16xi32>
      %gather3A_793 = tpu.vector_load_idx %arg6[%add3A_792] : memref<65536xi32, #tpu.memory_space<vmem>>[vector<16xi32>], vector<16xi32>,
      %mul3A_794 = arith.constant 16 : i32
      %mul3A_795 = vector.broadcast %mul3A_794 : i32 to vector<16xi32>
      %mul3A_796 = arith.muli %shift_right_logical3A_780, %mul3A_795 : vector<16xi32>
      %add3A_797 = arith.addi %mul3A_796, %add3A_786 : vector<16xi32>
      %gather3A_798 = tpu.vector_load_idx %arg7[%add3A_797] : memref<2048xf32, #tpu.memory_space<vmem>>[vector<16xi32>], vector<16xf32>,
      %neg3A_799 = arith.constant 0.000000e+00 : f32
      %neg3A_800 = vector.broadcast %neg3A_799 : f32 to vector<16xf32>
      %neg3A_801 = arith.subf %neg3A_800, %gather3A_798 : vector<16xf32>
      %exp3A_802 = math.exp %neg3A_801 : vector<16xf32>
      %broadcast_in_dim3A_803 = arith.constant 0 : i32
      %broadcast_in_dim3A_804 = vector.broadcast %broadcast_in_dim3A_803 : i32 to vector<16xi32>
      %mul3A_805 = arith.constant 16 : i32
      %mul3A_806 = vector.broadcast %mul3A_805 : i32 to vector<16xi32>
      %mul3A_807 = arith.muli %gather3A_793, %mul3A_806 : vector<16xi32>
      %add3A_808 = arith.constant 1 : i32
      %add3A_809 = vector.broadcast %add3A_808 : i32 to vector<16xi32>
      %add3A_810 = arith.addi %mul3A_807, %add3A_809 : vector<16xi32>
      %gather3A_811 = tpu.vector_load_idx %arg6[%add3A_810] : memref<65536xi32, #tpu.memory_space<vmem>>[vector<16xi32>], vector<16xi32>,
      %eq3A_812 = arith.cmpi eq, %gather3A_811, %add3A_788 : vector<16xi32>
      %jit3A_813 = arith.constant 1 : i32
      %broadcast_in_dim3A_814 = vector.broadcast %jit3A_813 : i32 to vector<16xi32>
      %select_n3A_815 = arith.select %eq3A_812, %broadcast_in_dim3A_814, %broadcast_in_dim3A_804 : vector<16xi1>, vector<16xi32>
      %mul3A_816 = arith.constant 16 : i32
      %mul3A_817 = vector.broadcast %mul3A_816 : i32 to vector<16xi32>
      %mul3A_818 = arith.muli %gather3A_793, %mul3A_817 : vector<16xi32>
      %add3A_819 = arith.constant 2 : i32
      %add3A_820 = vector.broadcast %add3A_819 : i32 to vector<16xi32>
      %add3A_821 = arith.addi %mul3A_818, %add3A_820 : vector<16xi32>
      %gather3A_822 = tpu.vector_load_idx %arg6[%add3A_821] : memref<65536xi32, #tpu.memory_space<vmem>>[vector<16xi32>], vector<16xi32>,
      %eq3A_823 = arith.cmpi eq, %gather3A_822, %add3A_788 : vector<16xi32>
      %jit3A_824 = arith.constant 1 : i32
      %broadcast_in_dim3A_825 = vector.broadcast %jit3A_824 : i32 to vector<16xi32>
      %select_n3A_826 = arith.select %eq3A_823, %broadcast_in_dim3A_825, %select_n3A_815 : vector<16xi1>, vector<16xi32>
      %mul3A_827 = arith.constant 16 : i32
      %mul3A_828 = vector.broadcast %mul3A_827 : i32 to vector<16xi32>
      %mul3A_829 = arith.muli %gather3A_793, %mul3A_828 : vector<16xi32>
      %add3A_830 = arith.constant 3 : i32
      %add3A_831 = vector.broadcast %add3A_830 : i32 to vector<16xi32>
      %add3A_832 = arith.addi %mul3A_829, %add3A_831 : vector<16xi32>
      %gather3A_833 = tpu.vector_load_idx %arg6[%add3A_832] : memref<65536xi32, #tpu.memory_space<vmem>>[vector<16xi32>], vector<16xi32>,
      %eq3A_834 = arith.cmpi eq, %gather3A_833, %add3A_788 : vector<16xi32>
      %jit3A_835 = arith.constant 1 : i32
      %broadcast_in_dim3A_836 = vector.broadcast %jit3A_835 : i32 to vector<16xi32>
      %select_n3A_837 = arith.select %eq3A_834, %broadcast_in_dim3A_836, %select_n3A_826 : vector<16xi1>, vector<16xi32>
      %mul3A_838 = arith.constant 16 : i32
      %mul3A_839 = vector.broadcast %mul3A_838 : i32 to vector<16xi32>
      %mul3A_840 = arith.muli %gather3A_793, %mul3A_839 : vector<16xi32>
      %add3A_841 = arith.constant 4 : i32
      %add3A_842 = vector.broadcast %add3A_841 : i32 to vector<16xi32>
      %add3A_843 = arith.addi %mul3A_840, %add3A_842 : vector<16xi32>
      %gather3A_844 = tpu.vector_load_idx %arg6[%add3A_843] : memref<65536xi32, #tpu.memory_space<vmem>>[vector<16xi32>], vector<16xi32>,
      %eq3A_845 = arith.cmpi eq, %gather3A_844, %add3A_788 : vector<16xi32>
      %jit3A_846 = arith.constant 1 : i32
      %broadcast_in_dim3A_847 = vector.broadcast %jit3A_846 : i32 to vector<16xi32>
      %select_n3A_848 = arith.select %eq3A_845, %broadcast_in_dim3A_847, %select_n3A_837 : vector<16xi1>, vector<16xi32>
      %mul3A_849 = arith.constant 16 : i32
      %mul3A_850 = vector.broadcast %mul3A_849 : i32 to vector<16xi32>
      %mul3A_851 = arith.muli %gather3A_793, %mul3A_850 : vector<16xi32>
      %add3A_852 = arith.constant 5 : i32
      %add3A_853 = vector.broadcast %add3A_852 : i32 to vector<16xi32>
      %add3A_854 = arith.addi %mul3A_851, %add3A_853 : vector<16xi32>
      %gather3A_855 = tpu.vector_load_idx %arg6[%add3A_854] : memref<65536xi32, #tpu.memory_space<vmem>>[vector<16xi32>], vector<16xi32>,
      %eq3A_856 = arith.cmpi eq, %gather3A_855, %add3A_788 : vector<16xi32>
      %jit3A_857 = arith.constant 1 : i32
      %broadcast_in_dim3A_858 = vector.broadcast %jit3A_857 : i32 to vector<16xi32>
      %select_n3A_859 = arith.select %eq3A_856, %broadcast_in_dim3A_858, %select_n3A_848 : vector<16xi1>, vector<16xi32>
      %mul3A_860 = arith.constant 16 : i32
      %mul3A_861 = vector.broadcast %mul3A_860 : i32 to vector<16xi32>
      %mul3A_862 = arith.muli %gather3A_793, %mul3A_861 : vector<16xi32>
      %add3A_863 = arith.constant 6 : i32
      %add3A_864 = vector.broadcast %add3A_863 : i32 to vector<16xi32>
      %add3A_865 = arith.addi %mul3A_862, %add3A_864 : vector<16xi32>
      %gather3A_866 = tpu.vector_load_idx %arg6[%add3A_865] : memref<65536xi32, #tpu.memory_space<vmem>>[vector<16xi32>], vector<16xi32>,
      %eq3A_867 = arith.cmpi eq, %gather3A_866, %add3A_788 : vector<16xi32>
      %jit3A_868 = arith.constant 1 : i32
      %broadcast_in_dim3A_869 = vector.broadcast %jit3A_868 : i32 to vector<16xi32>
      %select_n3A_870 = arith.select %eq3A_867, %broadcast_in_dim3A_869, %select_n3A_859 : vector<16xi1>, vector<16xi32>
      %mul3A_871 = arith.constant 16 : i32
      %mul3A_872 = vector.broadcast %mul3A_871 : i32 to vector<16xi32>
      %mul3A_873 = arith.muli %gather3A_793, %mul3A_872 : vector<16xi32>
      %add3A_874 = arith.constant 7 : i32
      %add3A_875 = vector.broadcast %add3A_874 : i32 to vector<16xi32>
      %add3A_876 = arith.addi %mul3A_873, %add3A_875 : vector<16xi32>
      %gather3A_877 = tpu.vector_load_idx %arg6[%add3A_876] : memref<65536xi32, #tpu.memory_space<vmem>>[vector<16xi32>], vector<16xi32>,
      %eq3A_878 = arith.cmpi eq, %gather3A_877, %add3A_788 : vector<16xi32>
      %jit3A_879 = arith.constant 1 : i32
      %broadcast_in_dim3A_880 = vector.broadcast %jit3A_879 : i32 to vector<16xi32>
      %select_n3A_881 = arith.select %eq3A_878, %broadcast_in_dim3A_880, %select_n3A_870 : vector<16xi1>, vector<16xi32>
      %mul3A_882 = arith.constant 16 : i32
      %mul3A_883 = vector.broadcast %mul3A_882 : i32 to vector<16xi32>
      %mul3A_884 = arith.muli %gather3A_793, %mul3A_883 : vector<16xi32>
      %add3A_885 = arith.constant 8 : i32
      %add3A_886 = vector.broadcast %add3A_885 : i32 to vector<16xi32>
      %add3A_887 = arith.addi %mul3A_884, %add3A_886 : vector<16xi32>
      %gather3A_888 = tpu.vector_load_idx %arg6[%add3A_887] : memref<65536xi32, #tpu.memory_space<vmem>>[vector<16xi32>], vector<16xi32>,
      %eq3A_889 = arith.cmpi eq, %gather3A_888, %add3A_788 : vector<16xi32>
      %jit3A_890 = arith.constant 1 : i32
      %broadcast_in_dim3A_891 = vector.broadcast %jit3A_890 : i32 to vector<16xi32>
      %select_n3A_892 = arith.select %eq3A_889, %broadcast_in_dim3A_891, %select_n3A_881 : vector<16xi1>, vector<16xi32>
      %swap3A_893 = arith.constant 96 : index
      %swap3A_894 = tpu.vector_load %arg9[%swap3A_893] {strides = array<i32>} : memref<128xi32, #tpu.memory_space<vmem>>, vector<16xi32>,
      tpu.vector_store %arg9[%swap3A_893], %gather3A_793 {strides = array<i32>} : memref<128xi32, #tpu.memory_space<vmem>>, vector<16xi32>,
      %convert_element_type3A_895 = arith.sitofp %select_n3A_892 : vector<16xi32> to vector<16xf32>
      %sub3A_896 = arith.constant 2.000000e+00 : f32
      %sub3A_897 = vector.broadcast %sub3A_896 : f32 to vector<16xf32>
      %sub3A_898 = arith.subf %sub3A_897, %convert_element_type3A_895 : vector<16xf32>
      %mul3A_899 = arith.mulf %exp3A_802, %sub3A_898 : vector<16xf32>
      %swap3A_900 = arith.constant 96 : index
      %swap3A_901 = tpu.vector_load %arg11[%swap3A_900] {strides = array<i32>} : memref<128xf32, #tpu.memory_space<vmem>>, vector<16xf32>,
      tpu.vector_store %arg11[%swap3A_900], %mul3A_899 {strides = array<i32>} : memref<128xf32, #tpu.memory_space<vmem>>, vector<16xf32>,
      %add3A_902 = arith.constant 112 : i32
      %add3A_903 = arith.addi %mul3A_15, %add3A_902 : i32
      %add3A_904 = vector.broadcast %add3A_903 : i32 to vector<16xi32>
      %add3A_905 = arith.addi %add3A_904, %iota3A : vector<16xi32>
      %shift_right_logical3A_906 = arith.constant 3 : i32
      %shift_right_logical3A_907 = vector.broadcast %shift_right_logical3A_906 : i32 to vector<16xi32>
      %shift_right_logical3A_908 = arith.shrui %add3A_905, %shift_right_logical3A_907 : vector<16xi32>
      %and3A_909 = arith.constant 7 : i32
      %and3A_910 = vector.broadcast %and3A_909 : i32 to vector<16xi32>
      %and3A_911 = arith.andi %add3A_905, %and3A_910 : vector<16xi32>
      %add3A_912 = arith.constant 1 : i32
      %add3A_913 = vector.broadcast %add3A_912 : i32 to vector<16xi32>
      %add3A_914 = arith.addi %add3A_913, %and3A_911 : vector<16xi32>
      %add3A_915 = vector.broadcast %mul3A_2 : i32 to vector<16xi32>
      %add3A_916 = arith.addi %shift_right_logical3A_908, %add3A_915 : vector<16xi32>
      %mul3A_917 = arith.constant 16 : i32
      %mul3A_918 = vector.broadcast %mul3A_917 : i32 to vector<16xi32>
      %mul3A_919 = arith.muli %add3A_916, %mul3A_918 : vector<16xi32>
      %add3A_920 = arith.addi %mul3A_919, %add3A_914 : vector<16xi32>
      %gather3A_921 = tpu.vector_load_idx %arg6[%add3A_920] : memref<65536xi32, #tpu.memory_space<vmem>>[vector<16xi32>], vector<16xi32>,
      %mul3A_922 = arith.constant 16 : i32
      %mul3A_923 = vector.broadcast %mul3A_922 : i32 to vector<16xi32>
      %mul3A_924 = arith.muli %shift_right_logical3A_908, %mul3A_923 : vector<16xi32>
      %add3A_925 = arith.addi %mul3A_924, %add3A_914 : vector<16xi32>
      %gather3A_926 = tpu.vector_load_idx %arg7[%add3A_925] : memref<2048xf32, #tpu.memory_space<vmem>>[vector<16xi32>], vector<16xf32>,
      %neg3A_927 = arith.constant 0.000000e+00 : f32
      %neg3A_928 = vector.broadcast %neg3A_927 : f32 to vector<16xf32>
      %neg3A_929 = arith.subf %neg3A_928, %gather3A_926 : vector<16xf32>
      %exp3A_930 = math.exp %neg3A_929 : vector<16xf32>
      %broadcast_in_dim3A_931 = arith.constant 0 : i32
      %broadcast_in_dim3A_932 = vector.broadcast %broadcast_in_dim3A_931 : i32 to vector<16xi32>
      %mul3A_933 = arith.constant 16 : i32
      %mul3A_934 = vector.broadcast %mul3A_933 : i32 to vector<16xi32>
      %mul3A_935 = arith.muli %gather3A_921, %mul3A_934 : vector<16xi32>
      %add3A_936 = arith.constant 1 : i32
      %add3A_937 = vector.broadcast %add3A_936 : i32 to vector<16xi32>
      %add3A_938 = arith.addi %mul3A_935, %add3A_937 : vector<16xi32>
      %gather3A_939 = tpu.vector_load_idx %arg6[%add3A_938] : memref<65536xi32, #tpu.memory_space<vmem>>[vector<16xi32>], vector<16xi32>,
      %eq3A_940 = arith.cmpi eq, %gather3A_939, %add3A_916 : vector<16xi32>
      %jit3A_941 = arith.constant 1 : i32
      %broadcast_in_dim3A_942 = vector.broadcast %jit3A_941 : i32 to vector<16xi32>
      %select_n3A_943 = arith.select %eq3A_940, %broadcast_in_dim3A_942, %broadcast_in_dim3A_932 : vector<16xi1>, vector<16xi32>
      %mul3A_944 = arith.constant 16 : i32
      %mul3A_945 = vector.broadcast %mul3A_944 : i32 to vector<16xi32>
      %mul3A_946 = arith.muli %gather3A_921, %mul3A_945 : vector<16xi32>
      %add3A_947 = arith.constant 2 : i32
      %add3A_948 = vector.broadcast %add3A_947 : i32 to vector<16xi32>
      %add3A_949 = arith.addi %mul3A_946, %add3A_948 : vector<16xi32>
      %gather3A_950 = tpu.vector_load_idx %arg6[%add3A_949] : memref<65536xi32, #tpu.memory_space<vmem>>[vector<16xi32>], vector<16xi32>,
      %eq3A_951 = arith.cmpi eq, %gather3A_950, %add3A_916 : vector<16xi32>
      %jit3A_952 = arith.constant 1 : i32
      %broadcast_in_dim3A_953 = vector.broadcast %jit3A_952 : i32 to vector<16xi32>
      %select_n3A_954 = arith.select %eq3A_951, %broadcast_in_dim3A_953, %select_n3A_943 : vector<16xi1>, vector<16xi32>
      %mul3A_955 = arith.constant 16 : i32
      %mul3A_956 = vector.broadcast %mul3A_955 : i32 to vector<16xi32>
      %mul3A_957 = arith.muli %gather3A_921, %mul3A_956 : vector<16xi32>
      %add3A_958 = arith.constant 3 : i32
      %add3A_959 = vector.broadcast %add3A_958 : i32 to vector<16xi32>
      %add3A_960 = arith.addi %mul3A_957, %add3A_959 : vector<16xi32>
      %gather3A_961 = tpu.vector_load_idx %arg6[%add3A_960] : memref<65536xi32, #tpu.memory_space<vmem>>[vector<16xi32>], vector<16xi32>,
      %eq3A_962 = arith.cmpi eq, %gather3A_961, %add3A_916 : vector<16xi32>
      %jit3A_963 = arith.constant 1 : i32
      %broadcast_in_dim3A_964 = vector.broadcast %jit3A_963 : i32 to vector<16xi32>
      %select_n3A_965 = arith.select %eq3A_962, %broadcast_in_dim3A_964, %select_n3A_954 : vector<16xi1>, vector<16xi32>
      %mul3A_966 = arith.constant 16 : i32
      %mul3A_967 = vector.broadcast %mul3A_966 : i32 to vector<16xi32>
      %mul3A_968 = arith.muli %gather3A_921, %mul3A_967 : vector<16xi32>
      %add3A_969 = arith.constant 4 : i32
      %add3A_970 = vector.broadcast %add3A_969 : i32 to vector<16xi32>
      %add3A_971 = arith.addi %mul3A_968, %add3A_970 : vector<16xi32>
      %gather3A_972 = tpu.vector_load_idx %arg6[%add3A_971] : memref<65536xi32, #tpu.memory_space<vmem>>[vector<16xi32>], vector<16xi32>,
      %eq3A_973 = arith.cmpi eq, %gather3A_972, %add3A_916 : vector<16xi32>
      %jit3A_974 = arith.constant 1 : i32
      %broadcast_in_dim3A_975 = vector.broadcast %jit3A_974 : i32 to vector<16xi32>
      %select_n3A_976 = arith.select %eq3A_973, %broadcast_in_dim3A_975, %select_n3A_965 : vector<16xi1>, vector<16xi32>
      %mul3A_977 = arith.constant 16 : i32
      %mul3A_978 = vector.broadcast %mul3A_977 : i32 to vector<16xi32>
      %mul3A_979 = arith.muli %gather3A_921, %mul3A_978 : vector<16xi32>
      %add3A_980 = arith.constant 5 : i32
      %add3A_981 = vector.broadcast %add3A_980 : i32 to vector<16xi32>
      %add3A_982 = arith.addi %mul3A_979, %add3A_981 : vector<16xi32>
      %gather3A_983 = tpu.vector_load_idx %arg6[%add3A_982] : memref<65536xi32, #tpu.memory_space<vmem>>[vector<16xi32>], vector<16xi32>,
      %eq3A_984 = arith.cmpi eq, %gather3A_983, %add3A_916 : vector<16xi32>
      %jit3A_985 = arith.constant 1 : i32
      %broadcast_in_dim3A_986 = vector.broadcast %jit3A_985 : i32 to vector<16xi32>
      %select_n3A_987 = arith.select %eq3A_984, %broadcast_in_dim3A_986, %select_n3A_976 : vector<16xi1>, vector<16xi32>
      %mul3A_988 = arith.constant 16 : i32
      %mul3A_989 = vector.broadcast %mul3A_988 : i32 to vector<16xi32>
      %mul3A_990 = arith.muli %gather3A_921, %mul3A_989 : vector<16xi32>
      %add3A_991 = arith.constant 6 : i32
      %add3A_992 = vector.broadcast %add3A_991 : i32 to vector<16xi32>
      %add3A_993 = arith.addi %mul3A_990, %add3A_992 : vector<16xi32>
      %gather3A_994 = tpu.vector_load_idx %arg6[%add3A_993] : memref<65536xi32, #tpu.memory_space<vmem>>[vector<16xi32>], vector<16xi32>,
      %eq3A_995 = arith.cmpi eq, %gather3A_994, %add3A_916 : vector<16xi32>
      %jit3A_996 = arith.constant 1 : i32
      %broadcast_in_dim3A_997 = vector.broadcast %jit3A_996 : i32 to vector<16xi32>
      %select_n3A_998 = arith.select %eq3A_995, %broadcast_in_dim3A_997, %select_n3A_987 : vector<16xi1>, vector<16xi32>
      %mul3A_999 = arith.constant 16 : i32
      %mul3A_1000 = vector.broadcast %mul3A_999 : i32 to vector<16xi32>
      %mul3A_1001 = arith.muli %gather3A_921, %mul3A_1000 : vector<16xi32>
      %add3A_1002 = arith.constant 7 : i32
      %add3A_1003 = vector.broadcast %add3A_1002 : i32 to vector<16xi32>
      %add3A_1004 = arith.addi %mul3A_1001, %add3A_1003 : vector<16xi32>
      %gather3A_1005 = tpu.vector_load_idx %arg6[%add3A_1004] : memref<65536xi32, #tpu.memory_space<vmem>>[vector<16xi32>], vector<16xi32>,
      %eq3A_1006 = arith.cmpi eq, %gather3A_1005, %add3A_916 : vector<16xi32>
      %jit3A_1007 = arith.constant 1 : i32
      %broadcast_in_dim3A_1008 = vector.broadcast %jit3A_1007 : i32 to vector<16xi32>
      %select_n3A_1009 = arith.select %eq3A_1006, %broadcast_in_dim3A_1008, %select_n3A_998 : vector<16xi1>, vector<16xi32>
      %mul3A_1010 = arith.constant 16 : i32
      %mul3A_1011 = vector.broadcast %mul3A_1010 : i32 to vector<16xi32>
      %mul3A_1012 = arith.muli %gather3A_921, %mul3A_1011 : vector<16xi32>
      %add3A_1013 = arith.constant 8 : i32
      %add3A_1014 = vector.broadcast %add3A_1013 : i32 to vector<16xi32>
      %add3A_1015 = arith.addi %mul3A_1012, %add3A_1014 : vector<16xi32>
      %gather3A_1016 = tpu.vector_load_idx %arg6[%add3A_1015] : memref<65536xi32, #tpu.memory_space<vmem>>[vector<16xi32>], vector<16xi32>,
      %eq3A_1017 = arith.cmpi eq, %gather3A_1016, %add3A_916 : vector<16xi32>
      %jit3A_1018 = arith.constant 1 : i32
      %broadcast_in_dim3A_1019 = vector.broadcast %jit3A_1018 : i32 to vector<16xi32>
      %select_n3A_1020 = arith.select %eq3A_1017, %broadcast_in_dim3A_1019, %select_n3A_1009 : vector<16xi1>, vector<16xi32>
      %swap3A_1021 = arith.constant 112 : index
      %swap3A_1022 = tpu.vector_load %arg9[%swap3A_1021] {strides = array<i32>} : memref<128xi32, #tpu.memory_space<vmem>>, vector<16xi32>,
      tpu.vector_store %arg9[%swap3A_1021], %gather3A_921 {strides = array<i32>} : memref<128xi32, #tpu.memory_space<vmem>>, vector<16xi32>,
      %convert_element_type3A_1023 = arith.sitofp %select_n3A_1020 : vector<16xi32> to vector<16xf32>
      %sub3A_1024 = arith.constant 2.000000e+00 : f32
      %sub3A_1025 = vector.broadcast %sub3A_1024 : f32 to vector<16xf32>
      %sub3A_1026 = arith.subf %sub3A_1025, %convert_element_type3A_1023 : vector<16xf32>
      %mul3A_1027 = arith.mulf %exp3A_930, %sub3A_1026 : vector<16xf32>
      %swap3A_1028 = arith.constant 112 : index
      %swap3A_1029 = tpu.vector_load %arg11[%swap3A_1028] {strides = array<i32>} : memref<128xf32, #tpu.memory_space<vmem>>, vector<16xf32>,
      tpu.vector_store %arg11[%swap3A_1028], %mul3A_1027 {strides = array<i32>} : memref<128xf32, #tpu.memory_space<vmem>>, vector<16xf32>,
      %dma_start3A = arith.constant 0 : i32
      %dma_start3A_1030 = arith.constant 0 : i32
      %dma_start3A_1031 = tpu.memref_slice %arg4[%dma_start3A, %dma_start3A_1030] : memref<4096x64xf32, #tpu.memory_space<hbm>> -> memref<4096x64xf32, #tpu.memory_space<hbm>>
      tpu.enqueue_indirect_dma source(%dma_start3A_1031 : memref<4096x64xf32, #tpu.memory_space<hbm>>) target(%arg10 : memref<128x64xf32, #tpu.memory_space<vmem>>) offsets(%arg9 : memref<128xi32, #tpu.memory_space<vmem>>) semaphore(%arg13 : memref<!tpu.dma_semaphore, #tpu.memory_space<semaphore_mem>>)
      %dma_wait3A = arith.constant 0 : i32
      %dma_wait3A_1032 = arith.constant 0 : i32
      %dma_wait3A_1033 = tpu.memref_slice %arg4[%dma_wait3A, %dma_wait3A_1032] : memref<4096x64xf32, #tpu.memory_space<hbm>> -> memref<4096x64xf32, #tpu.memory_space<hbm>>
      tpu.wait_indirect_dma semaphore(%arg13 : memref<!tpu.dma_semaphore, #tpu.memory_space<semaphore_mem>>) src(%dma_wait3A_1033 : memref<4096x64xf32, #tpu.memory_space<hbm>>) dst(%arg10 : memref<128x64xf32, #tpu.memory_space<vmem>>)
      %scan3A_1034 = arith.constant 0 : i32
      %scan3A_1035 = arith.constant 8 : i32
      %scan3A_1036 = arith.addi %scan3A_1034, %scan3A_1035 : i32
      %scan3A_1037 = arith.constant 1 : i32
      %scan3A_1038 = scf.for %scan3A_1040 = %scan3A_1034 to %scan3A_1036 step %scan3A_1037 iter_args(%scan3A_1041 = %scan3A_13) -> (vector<16xf32>)  : i32 {
        %mul3A_1042 = arith.constant 16 : i32
        %mul3A_1043 = arith.muli %scan3A_1040, %mul3A_1042 : i32
        %add3A_1044 = arith.constant 0 : i32
        %add3A_1045 = arith.addi %mul3A_1043, %add3A_1044 : i32
        %add3A_1046 = arith.addi %mul3A_15, %add3A_1045 : i32
        %shift_right_logical3A_1047 = arith.constant 3 : i32
        %shift_right_logical3A_1048 = arith.shrui %add3A_1046, %shift_right_logical3A_1047 : i32
        %broadcast_in_dim3A_1049 = vector.broadcast %add3A_1045 : i32 to vector<16xi32>
        %gather3A_1050 = tpu.vector_load_idx %arg11[%broadcast_in_dim3A_1049] : memref<128xf32, #tpu.memory_space<vmem>>[vector<16xi32>], vector<16xf32>,
        %get3A = arith.index_cast %shift_right_logical3A_1048 : i32 to index
        %get3A_1051 = arith.constant 0 : index
        %get3A_1052 = tpu.vector_load %arg8[%get3A, %get3A_1051] {strides = array<i32>} : memref<128x64xf32, #tpu.memory_space<vmem>>, vector<16xf32>,
        %get3A_1053 = arith.index_cast %add3A_1045 : i32 to index
        %get3A_1054 = arith.constant 0 : index
        %get3A_1055 = tpu.vector_load %arg10[%get3A_1053, %get3A_1054] {strides = array<i32>} : memref<128x64xf32, #tpu.memory_space<vmem>>, vector<16xf32>,
        %sub3A_1056 = arith.subf %get3A_1052, %get3A_1055 : vector<16xf32>
        %mul3A_1057 = arith.mulf %gather3A_1050, %sub3A_1056 : vector<16xf32>
        %mul3A_1058 = arith.mulf %mul3A_1057, %sub3A_1056 : vector<16xf32>
        %add3A_1059 = arith.addf %scan3A_1041, %mul3A_1058 : vector<16xf32>
        %get3A_1060 = arith.index_cast %shift_right_logical3A_1048 : i32 to index
        %get3A_1061 = arith.constant 16 : index
        %get3A_1062 = tpu.vector_load %arg8[%get3A_1060, %get3A_1061] {strides = array<i32>} : memref<128x64xf32, #tpu.memory_space<vmem>>, vector<16xf32>,
        %get3A_1063 = arith.index_cast %add3A_1045 : i32 to index
        %get3A_1064 = arith.constant 16 : index
        %get3A_1065 = tpu.vector_load %arg10[%get3A_1063, %get3A_1064] {strides = array<i32>} : memref<128x64xf32, #tpu.memory_space<vmem>>, vector<16xf32>,
        %sub3A_1066 = arith.subf %get3A_1062, %get3A_1065 : vector<16xf32>
        %mul3A_1067 = arith.mulf %gather3A_1050, %sub3A_1066 : vector<16xf32>
        %mul3A_1068 = arith.mulf %mul3A_1067, %sub3A_1066 : vector<16xf32>
        %add3A_1069 = arith.addf %add3A_1059, %mul3A_1068 : vector<16xf32>
        %get3A_1070 = arith.index_cast %shift_right_logical3A_1048 : i32 to index
        %get3A_1071 = arith.constant 32 : index
        %get3A_1072 = tpu.vector_load %arg8[%get3A_1070, %get3A_1071] {strides = array<i32>} : memref<128x64xf32, #tpu.memory_space<vmem>>, vector<16xf32>,
        %get3A_1073 = arith.index_cast %add3A_1045 : i32 to index
        %get3A_1074 = arith.constant 32 : index
        %get3A_1075 = tpu.vector_load %arg10[%get3A_1073, %get3A_1074] {strides = array<i32>} : memref<128x64xf32, #tpu.memory_space<vmem>>, vector<16xf32>,
        %sub3A_1076 = arith.subf %get3A_1072, %get3A_1075 : vector<16xf32>
        %mul3A_1077 = arith.mulf %gather3A_1050, %sub3A_1076 : vector<16xf32>
        %mul3A_1078 = arith.mulf %mul3A_1077, %sub3A_1076 : vector<16xf32>
        %add3A_1079 = arith.addf %add3A_1069, %mul3A_1078 : vector<16xf32>
        %get3A_1080 = arith.index_cast %shift_right_logical3A_1048 : i32 to index
        %get3A_1081 = arith.constant 48 : index
        %get3A_1082 = tpu.vector_load %arg8[%get3A_1080, %get3A_1081] {strides = array<i32>} : memref<128x64xf32, #tpu.memory_space<vmem>>, vector<16xf32>,
        %get3A_1083 = arith.index_cast %add3A_1045 : i32 to index
        %get3A_1084 = arith.constant 48 : index
        %get3A_1085 = tpu.vector_load %arg10[%get3A_1083, %get3A_1084] {strides = array<i32>} : memref<128x64xf32, #tpu.memory_space<vmem>>, vector<16xf32>,
        %sub3A_1086 = arith.subf %get3A_1082, %get3A_1085 : vector<16xf32>
        %mul3A_1087 = arith.mulf %gather3A_1050, %sub3A_1086 : vector<16xf32>
        %mul3A_1088 = arith.mulf %mul3A_1087, %sub3A_1086 : vector<16xf32>
        %add3A_1089 = arith.addf %add3A_1079, %mul3A_1088 : vector<16xf32>
        %mul3A_1090 = arith.constant 16 : i32
        %mul3A_1091 = arith.muli %scan3A_1040, %mul3A_1090 : i32
        %add3A_1092 = arith.constant 1 : i32
        %add3A_1093 = arith.addi %mul3A_1091, %add3A_1092 : i32
        %add3A_1094 = arith.addi %mul3A_15, %add3A_1093 : i32
        %shift_right_logical3A_1095 = arith.constant 3 : i32
        %shift_right_logical3A_1096 = arith.shrui %add3A_1094, %shift_right_logical3A_1095 : i32
        %broadcast_in_dim3A_1097 = vector.broadcast %add3A_1093 : i32 to vector<16xi32>
        %gather3A_1098 = tpu.vector_load_idx %arg11[%broadcast_in_dim3A_1097] : memref<128xf32, #tpu.memory_space<vmem>>[vector<16xi32>], vector<16xf32>,
        %get3A_1099 = arith.index_cast %shift_right_logical3A_1096 : i32 to index
        %get3A_1100 = arith.constant 0 : index
        %get3A_1101 = tpu.vector_load %arg8[%get3A_1099, %get3A_1100] {strides = array<i32>} : memref<128x64xf32, #tpu.memory_space<vmem>>, vector<16xf32>,
        %get3A_1102 = arith.index_cast %add3A_1093 : i32 to index
        %get3A_1103 = arith.constant 0 : index
        %get3A_1104 = tpu.vector_load %arg10[%get3A_1102, %get3A_1103] {strides = array<i32>} : memref<128x64xf32, #tpu.memory_space<vmem>>, vector<16xf32>,
        %sub3A_1105 = arith.subf %get3A_1101, %get3A_1104 : vector<16xf32>
        %mul3A_1106 = arith.mulf %gather3A_1098, %sub3A_1105 : vector<16xf32>
        %mul3A_1107 = arith.mulf %mul3A_1106, %sub3A_1105 : vector<16xf32>
        %add3A_1108 = arith.addf %add3A_1089, %mul3A_1107 : vector<16xf32>
        %get3A_1109 = arith.index_cast %shift_right_logical3A_1096 : i32 to index
        %get3A_1110 = arith.constant 16 : index
        %get3A_1111 = tpu.vector_load %arg8[%get3A_1109, %get3A_1110] {strides = array<i32>} : memref<128x64xf32, #tpu.memory_space<vmem>>, vector<16xf32>,
        %get3A_1112 = arith.index_cast %add3A_1093 : i32 to index
        %get3A_1113 = arith.constant 16 : index
        %get3A_1114 = tpu.vector_load %arg10[%get3A_1112, %get3A_1113] {strides = array<i32>} : memref<128x64xf32, #tpu.memory_space<vmem>>, vector<16xf32>,
        %sub3A_1115 = arith.subf %get3A_1111, %get3A_1114 : vector<16xf32>
        %mul3A_1116 = arith.mulf %gather3A_1098, %sub3A_1115 : vector<16xf32>
        %mul3A_1117 = arith.mulf %mul3A_1116, %sub3A_1115 : vector<16xf32>
        %add3A_1118 = arith.addf %add3A_1108, %mul3A_1117 : vector<16xf32>
        %get3A_1119 = arith.index_cast %shift_right_logical3A_1096 : i32 to index
        %get3A_1120 = arith.constant 32 : index
        %get3A_1121 = tpu.vector_load %arg8[%get3A_1119, %get3A_1120] {strides = array<i32>} : memref<128x64xf32, #tpu.memory_space<vmem>>, vector<16xf32>,
        %get3A_1122 = arith.index_cast %add3A_1093 : i32 to index
        %get3A_1123 = arith.constant 32 : index
        %get3A_1124 = tpu.vector_load %arg10[%get3A_1122, %get3A_1123] {strides = array<i32>} : memref<128x64xf32, #tpu.memory_space<vmem>>, vector<16xf32>,
        %sub3A_1125 = arith.subf %get3A_1121, %get3A_1124 : vector<16xf32>
        %mul3A_1126 = arith.mulf %gather3A_1098, %sub3A_1125 : vector<16xf32>
        %mul3A_1127 = arith.mulf %mul3A_1126, %sub3A_1125 : vector<16xf32>
        %add3A_1128 = arith.addf %add3A_1118, %mul3A_1127 : vector<16xf32>
        %get3A_1129 = arith.index_cast %shift_right_logical3A_1096 : i32 to index
        %get3A_1130 = arith.constant 48 : index
        %get3A_1131 = tpu.vector_load %arg8[%get3A_1129, %get3A_1130] {strides = array<i32>} : memref<128x64xf32, #tpu.memory_space<vmem>>, vector<16xf32>,
        %get3A_1132 = arith.index_cast %add3A_1093 : i32 to index
        %get3A_1133 = arith.constant 48 : index
        %get3A_1134 = tpu.vector_load %arg10[%get3A_1132, %get3A_1133] {strides = array<i32>} : memref<128x64xf32, #tpu.memory_space<vmem>>, vector<16xf32>,
        %sub3A_1135 = arith.subf %get3A_1131, %get3A_1134 : vector<16xf32>
        %mul3A_1136 = arith.mulf %gather3A_1098, %sub3A_1135 : vector<16xf32>
        %mul3A_1137 = arith.mulf %mul3A_1136, %sub3A_1135 : vector<16xf32>
        %add3A_1138 = arith.addf %add3A_1128, %mul3A_1137 : vector<16xf32>
        %mul3A_1139 = arith.constant 16 : i32
        %mul3A_1140 = arith.muli %scan3A_1040, %mul3A_1139 : i32
        %add3A_1141 = arith.constant 2 : i32
        %add3A_1142 = arith.addi %mul3A_1140, %add3A_1141 : i32
        %add3A_1143 = arith.addi %mul3A_15, %add3A_1142 : i32
        %shift_right_logical3A_1144 = arith.constant 3 : i32
        %shift_right_logical3A_1145 = arith.shrui %add3A_1143, %shift_right_logical3A_1144 : i32
        %broadcast_in_dim3A_1146 = vector.broadcast %add3A_1142 : i32 to vector<16xi32>
        %gather3A_1147 = tpu.vector_load_idx %arg11[%broadcast_in_dim3A_1146] : memref<128xf32, #tpu.memory_space<vmem>>[vector<16xi32>], vector<16xf32>,
        %get3A_1148 = arith.index_cast %shift_right_logical3A_1145 : i32 to index
        %get3A_1149 = arith.constant 0 : index
        %get3A_1150 = tpu.vector_load %arg8[%get3A_1148, %get3A_1149] {strides = array<i32>} : memref<128x64xf32, #tpu.memory_space<vmem>>, vector<16xf32>,
        %get3A_1151 = arith.index_cast %add3A_1142 : i32 to index
        %get3A_1152 = arith.constant 0 : index
        %get3A_1153 = tpu.vector_load %arg10[%get3A_1151, %get3A_1152] {strides = array<i32>} : memref<128x64xf32, #tpu.memory_space<vmem>>, vector<16xf32>,
        %sub3A_1154 = arith.subf %get3A_1150, %get3A_1153 : vector<16xf32>
        %mul3A_1155 = arith.mulf %gather3A_1147, %sub3A_1154 : vector<16xf32>
        %mul3A_1156 = arith.mulf %mul3A_1155, %sub3A_1154 : vector<16xf32>
        %add3A_1157 = arith.addf %add3A_1138, %mul3A_1156 : vector<16xf32>
        %get3A_1158 = arith.index_cast %shift_right_logical3A_1145 : i32 to index
        %get3A_1159 = arith.constant 16 : index
        %get3A_1160 = tpu.vector_load %arg8[%get3A_1158, %get3A_1159] {strides = array<i32>} : memref<128x64xf32, #tpu.memory_space<vmem>>, vector<16xf32>,
        %get3A_1161 = arith.index_cast %add3A_1142 : i32 to index
        %get3A_1162 = arith.constant 16 : index
        %get3A_1163 = tpu.vector_load %arg10[%get3A_1161, %get3A_1162] {strides = array<i32>} : memref<128x64xf32, #tpu.memory_space<vmem>>, vector<16xf32>,
        %sub3A_1164 = arith.subf %get3A_1160, %get3A_1163 : vector<16xf32>
        %mul3A_1165 = arith.mulf %gather3A_1147, %sub3A_1164 : vector<16xf32>
        %mul3A_1166 = arith.mulf %mul3A_1165, %sub3A_1164 : vector<16xf32>
        %add3A_1167 = arith.addf %add3A_1157, %mul3A_1166 : vector<16xf32>
        %get3A_1168 = arith.index_cast %shift_right_logical3A_1145 : i32 to index
        %get3A_1169 = arith.constant 32 : index
        %get3A_1170 = tpu.vector_load %arg8[%get3A_1168, %get3A_1169] {strides = array<i32>} : memref<128x64xf32, #tpu.memory_space<vmem>>, vector<16xf32>,
        %get3A_1171 = arith.index_cast %add3A_1142 : i32 to index
        %get3A_1172 = arith.constant 32 : index
        %get3A_1173 = tpu.vector_load %arg10[%get3A_1171, %get3A_1172] {strides = array<i32>} : memref<128x64xf32, #tpu.memory_space<vmem>>, vector<16xf32>,
        %sub3A_1174 = arith.subf %get3A_1170, %get3A_1173 : vector<16xf32>
        %mul3A_1175 = arith.mulf %gather3A_1147, %sub3A_1174 : vector<16xf32>
        %mul3A_1176 = arith.mulf %mul3A_1175, %sub3A_1174 : vector<16xf32>
        %add3A_1177 = arith.addf %add3A_1167, %mul3A_1176 : vector<16xf32>
        %get3A_1178 = arith.index_cast %shift_right_logical3A_1145 : i32 to index
        %get3A_1179 = arith.constant 48 : index
        %get3A_1180 = tpu.vector_load %arg8[%get3A_1178, %get3A_1179] {strides = array<i32>} : memref<128x64xf32, #tpu.memory_space<vmem>>, vector<16xf32>,
        %get3A_1181 = arith.index_cast %add3A_1142 : i32 to index
        %get3A_1182 = arith.constant 48 : index
        %get3A_1183 = tpu.vector_load %arg10[%get3A_1181, %get3A_1182] {strides = array<i32>} : memref<128x64xf32, #tpu.memory_space<vmem>>, vector<16xf32>,
        %sub3A_1184 = arith.subf %get3A_1180, %get3A_1183 : vector<16xf32>
        %mul3A_1185 = arith.mulf %gather3A_1147, %sub3A_1184 : vector<16xf32>
        %mul3A_1186 = arith.mulf %mul3A_1185, %sub3A_1184 : vector<16xf32>
        %add3A_1187 = arith.addf %add3A_1177, %mul3A_1186 : vector<16xf32>
        %mul3A_1188 = arith.constant 16 : i32
        %mul3A_1189 = arith.muli %scan3A_1040, %mul3A_1188 : i32
        %add3A_1190 = arith.constant 3 : i32
        %add3A_1191 = arith.addi %mul3A_1189, %add3A_1190 : i32
        %add3A_1192 = arith.addi %mul3A_15, %add3A_1191 : i32
        %shift_right_logical3A_1193 = arith.constant 3 : i32
        %shift_right_logical3A_1194 = arith.shrui %add3A_1192, %shift_right_logical3A_1193 : i32
        %broadcast_in_dim3A_1195 = vector.broadcast %add3A_1191 : i32 to vector<16xi32>
        %gather3A_1196 = tpu.vector_load_idx %arg11[%broadcast_in_dim3A_1195] : memref<128xf32, #tpu.memory_space<vmem>>[vector<16xi32>], vector<16xf32>,
        %get3A_1197 = arith.index_cast %shift_right_logical3A_1194 : i32 to index
        %get3A_1198 = arith.constant 0 : index
        %get3A_1199 = tpu.vector_load %arg8[%get3A_1197, %get3A_1198] {strides = array<i32>} : memref<128x64xf32, #tpu.memory_space<vmem>>, vector<16xf32>,
        %get3A_1200 = arith.index_cast %add3A_1191 : i32 to index
        %get3A_1201 = arith.constant 0 : index
        %get3A_1202 = tpu.vector_load %arg10[%get3A_1200, %get3A_1201] {strides = array<i32>} : memref<128x64xf32, #tpu.memory_space<vmem>>, vector<16xf32>,
        %sub3A_1203 = arith.subf %get3A_1199, %get3A_1202 : vector<16xf32>
        %mul3A_1204 = arith.mulf %gather3A_1196, %sub3A_1203 : vector<16xf32>
        %mul3A_1205 = arith.mulf %mul3A_1204, %sub3A_1203 : vector<16xf32>
        %add3A_1206 = arith.addf %add3A_1187, %mul3A_1205 : vector<16xf32>
        %get3A_1207 = arith.index_cast %shift_right_logical3A_1194 : i32 to index
        %get3A_1208 = arith.constant 16 : index
        %get3A_1209 = tpu.vector_load %arg8[%get3A_1207, %get3A_1208] {strides = array<i32>} : memref<128x64xf32, #tpu.memory_space<vmem>>, vector<16xf32>,
        %get3A_1210 = arith.index_cast %add3A_1191 : i32 to index
        %get3A_1211 = arith.constant 16 : index
        %get3A_1212 = tpu.vector_load %arg10[%get3A_1210, %get3A_1211] {strides = array<i32>} : memref<128x64xf32, #tpu.memory_space<vmem>>, vector<16xf32>,
        %sub3A_1213 = arith.subf %get3A_1209, %get3A_1212 : vector<16xf32>
        %mul3A_1214 = arith.mulf %gather3A_1196, %sub3A_1213 : vector<16xf32>
        %mul3A_1215 = arith.mulf %mul3A_1214, %sub3A_1213 : vector<16xf32>
        %add3A_1216 = arith.addf %add3A_1206, %mul3A_1215 : vector<16xf32>
        %get3A_1217 = arith.index_cast %shift_right_logical3A_1194 : i32 to index
        %get3A_1218 = arith.constant 32 : index
        %get3A_1219 = tpu.vector_load %arg8[%get3A_1217, %get3A_1218] {strides = array<i32>} : memref<128x64xf32, #tpu.memory_space<vmem>>, vector<16xf32>,
        %get3A_1220 = arith.index_cast %add3A_1191 : i32 to index
        %get3A_1221 = arith.constant 32 : index
        %get3A_1222 = tpu.vector_load %arg10[%get3A_1220, %get3A_1221] {strides = array<i32>} : memref<128x64xf32, #tpu.memory_space<vmem>>, vector<16xf32>,
        %sub3A_1223 = arith.subf %get3A_1219, %get3A_1222 : vector<16xf32>
        %mul3A_1224 = arith.mulf %gather3A_1196, %sub3A_1223 : vector<16xf32>
        %mul3A_1225 = arith.mulf %mul3A_1224, %sub3A_1223 : vector<16xf32>
        %add3A_1226 = arith.addf %add3A_1216, %mul3A_1225 : vector<16xf32>
        %get3A_1227 = arith.index_cast %shift_right_logical3A_1194 : i32 to index
        %get3A_1228 = arith.constant 48 : index
        %get3A_1229 = tpu.vector_load %arg8[%get3A_1227, %get3A_1228] {strides = array<i32>} : memref<128x64xf32, #tpu.memory_space<vmem>>, vector<16xf32>,
        %get3A_1230 = arith.index_cast %add3A_1191 : i32 to index
        %get3A_1231 = arith.constant 48 : index
        %get3A_1232 = tpu.vector_load %arg10[%get3A_1230, %get3A_1231] {strides = array<i32>} : memref<128x64xf32, #tpu.memory_space<vmem>>, vector<16xf32>,
        %sub3A_1233 = arith.subf %get3A_1229, %get3A_1232 : vector<16xf32>
        %mul3A_1234 = arith.mulf %gather3A_1196, %sub3A_1233 : vector<16xf32>
        %mul3A_1235 = arith.mulf %mul3A_1234, %sub3A_1233 : vector<16xf32>
        %add3A_1236 = arith.addf %add3A_1226, %mul3A_1235 : vector<16xf32>
        %mul3A_1237 = arith.constant 16 : i32
        %mul3A_1238 = arith.muli %scan3A_1040, %mul3A_1237 : i32
        %add3A_1239 = arith.constant 4 : i32
        %add3A_1240 = arith.addi %mul3A_1238, %add3A_1239 : i32
        %add3A_1241 = arith.addi %mul3A_15, %add3A_1240 : i32
        %shift_right_logical3A_1242 = arith.constant 3 : i32
        %shift_right_logical3A_1243 = arith.shrui %add3A_1241, %shift_right_logical3A_1242 : i32
        %broadcast_in_dim3A_1244 = vector.broadcast %add3A_1240 : i32 to vector<16xi32>
        %gather3A_1245 = tpu.vector_load_idx %arg11[%broadcast_in_dim3A_1244] : memref<128xf32, #tpu.memory_space<vmem>>[vector<16xi32>], vector<16xf32>,
        %get3A_1246 = arith.index_cast %shift_right_logical3A_1243 : i32 to index
        %get3A_1247 = arith.constant 0 : index
        %get3A_1248 = tpu.vector_load %arg8[%get3A_1246, %get3A_1247] {strides = array<i32>} : memref<128x64xf32, #tpu.memory_space<vmem>>, vector<16xf32>,
        %get3A_1249 = arith.index_cast %add3A_1240 : i32 to index
        %get3A_1250 = arith.constant 0 : index
        %get3A_1251 = tpu.vector_load %arg10[%get3A_1249, %get3A_1250] {strides = array<i32>} : memref<128x64xf32, #tpu.memory_space<vmem>>, vector<16xf32>,
        %sub3A_1252 = arith.subf %get3A_1248, %get3A_1251 : vector<16xf32>
        %mul3A_1253 = arith.mulf %gather3A_1245, %sub3A_1252 : vector<16xf32>
        %mul3A_1254 = arith.mulf %mul3A_1253, %sub3A_1252 : vector<16xf32>
        %add3A_1255 = arith.addf %add3A_1236, %mul3A_1254 : vector<16xf32>
        %get3A_1256 = arith.index_cast %shift_right_logical3A_1243 : i32 to index
        %get3A_1257 = arith.constant 16 : index
        %get3A_1258 = tpu.vector_load %arg8[%get3A_1256, %get3A_1257] {strides = array<i32>} : memref<128x64xf32, #tpu.memory_space<vmem>>, vector<16xf32>,
        %get3A_1259 = arith.index_cast %add3A_1240 : i32 to index
        %get3A_1260 = arith.constant 16 : index
        %get3A_1261 = tpu.vector_load %arg10[%get3A_1259, %get3A_1260] {strides = array<i32>} : memref<128x64xf32, #tpu.memory_space<vmem>>, vector<16xf32>,
        %sub3A_1262 = arith.subf %get3A_1258, %get3A_1261 : vector<16xf32>
        %mul3A_1263 = arith.mulf %gather3A_1245, %sub3A_1262 : vector<16xf32>
        %mul3A_1264 = arith.mulf %mul3A_1263, %sub3A_1262 : vector<16xf32>
        %add3A_1265 = arith.addf %add3A_1255, %mul3A_1264 : vector<16xf32>
        %get3A_1266 = arith.index_cast %shift_right_logical3A_1243 : i32 to index
        %get3A_1267 = arith.constant 32 : index
        %get3A_1268 = tpu.vector_load %arg8[%get3A_1266, %get3A_1267] {strides = array<i32>} : memref<128x64xf32, #tpu.memory_space<vmem>>, vector<16xf32>,
        %get3A_1269 = arith.index_cast %add3A_1240 : i32 to index
        %get3A_1270 = arith.constant 32 : index
        %get3A_1271 = tpu.vector_load %arg10[%get3A_1269, %get3A_1270] {strides = array<i32>} : memref<128x64xf32, #tpu.memory_space<vmem>>, vector<16xf32>,
        %sub3A_1272 = arith.subf %get3A_1268, %get3A_1271 : vector<16xf32>
        %mul3A_1273 = arith.mulf %gather3A_1245, %sub3A_1272 : vector<16xf32>
        %mul3A_1274 = arith.mulf %mul3A_1273, %sub3A_1272 : vector<16xf32>
        %add3A_1275 = arith.addf %add3A_1265, %mul3A_1274 : vector<16xf32>
        %get3A_1276 = arith.index_cast %shift_right_logical3A_1243 : i32 to index
        %get3A_1277 = arith.constant 48 : index
        %get3A_1278 = tpu.vector_load %arg8[%get3A_1276, %get3A_1277] {strides = array<i32>} : memref<128x64xf32, #tpu.memory_space<vmem>>, vector<16xf32>,
        %get3A_1279 = arith.index_cast %add3A_1240 : i32 to index
        %get3A_1280 = arith.constant 48 : index
        %get3A_1281 = tpu.vector_load %arg10[%get3A_1279, %get3A_1280] {strides = array<i32>} : memref<128x64xf32, #tpu.memory_space<vmem>>, vector<16xf32>,
        %sub3A_1282 = arith.subf %get3A_1278, %get3A_1281 : vector<16xf32>
        %mul3A_1283 = arith.mulf %gather3A_1245, %sub3A_1282 : vector<16xf32>
        %mul3A_1284 = arith.mulf %mul3A_1283, %sub3A_1282 : vector<16xf32>
        %add3A_1285 = arith.addf %add3A_1275, %mul3A_1284 : vector<16xf32>
        %mul3A_1286 = arith.constant 16 : i32
        %mul3A_1287 = arith.muli %scan3A_1040, %mul3A_1286 : i32
        %add3A_1288 = arith.constant 5 : i32
        %add3A_1289 = arith.addi %mul3A_1287, %add3A_1288 : i32
        %add3A_1290 = arith.addi %mul3A_15, %add3A_1289 : i32
        %shift_right_logical3A_1291 = arith.constant 3 : i32
        %shift_right_logical3A_1292 = arith.shrui %add3A_1290, %shift_right_logical3A_1291 : i32
        %broadcast_in_dim3A_1293 = vector.broadcast %add3A_1289 : i32 to vector<16xi32>
        %gather3A_1294 = tpu.vector_load_idx %arg11[%broadcast_in_dim3A_1293] : memref<128xf32, #tpu.memory_space<vmem>>[vector<16xi32>], vector<16xf32>,
        %get3A_1295 = arith.index_cast %shift_right_logical3A_1292 : i32 to index
        %get3A_1296 = arith.constant 0 : index
        %get3A_1297 = tpu.vector_load %arg8[%get3A_1295, %get3A_1296] {strides = array<i32>} : memref<128x64xf32, #tpu.memory_space<vmem>>, vector<16xf32>,
        %get3A_1298 = arith.index_cast %add3A_1289 : i32 to index
        %get3A_1299 = arith.constant 0 : index
        %get3A_1300 = tpu.vector_load %arg10[%get3A_1298, %get3A_1299] {strides = array<i32>} : memref<128x64xf32, #tpu.memory_space<vmem>>, vector<16xf32>,
        %sub3A_1301 = arith.subf %get3A_1297, %get3A_1300 : vector<16xf32>
        %mul3A_1302 = arith.mulf %gather3A_1294, %sub3A_1301 : vector<16xf32>
        %mul3A_1303 = arith.mulf %mul3A_1302, %sub3A_1301 : vector<16xf32>
        %add3A_1304 = arith.addf %add3A_1285, %mul3A_1303 : vector<16xf32>
        %get3A_1305 = arith.index_cast %shift_right_logical3A_1292 : i32 to index
        %get3A_1306 = arith.constant 16 : index
        %get3A_1307 = tpu.vector_load %arg8[%get3A_1305, %get3A_1306] {strides = array<i32>} : memref<128x64xf32, #tpu.memory_space<vmem>>, vector<16xf32>,
        %get3A_1308 = arith.index_cast %add3A_1289 : i32 to index
        %get3A_1309 = arith.constant 16 : index
        %get3A_1310 = tpu.vector_load %arg10[%get3A_1308, %get3A_1309] {strides = array<i32>} : memref<128x64xf32, #tpu.memory_space<vmem>>, vector<16xf32>,
        %sub3A_1311 = arith.subf %get3A_1307, %get3A_1310 : vector<16xf32>
        %mul3A_1312 = arith.mulf %gather3A_1294, %sub3A_1311 : vector<16xf32>
        %mul3A_1313 = arith.mulf %mul3A_1312, %sub3A_1311 : vector<16xf32>
        %add3A_1314 = arith.addf %add3A_1304, %mul3A_1313 : vector<16xf32>
        %get3A_1315 = arith.index_cast %shift_right_logical3A_1292 : i32 to index
        %get3A_1316 = arith.constant 32 : index
        %get3A_1317 = tpu.vector_load %arg8[%get3A_1315, %get3A_1316] {strides = array<i32>} : memref<128x64xf32, #tpu.memory_space<vmem>>, vector<16xf32>,
        %get3A_1318 = arith.index_cast %add3A_1289 : i32 to index
        %get3A_1319 = arith.constant 32 : index
        %get3A_1320 = tpu.vector_load %arg10[%get3A_1318, %get3A_1319] {strides = array<i32>} : memref<128x64xf32, #tpu.memory_space<vmem>>, vector<16xf32>,
        %sub3A_1321 = arith.subf %get3A_1317, %get3A_1320 : vector<16xf32>
        %mul3A_1322 = arith.mulf %gather3A_1294, %sub3A_1321 : vector<16xf32>
        %mul3A_1323 = arith.mulf %mul3A_1322, %sub3A_1321 : vector<16xf32>
        %add3A_1324 = arith.addf %add3A_1314, %mul3A_1323 : vector<16xf32>
        %get3A_1325 = arith.index_cast %shift_right_logical3A_1292 : i32 to index
        %get3A_1326 = arith.constant 48 : index
        %get3A_1327 = tpu.vector_load %arg8[%get3A_1325, %get3A_1326] {strides = array<i32>} : memref<128x64xf32, #tpu.memory_space<vmem>>, vector<16xf32>,
        %get3A_1328 = arith.index_cast %add3A_1289 : i32 to index
        %get3A_1329 = arith.constant 48 : index
        %get3A_1330 = tpu.vector_load %arg10[%get3A_1328, %get3A_1329] {strides = array<i32>} : memref<128x64xf32, #tpu.memory_space<vmem>>, vector<16xf32>,
        %sub3A_1331 = arith.subf %get3A_1327, %get3A_1330 : vector<16xf32>
        %mul3A_1332 = arith.mulf %gather3A_1294, %sub3A_1331 : vector<16xf32>
        %mul3A_1333 = arith.mulf %mul3A_1332, %sub3A_1331 : vector<16xf32>
        %add3A_1334 = arith.addf %add3A_1324, %mul3A_1333 : vector<16xf32>
        %mul3A_1335 = arith.constant 16 : i32
        %mul3A_1336 = arith.muli %scan3A_1040, %mul3A_1335 : i32
        %add3A_1337 = arith.constant 6 : i32
        %add3A_1338 = arith.addi %mul3A_1336, %add3A_1337 : i32
        %add3A_1339 = arith.addi %mul3A_15, %add3A_1338 : i32
        %shift_right_logical3A_1340 = arith.constant 3 : i32
        %shift_right_logical3A_1341 = arith.shrui %add3A_1339, %shift_right_logical3A_1340 : i32
        %broadcast_in_dim3A_1342 = vector.broadcast %add3A_1338 : i32 to vector<16xi32>
        %gather3A_1343 = tpu.vector_load_idx %arg11[%broadcast_in_dim3A_1342] : memref<128xf32, #tpu.memory_space<vmem>>[vector<16xi32>], vector<16xf32>,
        %get3A_1344 = arith.index_cast %shift_right_logical3A_1341 : i32 to index
        %get3A_1345 = arith.constant 0 : index
        %get3A_1346 = tpu.vector_load %arg8[%get3A_1344, %get3A_1345] {strides = array<i32>} : memref<128x64xf32, #tpu.memory_space<vmem>>, vector<16xf32>,
        %get3A_1347 = arith.index_cast %add3A_1338 : i32 to index
        %get3A_1348 = arith.constant 0 : index
        %get3A_1349 = tpu.vector_load %arg10[%get3A_1347, %get3A_1348] {strides = array<i32>} : memref<128x64xf32, #tpu.memory_space<vmem>>, vector<16xf32>,
        %sub3A_1350 = arith.subf %get3A_1346, %get3A_1349 : vector<16xf32>
        %mul3A_1351 = arith.mulf %gather3A_1343, %sub3A_1350 : vector<16xf32>
        %mul3A_1352 = arith.mulf %mul3A_1351, %sub3A_1350 : vector<16xf32>
        %add3A_1353 = arith.addf %add3A_1334, %mul3A_1352 : vector<16xf32>
        %get3A_1354 = arith.index_cast %shift_right_logical3A_1341 : i32 to index
        %get3A_1355 = arith.constant 16 : index
        %get3A_1356 = tpu.vector_load %arg8[%get3A_1354, %get3A_1355] {strides = array<i32>} : memref<128x64xf32, #tpu.memory_space<vmem>>, vector<16xf32>,
        %get3A_1357 = arith.index_cast %add3A_1338 : i32 to index
        %get3A_1358 = arith.constant 16 : index
        %get3A_1359 = tpu.vector_load %arg10[%get3A_1357, %get3A_1358] {strides = array<i32>} : memref<128x64xf32, #tpu.memory_space<vmem>>, vector<16xf32>,
        %sub3A_1360 = arith.subf %get3A_1356, %get3A_1359 : vector<16xf32>
        %mul3A_1361 = arith.mulf %gather3A_1343, %sub3A_1360 : vector<16xf32>
        %mul3A_1362 = arith.mulf %mul3A_1361, %sub3A_1360 : vector<16xf32>
        %add3A_1363 = arith.addf %add3A_1353, %mul3A_1362 : vector<16xf32>
        %get3A_1364 = arith.index_cast %shift_right_logical3A_1341 : i32 to index
        %get3A_1365 = arith.constant 32 : index
        %get3A_1366 = tpu.vector_load %arg8[%get3A_1364, %get3A_1365] {strides = array<i32>} : memref<128x64xf32, #tpu.memory_space<vmem>>, vector<16xf32>,
        %get3A_1367 = arith.index_cast %add3A_1338 : i32 to index
        %get3A_1368 = arith.constant 32 : index
        %get3A_1369 = tpu.vector_load %arg10[%get3A_1367, %get3A_1368] {strides = array<i32>} : memref<128x64xf32, #tpu.memory_space<vmem>>, vector<16xf32>,
        %sub3A_1370 = arith.subf %get3A_1366, %get3A_1369 : vector<16xf32>
        %mul3A_1371 = arith.mulf %gather3A_1343, %sub3A_1370 : vector<16xf32>
        %mul3A_1372 = arith.mulf %mul3A_1371, %sub3A_1370 : vector<16xf32>
        %add3A_1373 = arith.addf %add3A_1363, %mul3A_1372 : vector<16xf32>
        %get3A_1374 = arith.index_cast %shift_right_logical3A_1341 : i32 to index
        %get3A_1375 = arith.constant 48 : index
        %get3A_1376 = tpu.vector_load %arg8[%get3A_1374, %get3A_1375] {strides = array<i32>} : memref<128x64xf32, #tpu.memory_space<vmem>>, vector<16xf32>,
        %get3A_1377 = arith.index_cast %add3A_1338 : i32 to index
        %get3A_1378 = arith.constant 48 : index
        %get3A_1379 = tpu.vector_load %arg10[%get3A_1377, %get3A_1378] {strides = array<i32>} : memref<128x64xf32, #tpu.memory_space<vmem>>, vector<16xf32>,
        %sub3A_1380 = arith.subf %get3A_1376, %get3A_1379 : vector<16xf32>
        %mul3A_1381 = arith.mulf %gather3A_1343, %sub3A_1380 : vector<16xf32>
        %mul3A_1382 = arith.mulf %mul3A_1381, %sub3A_1380 : vector<16xf32>
        %add3A_1383 = arith.addf %add3A_1373, %mul3A_1382 : vector<16xf32>
        %mul3A_1384 = arith.constant 16 : i32
        %mul3A_1385 = arith.muli %scan3A_1040, %mul3A_1384 : i32
        %add3A_1386 = arith.constant 7 : i32
        %add3A_1387 = arith.addi %mul3A_1385, %add3A_1386 : i32
        %add3A_1388 = arith.addi %mul3A_15, %add3A_1387 : i32
        %shift_right_logical3A_1389 = arith.constant 3 : i32
        %shift_right_logical3A_1390 = arith.shrui %add3A_1388, %shift_right_logical3A_1389 : i32
        %broadcast_in_dim3A_1391 = vector.broadcast %add3A_1387 : i32 to vector<16xi32>
        %gather3A_1392 = tpu.vector_load_idx %arg11[%broadcast_in_dim3A_1391] : memref<128xf32, #tpu.memory_space<vmem>>[vector<16xi32>], vector<16xf32>,
        %get3A_1393 = arith.index_cast %shift_right_logical3A_1390 : i32 to index
        %get3A_1394 = arith.constant 0 : index
        %get3A_1395 = tpu.vector_load %arg8[%get3A_1393, %get3A_1394] {strides = array<i32>} : memref<128x64xf32, #tpu.memory_space<vmem>>, vector<16xf32>,
        %get3A_1396 = arith.index_cast %add3A_1387 : i32 to index
        %get3A_1397 = arith.constant 0 : index
        %get3A_1398 = tpu.vector_load %arg10[%get3A_1396, %get3A_1397] {strides = array<i32>} : memref<128x64xf32, #tpu.memory_space<vmem>>, vector<16xf32>,
        %sub3A_1399 = arith.subf %get3A_1395, %get3A_1398 : vector<16xf32>
        %mul3A_1400 = arith.mulf %gather3A_1392, %sub3A_1399 : vector<16xf32>
        %mul3A_1401 = arith.mulf %mul3A_1400, %sub3A_1399 : vector<16xf32>
        %add3A_1402 = arith.addf %add3A_1383, %mul3A_1401 : vector<16xf32>
        %get3A_1403 = arith.index_cast %shift_right_logical3A_1390 : i32 to index
        %get3A_1404 = arith.constant 16 : index
        %get3A_1405 = tpu.vector_load %arg8[%get3A_1403, %get3A_1404] {strides = array<i32>} : memref<128x64xf32, #tpu.memory_space<vmem>>, vector<16xf32>,
        %get3A_1406 = arith.index_cast %add3A_1387 : i32 to index
        %get3A_1407 = arith.constant 16 : index
        %get3A_1408 = tpu.vector_load %arg10[%get3A_1406, %get3A_1407] {strides = array<i32>} : memref<128x64xf32, #tpu.memory_space<vmem>>, vector<16xf32>,
        %sub3A_1409 = arith.subf %get3A_1405, %get3A_1408 : vector<16xf32>
        %mul3A_1410 = arith.mulf %gather3A_1392, %sub3A_1409 : vector<16xf32>
        %mul3A_1411 = arith.mulf %mul3A_1410, %sub3A_1409 : vector<16xf32>
        %add3A_1412 = arith.addf %add3A_1402, %mul3A_1411 : vector<16xf32>
        %get3A_1413 = arith.index_cast %shift_right_logical3A_1390 : i32 to index
        %get3A_1414 = arith.constant 32 : index
        %get3A_1415 = tpu.vector_load %arg8[%get3A_1413, %get3A_1414] {strides = array<i32>} : memref<128x64xf32, #tpu.memory_space<vmem>>, vector<16xf32>,
        %get3A_1416 = arith.index_cast %add3A_1387 : i32 to index
        %get3A_1417 = arith.constant 32 : index
        %get3A_1418 = tpu.vector_load %arg10[%get3A_1416, %get3A_1417] {strides = array<i32>} : memref<128x64xf32, #tpu.memory_space<vmem>>, vector<16xf32>,
        %sub3A_1419 = arith.subf %get3A_1415, %get3A_1418 : vector<16xf32>
        %mul3A_1420 = arith.mulf %gather3A_1392, %sub3A_1419 : vector<16xf32>
        %mul3A_1421 = arith.mulf %mul3A_1420, %sub3A_1419 : vector<16xf32>
        %add3A_1422 = arith.addf %add3A_1412, %mul3A_1421 : vector<16xf32>
        %get3A_1423 = arith.index_cast %shift_right_logical3A_1390 : i32 to index
        %get3A_1424 = arith.constant 48 : index
        %get3A_1425 = tpu.vector_load %arg8[%get3A_1423, %get3A_1424] {strides = array<i32>} : memref<128x64xf32, #tpu.memory_space<vmem>>, vector<16xf32>,
        %get3A_1426 = arith.index_cast %add3A_1387 : i32 to index
        %get3A_1427 = arith.constant 48 : index
        %get3A_1428 = tpu.vector_load %arg10[%get3A_1426, %get3A_1427] {strides = array<i32>} : memref<128x64xf32, #tpu.memory_space<vmem>>, vector<16xf32>,
        %sub3A_1429 = arith.subf %get3A_1425, %get3A_1428 : vector<16xf32>
        %mul3A_1430 = arith.mulf %gather3A_1392, %sub3A_1429 : vector<16xf32>
        %mul3A_1431 = arith.mulf %mul3A_1430, %sub3A_1429 : vector<16xf32>
        %add3A_1432 = arith.addf %add3A_1422, %mul3A_1431 : vector<16xf32>
        %mul3A_1433 = arith.constant 16 : i32
        %mul3A_1434 = arith.muli %scan3A_1040, %mul3A_1433 : i32
        %add3A_1435 = arith.constant 8 : i32
        %add3A_1436 = arith.addi %mul3A_1434, %add3A_1435 : i32
        %add3A_1437 = arith.addi %mul3A_15, %add3A_1436 : i32
        %shift_right_logical3A_1438 = arith.constant 3 : i32
        %shift_right_logical3A_1439 = arith.shrui %add3A_1437, %shift_right_logical3A_1438 : i32
        %broadcast_in_dim3A_1440 = vector.broadcast %add3A_1436 : i32 to vector<16xi32>
        %gather3A_1441 = tpu.vector_load_idx %arg11[%broadcast_in_dim3A_1440] : memref<128xf32, #tpu.memory_space<vmem>>[vector<16xi32>], vector<16xf32>,
        %get3A_1442 = arith.index_cast %shift_right_logical3A_1439 : i32 to index
        %get3A_1443 = arith.constant 0 : index
        %get3A_1444 = tpu.vector_load %arg8[%get3A_1442, %get3A_1443] {strides = array<i32>} : memref<128x64xf32, #tpu.memory_space<vmem>>, vector<16xf32>,
        %get3A_1445 = arith.index_cast %add3A_1436 : i32 to index
        %get3A_1446 = arith.constant 0 : index
        %get3A_1447 = tpu.vector_load %arg10[%get3A_1445, %get3A_1446] {strides = array<i32>} : memref<128x64xf32, #tpu.memory_space<vmem>>, vector<16xf32>,
        %sub3A_1448 = arith.subf %get3A_1444, %get3A_1447 : vector<16xf32>
        %mul3A_1449 = arith.mulf %gather3A_1441, %sub3A_1448 : vector<16xf32>
        %mul3A_1450 = arith.mulf %mul3A_1449, %sub3A_1448 : vector<16xf32>
        %add3A_1451 = arith.addf %add3A_1432, %mul3A_1450 : vector<16xf32>
        %get3A_1452 = arith.index_cast %shift_right_logical3A_1439 : i32 to index
        %get3A_1453 = arith.constant 16 : index
        %get3A_1454 = tpu.vector_load %arg8[%get3A_1452, %get3A_1453] {strides = array<i32>} : memref<128x64xf32, #tpu.memory_space<vmem>>, vector<16xf32>,
        %get3A_1455 = arith.index_cast %add3A_1436 : i32 to index
        %get3A_1456 = arith.constant 16 : index
        %get3A_1457 = tpu.vector_load %arg10[%get3A_1455, %get3A_1456] {strides = array<i32>} : memref<128x64xf32, #tpu.memory_space<vmem>>, vector<16xf32>,
        %sub3A_1458 = arith.subf %get3A_1454, %get3A_1457 : vector<16xf32>
        %mul3A_1459 = arith.mulf %gather3A_1441, %sub3A_1458 : vector<16xf32>
        %mul3A_1460 = arith.mulf %mul3A_1459, %sub3A_1458 : vector<16xf32>
        %add3A_1461 = arith.addf %add3A_1451, %mul3A_1460 : vector<16xf32>
        %get3A_1462 = arith.index_cast %shift_right_logical3A_1439 : i32 to index
        %get3A_1463 = arith.constant 32 : index
        %get3A_1464 = tpu.vector_load %arg8[%get3A_1462, %get3A_1463] {strides = array<i32>} : memref<128x64xf32, #tpu.memory_space<vmem>>, vector<16xf32>,
        %get3A_1465 = arith.index_cast %add3A_1436 : i32 to index
        %get3A_1466 = arith.constant 32 : index
        %get3A_1467 = tpu.vector_load %arg10[%get3A_1465, %get3A_1466] {strides = array<i32>} : memref<128x64xf32, #tpu.memory_space<vmem>>, vector<16xf32>,
        %sub3A_1468 = arith.subf %get3A_1464, %get3A_1467 : vector<16xf32>
        %mul3A_1469 = arith.mulf %gather3A_1441, %sub3A_1468 : vector<16xf32>
        %mul3A_1470 = arith.mulf %mul3A_1469, %sub3A_1468 : vector<16xf32>
        %add3A_1471 = arith.addf %add3A_1461, %mul3A_1470 : vector<16xf32>
        %get3A_1472 = arith.index_cast %shift_right_logical3A_1439 : i32 to index
        %get3A_1473 = arith.constant 48 : index
        %get3A_1474 = tpu.vector_load %arg8[%get3A_1472, %get3A_1473] {strides = array<i32>} : memref<128x64xf32, #tpu.memory_space<vmem>>, vector<16xf32>,
        %get3A_1475 = arith.index_cast %add3A_1436 : i32 to index
        %get3A_1476 = arith.constant 48 : index
        %get3A_1477 = tpu.vector_load %arg10[%get3A_1475, %get3A_1476] {strides = array<i32>} : memref<128x64xf32, #tpu.memory_space<vmem>>, vector<16xf32>,
        %sub3A_1478 = arith.subf %get3A_1474, %get3A_1477 : vector<16xf32>
        %mul3A_1479 = arith.mulf %gather3A_1441, %sub3A_1478 : vector<16xf32>
        %mul3A_1480 = arith.mulf %mul3A_1479, %sub3A_1478 : vector<16xf32>
        %add3A_1481 = arith.addf %add3A_1471, %mul3A_1480 : vector<16xf32>
        %mul3A_1482 = arith.constant 16 : i32
        %mul3A_1483 = arith.muli %scan3A_1040, %mul3A_1482 : i32
        %add3A_1484 = arith.constant 9 : i32
        %add3A_1485 = arith.addi %mul3A_1483, %add3A_1484 : i32
        %add3A_1486 = arith.addi %mul3A_15, %add3A_1485 : i32
        %shift_right_logical3A_1487 = arith.constant 3 : i32
        %shift_right_logical3A_1488 = arith.shrui %add3A_1486, %shift_right_logical3A_1487 : i32
        %broadcast_in_dim3A_1489 = vector.broadcast %add3A_1485 : i32 to vector<16xi32>
        %gather3A_1490 = tpu.vector_load_idx %arg11[%broadcast_in_dim3A_1489] : memref<128xf32, #tpu.memory_space<vmem>>[vector<16xi32>], vector<16xf32>,
        %get3A_1491 = arith.index_cast %shift_right_logical3A_1488 : i32 to index
        %get3A_1492 = arith.constant 0 : index
        %get3A_1493 = tpu.vector_load %arg8[%get3A_1491, %get3A_1492] {strides = array<i32>} : memref<128x64xf32, #tpu.memory_space<vmem>>, vector<16xf32>,
        %get3A_1494 = arith.index_cast %add3A_1485 : i32 to index
        %get3A_1495 = arith.constant 0 : index
        %get3A_1496 = tpu.vector_load %arg10[%get3A_1494, %get3A_1495] {strides = array<i32>} : memref<128x64xf32, #tpu.memory_space<vmem>>, vector<16xf32>,
        %sub3A_1497 = arith.subf %get3A_1493, %get3A_1496 : vector<16xf32>
        %mul3A_1498 = arith.mulf %gather3A_1490, %sub3A_1497 : vector<16xf32>
        %mul3A_1499 = arith.mulf %mul3A_1498, %sub3A_1497 : vector<16xf32>
        %add3A_1500 = arith.addf %add3A_1481, %mul3A_1499 : vector<16xf32>
        %get3A_1501 = arith.index_cast %shift_right_logical3A_1488 : i32 to index
        %get3A_1502 = arith.constant 16 : index
        %get3A_1503 = tpu.vector_load %arg8[%get3A_1501, %get3A_1502] {strides = array<i32>} : memref<128x64xf32, #tpu.memory_space<vmem>>, vector<16xf32>,
        %get3A_1504 = arith.index_cast %add3A_1485 : i32 to index
        %get3A_1505 = arith.constant 16 : index
        %get3A_1506 = tpu.vector_load %arg10[%get3A_1504, %get3A_1505] {strides = array<i32>} : memref<128x64xf32, #tpu.memory_space<vmem>>, vector<16xf32>,
        %sub3A_1507 = arith.subf %get3A_1503, %get3A_1506 : vector<16xf32>
        %mul3A_1508 = arith.mulf %gather3A_1490, %sub3A_1507 : vector<16xf32>
        %mul3A_1509 = arith.mulf %mul3A_1508, %sub3A_1507 : vector<16xf32>
        %add3A_1510 = arith.addf %add3A_1500, %mul3A_1509 : vector<16xf32>
        %get3A_1511 = arith.index_cast %shift_right_logical3A_1488 : i32 to index
        %get3A_1512 = arith.constant 32 : index
        %get3A_1513 = tpu.vector_load %arg8[%get3A_1511, %get3A_1512] {strides = array<i32>} : memref<128x64xf32, #tpu.memory_space<vmem>>, vector<16xf32>,
        %get3A_1514 = arith.index_cast %add3A_1485 : i32 to index
        %get3A_1515 = arith.constant 32 : index
        %get3A_1516 = tpu.vector_load %arg10[%get3A_1514, %get3A_1515] {strides = array<i32>} : memref<128x64xf32, #tpu.memory_space<vmem>>, vector<16xf32>,
        %sub3A_1517 = arith.subf %get3A_1513, %get3A_1516 : vector<16xf32>
        %mul3A_1518 = arith.mulf %gather3A_1490, %sub3A_1517 : vector<16xf32>
        %mul3A_1519 = arith.mulf %mul3A_1518, %sub3A_1517 : vector<16xf32>
        %add3A_1520 = arith.addf %add3A_1510, %mul3A_1519 : vector<16xf32>
        %get3A_1521 = arith.index_cast %shift_right_logical3A_1488 : i32 to index
        %get3A_1522 = arith.constant 48 : index
        %get3A_1523 = tpu.vector_load %arg8[%get3A_1521, %get3A_1522] {strides = array<i32>} : memref<128x64xf32, #tpu.memory_space<vmem>>, vector<16xf32>,
        %get3A_1524 = arith.index_cast %add3A_1485 : i32 to index
        %get3A_1525 = arith.constant 48 : index
        %get3A_1526 = tpu.vector_load %arg10[%get3A_1524, %get3A_1525] {strides = array<i32>} : memref<128x64xf32, #tpu.memory_space<vmem>>, vector<16xf32>,
        %sub3A_1527 = arith.subf %get3A_1523, %get3A_1526 : vector<16xf32>
        %mul3A_1528 = arith.mulf %gather3A_1490, %sub3A_1527 : vector<16xf32>
        %mul3A_1529 = arith.mulf %mul3A_1528, %sub3A_1527 : vector<16xf32>
        %add3A_1530 = arith.addf %add3A_1520, %mul3A_1529 : vector<16xf32>
        %mul3A_1531 = arith.constant 16 : i32
        %mul3A_1532 = arith.muli %scan3A_1040, %mul3A_1531 : i32
        %add3A_1533 = arith.constant 10 : i32
        %add3A_1534 = arith.addi %mul3A_1532, %add3A_1533 : i32
        %add3A_1535 = arith.addi %mul3A_15, %add3A_1534 : i32
        %shift_right_logical3A_1536 = arith.constant 3 : i32
        %shift_right_logical3A_1537 = arith.shrui %add3A_1535, %shift_right_logical3A_1536 : i32
        %broadcast_in_dim3A_1538 = vector.broadcast %add3A_1534 : i32 to vector<16xi32>
        %gather3A_1539 = tpu.vector_load_idx %arg11[%broadcast_in_dim3A_1538] : memref<128xf32, #tpu.memory_space<vmem>>[vector<16xi32>], vector<16xf32>,
        %get3A_1540 = arith.index_cast %shift_right_logical3A_1537 : i32 to index
        %get3A_1541 = arith.constant 0 : index
        %get3A_1542 = tpu.vector_load %arg8[%get3A_1540, %get3A_1541] {strides = array<i32>} : memref<128x64xf32, #tpu.memory_space<vmem>>, vector<16xf32>,
        %get3A_1543 = arith.index_cast %add3A_1534 : i32 to index
        %get3A_1544 = arith.constant 0 : index
        %get3A_1545 = tpu.vector_load %arg10[%get3A_1543, %get3A_1544] {strides = array<i32>} : memref<128x64xf32, #tpu.memory_space<vmem>>, vector<16xf32>,
        %sub3A_1546 = arith.subf %get3A_1542, %get3A_1545 : vector<16xf32>
        %mul3A_1547 = arith.mulf %gather3A_1539, %sub3A_1546 : vector<16xf32>
        %mul3A_1548 = arith.mulf %mul3A_1547, %sub3A_1546 : vector<16xf32>
        %add3A_1549 = arith.addf %add3A_1530, %mul3A_1548 : vector<16xf32>
        %get3A_1550 = arith.index_cast %shift_right_logical3A_1537 : i32 to index
        %get3A_1551 = arith.constant 16 : index
        %get3A_1552 = tpu.vector_load %arg8[%get3A_1550, %get3A_1551] {strides = array<i32>} : memref<128x64xf32, #tpu.memory_space<vmem>>, vector<16xf32>,
        %get3A_1553 = arith.index_cast %add3A_1534 : i32 to index
        %get3A_1554 = arith.constant 16 : index
        %get3A_1555 = tpu.vector_load %arg10[%get3A_1553, %get3A_1554] {strides = array<i32>} : memref<128x64xf32, #tpu.memory_space<vmem>>, vector<16xf32>,
        %sub3A_1556 = arith.subf %get3A_1552, %get3A_1555 : vector<16xf32>
        %mul3A_1557 = arith.mulf %gather3A_1539, %sub3A_1556 : vector<16xf32>
        %mul3A_1558 = arith.mulf %mul3A_1557, %sub3A_1556 : vector<16xf32>
        %add3A_1559 = arith.addf %add3A_1549, %mul3A_1558 : vector<16xf32>
        %get3A_1560 = arith.index_cast %shift_right_logical3A_1537 : i32 to index
        %get3A_1561 = arith.constant 32 : index
        %get3A_1562 = tpu.vector_load %arg8[%get3A_1560, %get3A_1561] {strides = array<i32>} : memref<128x64xf32, #tpu.memory_space<vmem>>, vector<16xf32>,
        %get3A_1563 = arith.index_cast %add3A_1534 : i32 to index
        %get3A_1564 = arith.constant 32 : index
        %get3A_1565 = tpu.vector_load %arg10[%get3A_1563, %get3A_1564] {strides = array<i32>} : memref<128x64xf32, #tpu.memory_space<vmem>>, vector<16xf32>,
        %sub3A_1566 = arith.subf %get3A_1562, %get3A_1565 : vector<16xf32>
        %mul3A_1567 = arith.mulf %gather3A_1539, %sub3A_1566 : vector<16xf32>
        %mul3A_1568 = arith.mulf %mul3A_1567, %sub3A_1566 : vector<16xf32>
        %add3A_1569 = arith.addf %add3A_1559, %mul3A_1568 : vector<16xf32>
        %get3A_1570 = arith.index_cast %shift_right_logical3A_1537 : i32 to index
        %get3A_1571 = arith.constant 48 : index
        %get3A_1572 = tpu.vector_load %arg8[%get3A_1570, %get3A_1571] {strides = array<i32>} : memref<128x64xf32, #tpu.memory_space<vmem>>, vector<16xf32>,
        %get3A_1573 = arith.index_cast %add3A_1534 : i32 to index
        %get3A_1574 = arith.constant 48 : index
        %get3A_1575 = tpu.vector_load %arg10[%get3A_1573, %get3A_1574] {strides = array<i32>} : memref<128x64xf32, #tpu.memory_space<vmem>>, vector<16xf32>,
        %sub3A_1576 = arith.subf %get3A_1572, %get3A_1575 : vector<16xf32>
        %mul3A_1577 = arith.mulf %gather3A_1539, %sub3A_1576 : vector<16xf32>
        %mul3A_1578 = arith.mulf %mul3A_1577, %sub3A_1576 : vector<16xf32>
        %add3A_1579 = arith.addf %add3A_1569, %mul3A_1578 : vector<16xf32>
        %mul3A_1580 = arith.constant 16 : i32
        %mul3A_1581 = arith.muli %scan3A_1040, %mul3A_1580 : i32
        %add3A_1582 = arith.constant 11 : i32
        %add3A_1583 = arith.addi %mul3A_1581, %add3A_1582 : i32
        %add3A_1584 = arith.addi %mul3A_15, %add3A_1583 : i32
        %shift_right_logical3A_1585 = arith.constant 3 : i32
        %shift_right_logical3A_1586 = arith.shrui %add3A_1584, %shift_right_logical3A_1585 : i32
        %broadcast_in_dim3A_1587 = vector.broadcast %add3A_1583 : i32 to vector<16xi32>
        %gather3A_1588 = tpu.vector_load_idx %arg11[%broadcast_in_dim3A_1587] : memref<128xf32, #tpu.memory_space<vmem>>[vector<16xi32>], vector<16xf32>,
        %get3A_1589 = arith.index_cast %shift_right_logical3A_1586 : i32 to index
        %get3A_1590 = arith.constant 0 : index
        %get3A_1591 = tpu.vector_load %arg8[%get3A_1589, %get3A_1590] {strides = array<i32>} : memref<128x64xf32, #tpu.memory_space<vmem>>, vector<16xf32>,
        %get3A_1592 = arith.index_cast %add3A_1583 : i32 to index
        %get3A_1593 = arith.constant 0 : index
        %get3A_1594 = tpu.vector_load %arg10[%get3A_1592, %get3A_1593] {strides = array<i32>} : memref<128x64xf32, #tpu.memory_space<vmem>>, vector<16xf32>,
        %sub3A_1595 = arith.subf %get3A_1591, %get3A_1594 : vector<16xf32>
        %mul3A_1596 = arith.mulf %gather3A_1588, %sub3A_1595 : vector<16xf32>
        %mul3A_1597 = arith.mulf %mul3A_1596, %sub3A_1595 : vector<16xf32>
        %add3A_1598 = arith.addf %add3A_1579, %mul3A_1597 : vector<16xf32>
        %get3A_1599 = arith.index_cast %shift_right_logical3A_1586 : i32 to index
        %get3A_1600 = arith.constant 16 : index
        %get3A_1601 = tpu.vector_load %arg8[%get3A_1599, %get3A_1600] {strides = array<i32>} : memref<128x64xf32, #tpu.memory_space<vmem>>, vector<16xf32>,
        %get3A_1602 = arith.index_cast %add3A_1583 : i32 to index
        %get3A_1603 = arith.constant 16 : index
        %get3A_1604 = tpu.vector_load %arg10[%get3A_1602, %get3A_1603] {strides = array<i32>} : memref<128x64xf32, #tpu.memory_space<vmem>>, vector<16xf32>,
        %sub3A_1605 = arith.subf %get3A_1601, %get3A_1604 : vector<16xf32>
        %mul3A_1606 = arith.mulf %gather3A_1588, %sub3A_1605 : vector<16xf32>
        %mul3A_1607 = arith.mulf %mul3A_1606, %sub3A_1605 : vector<16xf32>
        %add3A_1608 = arith.addf %add3A_1598, %mul3A_1607 : vector<16xf32>
        %get3A_1609 = arith.index_cast %shift_right_logical3A_1586 : i32 to index
        %get3A_1610 = arith.constant 32 : index
        %get3A_1611 = tpu.vector_load %arg8[%get3A_1609, %get3A_1610] {strides = array<i32>} : memref<128x64xf32, #tpu.memory_space<vmem>>, vector<16xf32>,
        %get3A_1612 = arith.index_cast %add3A_1583 : i32 to index
        %get3A_1613 = arith.constant 32 : index
        %get3A_1614 = tpu.vector_load %arg10[%get3A_1612, %get3A_1613] {strides = array<i32>} : memref<128x64xf32, #tpu.memory_space<vmem>>, vector<16xf32>,
        %sub3A_1615 = arith.subf %get3A_1611, %get3A_1614 : vector<16xf32>
        %mul3A_1616 = arith.mulf %gather3A_1588, %sub3A_1615 : vector<16xf32>
        %mul3A_1617 = arith.mulf %mul3A_1616, %sub3A_1615 : vector<16xf32>
        %add3A_1618 = arith.addf %add3A_1608, %mul3A_1617 : vector<16xf32>
        %get3A_1619 = arith.index_cast %shift_right_logical3A_1586 : i32 to index
        %get3A_1620 = arith.constant 48 : index
        %get3A_1621 = tpu.vector_load %arg8[%get3A_1619, %get3A_1620] {strides = array<i32>} : memref<128x64xf32, #tpu.memory_space<vmem>>, vector<16xf32>,
        %get3A_1622 = arith.index_cast %add3A_1583 : i32 to index
        %get3A_1623 = arith.constant 48 : index
        %get3A_1624 = tpu.vector_load %arg10[%get3A_1622, %get3A_1623] {strides = array<i32>} : memref<128x64xf32, #tpu.memory_space<vmem>>, vector<16xf32>,
        %sub3A_1625 = arith.subf %get3A_1621, %get3A_1624 : vector<16xf32>
        %mul3A_1626 = arith.mulf %gather3A_1588, %sub3A_1625 : vector<16xf32>
        %mul3A_1627 = arith.mulf %mul3A_1626, %sub3A_1625 : vector<16xf32>
        %add3A_1628 = arith.addf %add3A_1618, %mul3A_1627 : vector<16xf32>
        %mul3A_1629 = arith.constant 16 : i32
        %mul3A_1630 = arith.muli %scan3A_1040, %mul3A_1629 : i32
        %add3A_1631 = arith.constant 12 : i32
        %add3A_1632 = arith.addi %mul3A_1630, %add3A_1631 : i32
        %add3A_1633 = arith.addi %mul3A_15, %add3A_1632 : i32
        %shift_right_logical3A_1634 = arith.constant 3 : i32
        %shift_right_logical3A_1635 = arith.shrui %add3A_1633, %shift_right_logical3A_1634 : i32
        %broadcast_in_dim3A_1636 = vector.broadcast %add3A_1632 : i32 to vector<16xi32>
        %gather3A_1637 = tpu.vector_load_idx %arg11[%broadcast_in_dim3A_1636] : memref<128xf32, #tpu.memory_space<vmem>>[vector<16xi32>], vector<16xf32>,
        %get3A_1638 = arith.index_cast %shift_right_logical3A_1635 : i32 to index
        %get3A_1639 = arith.constant 0 : index
        %get3A_1640 = tpu.vector_load %arg8[%get3A_1638, %get3A_1639] {strides = array<i32>} : memref<128x64xf32, #tpu.memory_space<vmem>>, vector<16xf32>,
        %get3A_1641 = arith.index_cast %add3A_1632 : i32 to index
        %get3A_1642 = arith.constant 0 : index
        %get3A_1643 = tpu.vector_load %arg10[%get3A_1641, %get3A_1642] {strides = array<i32>} : memref<128x64xf32, #tpu.memory_space<vmem>>, vector<16xf32>,
        %sub3A_1644 = arith.subf %get3A_1640, %get3A_1643 : vector<16xf32>
        %mul3A_1645 = arith.mulf %gather3A_1637, %sub3A_1644 : vector<16xf32>
        %mul3A_1646 = arith.mulf %mul3A_1645, %sub3A_1644 : vector<16xf32>
        %add3A_1647 = arith.addf %add3A_1628, %mul3A_1646 : vector<16xf32>
        %get3A_1648 = arith.index_cast %shift_right_logical3A_1635 : i32 to index
        %get3A_1649 = arith.constant 16 : index
        %get3A_1650 = tpu.vector_load %arg8[%get3A_1648, %get3A_1649] {strides = array<i32>} : memref<128x64xf32, #tpu.memory_space<vmem>>, vector<16xf32>,
        %get3A_1651 = arith.index_cast %add3A_1632 : i32 to index
        %get3A_1652 = arith.constant 16 : index
        %get3A_1653 = tpu.vector_load %arg10[%get3A_1651, %get3A_1652] {strides = array<i32>} : memref<128x64xf32, #tpu.memory_space<vmem>>, vector<16xf32>,
        %sub3A_1654 = arith.subf %get3A_1650, %get3A_1653 : vector<16xf32>
        %mul3A_1655 = arith.mulf %gather3A_1637, %sub3A_1654 : vector<16xf32>
        %mul3A_1656 = arith.mulf %mul3A_1655, %sub3A_1654 : vector<16xf32>
        %add3A_1657 = arith.addf %add3A_1647, %mul3A_1656 : vector<16xf32>
        %get3A_1658 = arith.index_cast %shift_right_logical3A_1635 : i32 to index
        %get3A_1659 = arith.constant 32 : index
        %get3A_1660 = tpu.vector_load %arg8[%get3A_1658, %get3A_1659] {strides = array<i32>} : memref<128x64xf32, #tpu.memory_space<vmem>>, vector<16xf32>,
        %get3A_1661 = arith.index_cast %add3A_1632 : i32 to index
        %get3A_1662 = arith.constant 32 : index
        %get3A_1663 = tpu.vector_load %arg10[%get3A_1661, %get3A_1662] {strides = array<i32>} : memref<128x64xf32, #tpu.memory_space<vmem>>, vector<16xf32>,
        %sub3A_1664 = arith.subf %get3A_1660, %get3A_1663 : vector<16xf32>
        %mul3A_1665 = arith.mulf %gather3A_1637, %sub3A_1664 : vector<16xf32>
        %mul3A_1666 = arith.mulf %mul3A_1665, %sub3A_1664 : vector<16xf32>
        %add3A_1667 = arith.addf %add3A_1657, %mul3A_1666 : vector<16xf32>
        %get3A_1668 = arith.index_cast %shift_right_logical3A_1635 : i32 to index
        %get3A_1669 = arith.constant 48 : index
        %get3A_1670 = tpu.vector_load %arg8[%get3A_1668, %get3A_1669] {strides = array<i32>} : memref<128x64xf32, #tpu.memory_space<vmem>>, vector<16xf32>,
        %get3A_1671 = arith.index_cast %add3A_1632 : i32 to index
        %get3A_1672 = arith.constant 48 : index
        %get3A_1673 = tpu.vector_load %arg10[%get3A_1671, %get3A_1672] {strides = array<i32>} : memref<128x64xf32, #tpu.memory_space<vmem>>, vector<16xf32>,
        %sub3A_1674 = arith.subf %get3A_1670, %get3A_1673 : vector<16xf32>
        %mul3A_1675 = arith.mulf %gather3A_1637, %sub3A_1674 : vector<16xf32>
        %mul3A_1676 = arith.mulf %mul3A_1675, %sub3A_1674 : vector<16xf32>
        %add3A_1677 = arith.addf %add3A_1667, %mul3A_1676 : vector<16xf32>
        %mul3A_1678 = arith.constant 16 : i32
        %mul3A_1679 = arith.muli %scan3A_1040, %mul3A_1678 : i32
        %add3A_1680 = arith.constant 13 : i32
        %add3A_1681 = arith.addi %mul3A_1679, %add3A_1680 : i32
        %add3A_1682 = arith.addi %mul3A_15, %add3A_1681 : i32
        %shift_right_logical3A_1683 = arith.constant 3 : i32
        %shift_right_logical3A_1684 = arith.shrui %add3A_1682, %shift_right_logical3A_1683 : i32
        %broadcast_in_dim3A_1685 = vector.broadcast %add3A_1681 : i32 to vector<16xi32>
        %gather3A_1686 = tpu.vector_load_idx %arg11[%broadcast_in_dim3A_1685] : memref<128xf32, #tpu.memory_space<vmem>>[vector<16xi32>], vector<16xf32>,
        %get3A_1687 = arith.index_cast %shift_right_logical3A_1684 : i32 to index
        %get3A_1688 = arith.constant 0 : index
        %get3A_1689 = tpu.vector_load %arg8[%get3A_1687, %get3A_1688] {strides = array<i32>} : memref<128x64xf32, #tpu.memory_space<vmem>>, vector<16xf32>,
        %get3A_1690 = arith.index_cast %add3A_1681 : i32 to index
        %get3A_1691 = arith.constant 0 : index
        %get3A_1692 = tpu.vector_load %arg10[%get3A_1690, %get3A_1691] {strides = array<i32>} : memref<128x64xf32, #tpu.memory_space<vmem>>, vector<16xf32>,
        %sub3A_1693 = arith.subf %get3A_1689, %get3A_1692 : vector<16xf32>
        %mul3A_1694 = arith.mulf %gather3A_1686, %sub3A_1693 : vector<16xf32>
        %mul3A_1695 = arith.mulf %mul3A_1694, %sub3A_1693 : vector<16xf32>
        %add3A_1696 = arith.addf %add3A_1677, %mul3A_1695 : vector<16xf32>
        %get3A_1697 = arith.index_cast %shift_right_logical3A_1684 : i32 to index
        %get3A_1698 = arith.constant 16 : index
        %get3A_1699 = tpu.vector_load %arg8[%get3A_1697, %get3A_1698] {strides = array<i32>} : memref<128x64xf32, #tpu.memory_space<vmem>>, vector<16xf32>,
        %get3A_1700 = arith.index_cast %add3A_1681 : i32 to index
        %get3A_1701 = arith.constant 16 : index
        %get3A_1702 = tpu.vector_load %arg10[%get3A_1700, %get3A_1701] {strides = array<i32>} : memref<128x64xf32, #tpu.memory_space<vmem>>, vector<16xf32>,
        %sub3A_1703 = arith.subf %get3A_1699, %get3A_1702 : vector<16xf32>
        %mul3A_1704 = arith.mulf %gather3A_1686, %sub3A_1703 : vector<16xf32>
        %mul3A_1705 = arith.mulf %mul3A_1704, %sub3A_1703 : vector<16xf32>
        %add3A_1706 = arith.addf %add3A_1696, %mul3A_1705 : vector<16xf32>
        %get3A_1707 = arith.index_cast %shift_right_logical3A_1684 : i32 to index
        %get3A_1708 = arith.constant 32 : index
        %get3A_1709 = tpu.vector_load %arg8[%get3A_1707, %get3A_1708] {strides = array<i32>} : memref<128x64xf32, #tpu.memory_space<vmem>>, vector<16xf32>,
        %get3A_1710 = arith.index_cast %add3A_1681 : i32 to index
        %get3A_1711 = arith.constant 32 : index
        %get3A_1712 = tpu.vector_load %arg10[%get3A_1710, %get3A_1711] {strides = array<i32>} : memref<128x64xf32, #tpu.memory_space<vmem>>, vector<16xf32>,
        %sub3A_1713 = arith.subf %get3A_1709, %get3A_1712 : vector<16xf32>
        %mul3A_1714 = arith.mulf %gather3A_1686, %sub3A_1713 : vector<16xf32>
        %mul3A_1715 = arith.mulf %mul3A_1714, %sub3A_1713 : vector<16xf32>
        %add3A_1716 = arith.addf %add3A_1706, %mul3A_1715 : vector<16xf32>
        %get3A_1717 = arith.index_cast %shift_right_logical3A_1684 : i32 to index
        %get3A_1718 = arith.constant 48 : index
        %get3A_1719 = tpu.vector_load %arg8[%get3A_1717, %get3A_1718] {strides = array<i32>} : memref<128x64xf32, #tpu.memory_space<vmem>>, vector<16xf32>,
        %get3A_1720 = arith.index_cast %add3A_1681 : i32 to index
        %get3A_1721 = arith.constant 48 : index
        %get3A_1722 = tpu.vector_load %arg10[%get3A_1720, %get3A_1721] {strides = array<i32>} : memref<128x64xf32, #tpu.memory_space<vmem>>, vector<16xf32>,
        %sub3A_1723 = arith.subf %get3A_1719, %get3A_1722 : vector<16xf32>
        %mul3A_1724 = arith.mulf %gather3A_1686, %sub3A_1723 : vector<16xf32>
        %mul3A_1725 = arith.mulf %mul3A_1724, %sub3A_1723 : vector<16xf32>
        %add3A_1726 = arith.addf %add3A_1716, %mul3A_1725 : vector<16xf32>
        %mul3A_1727 = arith.constant 16 : i32
        %mul3A_1728 = arith.muli %scan3A_1040, %mul3A_1727 : i32
        %add3A_1729 = arith.constant 14 : i32
        %add3A_1730 = arith.addi %mul3A_1728, %add3A_1729 : i32
        %add3A_1731 = arith.addi %mul3A_15, %add3A_1730 : i32
        %shift_right_logical3A_1732 = arith.constant 3 : i32
        %shift_right_logical3A_1733 = arith.shrui %add3A_1731, %shift_right_logical3A_1732 : i32
        %broadcast_in_dim3A_1734 = vector.broadcast %add3A_1730 : i32 to vector<16xi32>
        %gather3A_1735 = tpu.vector_load_idx %arg11[%broadcast_in_dim3A_1734] : memref<128xf32, #tpu.memory_space<vmem>>[vector<16xi32>], vector<16xf32>,
        %get3A_1736 = arith.index_cast %shift_right_logical3A_1733 : i32 to index
        %get3A_1737 = arith.constant 0 : index
        %get3A_1738 = tpu.vector_load %arg8[%get3A_1736, %get3A_1737] {strides = array<i32>} : memref<128x64xf32, #tpu.memory_space<vmem>>, vector<16xf32>,
        %get3A_1739 = arith.index_cast %add3A_1730 : i32 to index
        %get3A_1740 = arith.constant 0 : index
        %get3A_1741 = tpu.vector_load %arg10[%get3A_1739, %get3A_1740] {strides = array<i32>} : memref<128x64xf32, #tpu.memory_space<vmem>>, vector<16xf32>,
        %sub3A_1742 = arith.subf %get3A_1738, %get3A_1741 : vector<16xf32>
        %mul3A_1743 = arith.mulf %gather3A_1735, %sub3A_1742 : vector<16xf32>
        %mul3A_1744 = arith.mulf %mul3A_1743, %sub3A_1742 : vector<16xf32>
        %add3A_1745 = arith.addf %add3A_1726, %mul3A_1744 : vector<16xf32>
        %get3A_1746 = arith.index_cast %shift_right_logical3A_1733 : i32 to index
        %get3A_1747 = arith.constant 16 : index
        %get3A_1748 = tpu.vector_load %arg8[%get3A_1746, %get3A_1747] {strides = array<i32>} : memref<128x64xf32, #tpu.memory_space<vmem>>, vector<16xf32>,
        %get3A_1749 = arith.index_cast %add3A_1730 : i32 to index
        %get3A_1750 = arith.constant 16 : index
        %get3A_1751 = tpu.vector_load %arg10[%get3A_1749, %get3A_1750] {strides = array<i32>} : memref<128x64xf32, #tpu.memory_space<vmem>>, vector<16xf32>,
        %sub3A_1752 = arith.subf %get3A_1748, %get3A_1751 : vector<16xf32>
        %mul3A_1753 = arith.mulf %gather3A_1735, %sub3A_1752 : vector<16xf32>
        %mul3A_1754 = arith.mulf %mul3A_1753, %sub3A_1752 : vector<16xf32>
        %add3A_1755 = arith.addf %add3A_1745, %mul3A_1754 : vector<16xf32>
        %get3A_1756 = arith.index_cast %shift_right_logical3A_1733 : i32 to index
        %get3A_1757 = arith.constant 32 : index
        %get3A_1758 = tpu.vector_load %arg8[%get3A_1756, %get3A_1757] {strides = array<i32>} : memref<128x64xf32, #tpu.memory_space<vmem>>, vector<16xf32>,
        %get3A_1759 = arith.index_cast %add3A_1730 : i32 to index
        %get3A_1760 = arith.constant 32 : index
        %get3A_1761 = tpu.vector_load %arg10[%get3A_1759, %get3A_1760] {strides = array<i32>} : memref<128x64xf32, #tpu.memory_space<vmem>>, vector<16xf32>,
        %sub3A_1762 = arith.subf %get3A_1758, %get3A_1761 : vector<16xf32>
        %mul3A_1763 = arith.mulf %gather3A_1735, %sub3A_1762 : vector<16xf32>
        %mul3A_1764 = arith.mulf %mul3A_1763, %sub3A_1762 : vector<16xf32>
        %add3A_1765 = arith.addf %add3A_1755, %mul3A_1764 : vector<16xf32>
        %get3A_1766 = arith.index_cast %shift_right_logical3A_1733 : i32 to index
        %get3A_1767 = arith.constant 48 : index
        %get3A_1768 = tpu.vector_load %arg8[%get3A_1766, %get3A_1767] {strides = array<i32>} : memref<128x64xf32, #tpu.memory_space<vmem>>, vector<16xf32>,
        %get3A_1769 = arith.index_cast %add3A_1730 : i32 to index
        %get3A_1770 = arith.constant 48 : index
        %get3A_1771 = tpu.vector_load %arg10[%get3A_1769, %get3A_1770] {strides = array<i32>} : memref<128x64xf32, #tpu.memory_space<vmem>>, vector<16xf32>,
        %sub3A_1772 = arith.subf %get3A_1768, %get3A_1771 : vector<16xf32>
        %mul3A_1773 = arith.mulf %gather3A_1735, %sub3A_1772 : vector<16xf32>
        %mul3A_1774 = arith.mulf %mul3A_1773, %sub3A_1772 : vector<16xf32>
        %add3A_1775 = arith.addf %add3A_1765, %mul3A_1774 : vector<16xf32>
        %mul3A_1776 = arith.constant 16 : i32
        %mul3A_1777 = arith.muli %scan3A_1040, %mul3A_1776 : i32
        %add3A_1778 = arith.constant 15 : i32
        %add3A_1779 = arith.addi %mul3A_1777, %add3A_1778 : i32
        %add3A_1780 = arith.addi %mul3A_15, %add3A_1779 : i32
        %shift_right_logical3A_1781 = arith.constant 3 : i32
        %shift_right_logical3A_1782 = arith.shrui %add3A_1780, %shift_right_logical3A_1781 : i32
        %broadcast_in_dim3A_1783 = vector.broadcast %add3A_1779 : i32 to vector<16xi32>
        %gather3A_1784 = tpu.vector_load_idx %arg11[%broadcast_in_dim3A_1783] : memref<128xf32, #tpu.memory_space<vmem>>[vector<16xi32>], vector<16xf32>,
        %get3A_1785 = arith.index_cast %shift_right_logical3A_1782 : i32 to index
        %get3A_1786 = arith.constant 0 : index
        %get3A_1787 = tpu.vector_load %arg8[%get3A_1785, %get3A_1786] {strides = array<i32>} : memref<128x64xf32, #tpu.memory_space<vmem>>, vector<16xf32>,
        %get3A_1788 = arith.index_cast %add3A_1779 : i32 to index
        %get3A_1789 = arith.constant 0 : index
        %get3A_1790 = tpu.vector_load %arg10[%get3A_1788, %get3A_1789] {strides = array<i32>} : memref<128x64xf32, #tpu.memory_space<vmem>>, vector<16xf32>,
        %sub3A_1791 = arith.subf %get3A_1787, %get3A_1790 : vector<16xf32>
        %mul3A_1792 = arith.mulf %gather3A_1784, %sub3A_1791 : vector<16xf32>
        %mul3A_1793 = arith.mulf %mul3A_1792, %sub3A_1791 : vector<16xf32>
        %add3A_1794 = arith.addf %add3A_1775, %mul3A_1793 : vector<16xf32>
        %get3A_1795 = arith.index_cast %shift_right_logical3A_1782 : i32 to index
        %get3A_1796 = arith.constant 16 : index
        %get3A_1797 = tpu.vector_load %arg8[%get3A_1795, %get3A_1796] {strides = array<i32>} : memref<128x64xf32, #tpu.memory_space<vmem>>, vector<16xf32>,
        %get3A_1798 = arith.index_cast %add3A_1779 : i32 to index
        %get3A_1799 = arith.constant 16 : index
        %get3A_1800 = tpu.vector_load %arg10[%get3A_1798, %get3A_1799] {strides = array<i32>} : memref<128x64xf32, #tpu.memory_space<vmem>>, vector<16xf32>,
        %sub3A_1801 = arith.subf %get3A_1797, %get3A_1800 : vector<16xf32>
        %mul3A_1802 = arith.mulf %gather3A_1784, %sub3A_1801 : vector<16xf32>
        %mul3A_1803 = arith.mulf %mul3A_1802, %sub3A_1801 : vector<16xf32>
        %add3A_1804 = arith.addf %add3A_1794, %mul3A_1803 : vector<16xf32>
        %get3A_1805 = arith.index_cast %shift_right_logical3A_1782 : i32 to index
        %get3A_1806 = arith.constant 32 : index
        %get3A_1807 = tpu.vector_load %arg8[%get3A_1805, %get3A_1806] {strides = array<i32>} : memref<128x64xf32, #tpu.memory_space<vmem>>, vector<16xf32>,
        %get3A_1808 = arith.index_cast %add3A_1779 : i32 to index
        %get3A_1809 = arith.constant 32 : index
        %get3A_1810 = tpu.vector_load %arg10[%get3A_1808, %get3A_1809] {strides = array<i32>} : memref<128x64xf32, #tpu.memory_space<vmem>>, vector<16xf32>,
        %sub3A_1811 = arith.subf %get3A_1807, %get3A_1810 : vector<16xf32>
        %mul3A_1812 = arith.mulf %gather3A_1784, %sub3A_1811 : vector<16xf32>
        %mul3A_1813 = arith.mulf %mul3A_1812, %sub3A_1811 : vector<16xf32>
        %add3A_1814 = arith.addf %add3A_1804, %mul3A_1813 : vector<16xf32>
        %get3A_1815 = arith.index_cast %shift_right_logical3A_1782 : i32 to index
        %get3A_1816 = arith.constant 48 : index
        %get3A_1817 = tpu.vector_load %arg8[%get3A_1815, %get3A_1816] {strides = array<i32>} : memref<128x64xf32, #tpu.memory_space<vmem>>, vector<16xf32>,
        %get3A_1818 = arith.index_cast %add3A_1779 : i32 to index
        %get3A_1819 = arith.constant 48 : index
        %get3A_1820 = tpu.vector_load %arg10[%get3A_1818, %get3A_1819] {strides = array<i32>} : memref<128x64xf32, #tpu.memory_space<vmem>>, vector<16xf32>,
        %sub3A_1821 = arith.subf %get3A_1817, %get3A_1820 : vector<16xf32>
        %mul3A_1822 = arith.mulf %gather3A_1784, %sub3A_1821 : vector<16xf32>
        %mul3A_1823 = arith.mulf %mul3A_1822, %sub3A_1821 : vector<16xf32>
        %add3A_1824 = arith.addf %add3A_1814, %mul3A_1823 : vector<16xf32>
        scf.yield %add3A_1824 : vector<16xf32>
      }
      %scan3A_1039 = arith.constant 8 : i32
      scf.yield %scan3A_1038 : vector<16xf32>
    }
    %scan3A_10 = arith.constant 8 : i32
    %swap3A = arith.constant 0 : index
    %swap3A_11 = tpu.vector_load %arg12[%swap3A] {strides = array<i32>} : memref<16xf32, #tpu.memory_space<vmem>>, vector<16xf32>,
    tpu.vector_store %arg12[%swap3A], %scan3A_9 {strides = array<i32>} : memref<16xf32, #tpu.memory_space<vmem>>, vector<16xf32>,
    "tpu.region"() ({
      %run_scoped3A = tpu.sem_alloc : memref<!tpu.dma_semaphore, #tpu.memory_space<semaphore_mem>>
      %dma_start3A = arith.constant 0 : i32
      %dma_start3A_12 = tpu.memref_slice %arg5[%add3A, %dma_start3A] : memref<32x16xf32, #tpu.memory_space<hbm>> -> memref<1x16xf32, #tpu.memory_space<hbm>>
      %dma_start3A_13 = tpu.memref_squeeze %dma_start3A_12 : memref<1x16xf32, #tpu.memory_space<hbm>> -> memref<16xf32, #tpu.memory_space<hbm>>
      %dma_start3A_14 = arith.constant 0 : i32
      %dma_start3A_15 = tpu.memref_slice %arg5[%add3A, %dma_start3A_14] : memref<32x16xf32, #tpu.memory_space<hbm>> -> memref<1x16xf32, #tpu.memory_space<hbm>>
      %dma_start3A_16 = tpu.memref_squeeze %dma_start3A_15 : memref<1x16xf32, #tpu.memory_space<hbm>> -> memref<16xf32, #tpu.memory_space<hbm>>
      tpu.enqueue_dma source(%arg12 : memref<16xf32, #tpu.memory_space<vmem>>) target(%dma_start3A_16 : memref<16xf32, #tpu.memory_space<hbm>>) target_semaphore(%run_scoped3A : memref<!tpu.dma_semaphore, #tpu.memory_space<semaphore_mem>>)
      %dma_wait3A = arith.constant 0 : i32
      %dma_wait3A_17 = tpu.memref_slice %arg5[%add3A, %dma_wait3A] : memref<32x16xf32, #tpu.memory_space<hbm>> -> memref<1x16xf32, #tpu.memory_space<hbm>>
      %dma_wait3A_18 = tpu.memref_squeeze %dma_wait3A_17 : memref<1x16xf32, #tpu.memory_space<hbm>> -> memref<16xf32, #tpu.memory_space<hbm>>
      %dma_wait3A_19 = arith.constant 0 : i32
      %dma_wait3A_20 = tpu.memref_slice %arg5[%add3A, %dma_wait3A_19] : memref<32x16xf32, #tpu.memory_space<hbm>> -> memref<1x16xf32, #tpu.memory_space<hbm>>
      %dma_wait3A_21 = tpu.memref_squeeze %dma_wait3A_20 : memref<1x16xf32, #tpu.memory_space<hbm>> -> memref<16xf32, #tpu.memory_space<hbm>>
      tpu.wait_dma2 semaphore(%run_scoped3A : memref<!tpu.dma_semaphore, #tpu.memory_space<semaphore_mem>>) src(%arg12 : memref<16xf32, #tpu.memory_space<vmem>>) dst(%dma_wait3A_21 : memref<16xf32, #tpu.memory_space<hbm>>)
      tpu.yield
    }) : () -> ()
    return
  }
}

module attributes {stable_mosaic.version = 14 : i64} {
  func.func @_knn_body(%arg0: i32, %arg1: memref<1024x256xf32, #tpu.memory_space<vmem>>, %arg2: memref<4096x256xf32, #tpu.memory_space<vmem>>, %arg3: memref<1024x16xi32, #tpu.memory_space<vmem>>, %arg4: memref<1024x16xf32, #tpu.memory_space<vmem>>) attributes {dimension_semantics = [#tpu.dimension_semantics<arbitrary>], iteration_bounds = array<i64: 4>, scalar_prefetch = 0 : i64, scratch_operands = 0 : i64, tpu.core_type = #tpu.core_type<tc>, window_params = [{transform_indices = @transform_0, window_bounds = array<i64: 1024, 256>}, {pipeline_mode = #tpu.pipeline_mode<synchronous>, transform_indices = @transform_1, window_bounds = array<i64: 4096, 256>}, {transform_indices = @transform_2, window_bounds = array<i64: 1024, 16>}, {transform_indices = @transform_3, window_bounds = array<i64: 1024, 16>}]} {
    %get3A = arith.constant 0 : index
    %get3A_0 = arith.constant 0 : index
    %get3A_1 = vector.load %arg1[%get3A, %get3A_0] : memref<1024x256xf32, #tpu.memory_space<vmem>>, vector<1024x256xf32>
    %get3A_2 = arith.constant 0 : index
    %get3A_3 = arith.constant 0 : index
    %get3A_4 = vector.load %arg2[%get3A_2, %get3A_3] : memref<4096x256xf32, #tpu.memory_space<vmem>>, vector<4096x256xf32>
    %mul3A = arith.mulf %get3A_4, %get3A_4 : vector<4096x256xf32>
    %reduce_sum3A = arith.constant dense<0.000000e+00> : vector<4096xf32>
    %reduce_sum3A_5 = vector.multi_reduction <add>, %mul3A, %reduce_sum3A [1] : vector<4096x256xf32> to vector<4096xf32>
    %broadcast_in_dim3A = vector.shape_cast %reduce_sum3A_5 : vector<4096xf32> to vector<1x4096xf32>
    %mul3A_6 = arith.mulf %get3A_1, %get3A_1 : vector<1024x256xf32>
    %reduce_sum3A_7 = arith.constant dense<0.000000e+00> : vector<1024xf32>
    %reduce_sum3A_8 = vector.multi_reduction <add>, %mul3A_6, %reduce_sum3A_7 [1] : vector<1024x256xf32> to vector<1024xf32>
    %broadcast_in_dim3A_9 = vector.shape_cast %reduce_sum3A_8 : vector<1024xf32> to vector<1024x1xf32>
    %dot_general3A = arith.constant dense<0.000000e+00> : vector<1024x4096xf32>
    %dot_general3A_10 = tpu.matmul %get3A_1, %get3A_4, %dot_general3A {dimension_numbers = #tpu.dot_dimension_numbers<[1], [1], [0], [0], [0, 0, 1, 0], [], []>, transpose_lhs_hint = false} : vector<1024x256xf32>, vector<4096x256xf32>, vector<1024x4096xf32> -> vector<1024x4096xf32>
    %add3A = vector.broadcast %broadcast_in_dim3A_9 : vector<1024x1xf32> to vector<1024x4096xf32>
    %add3A_11 = vector.broadcast %broadcast_in_dim3A : vector<1x4096xf32> to vector<1024x4096xf32>
    %add3A_12 = arith.addf %add3A, %add3A_11 : vector<1024x4096xf32>
    %mul3A_13 = arith.constant 2.000000e+00 : f32
    %mul3A_14 = vector.broadcast %mul3A_13 : f32 to vector<1024x4096xf32>
    %mul3A_15 = arith.mulf %mul3A_14, %dot_general3A_10 : vector<1024x4096xf32>
    %sub3A = arith.subf %add3A_12, %mul3A_15 : vector<1024x4096xf32>
    %max3A = arith.constant 0.000000e+00 : f32
    %max3A_16 = vector.broadcast %max3A : f32 to vector<1024x4096xf32>
    %max3A_17 = arith.maximumf %sub3A, %max3A_16 : vector<1024x4096xf32>
    %bitcast_convert_type3A = tpu.bitcast %max3A_17 : vector<1024x4096xf32> -> vector<1024x4096xi32>
    %iota3A = tpu.iota {dimensions = array<i32: 1>} : vector<1024x4096xi32>
    %and3A = arith.constant -4096 : i32
    %and3A_18 = vector.broadcast %and3A : i32 to vector<1024x4096xi32>
    %and3A_19 = arith.andi %bitcast_convert_type3A, %and3A_18 : vector<1024x4096xi32>
    %or3A = arith.ori %and3A_19, %iota3A : vector<1024x4096xi32>
    %slice3A = vector.extract_strided_slice %or3A {offsets = [0, 0], sizes = [1024, 128], strides = [1, 1]} : vector<1024x4096xi32> to vector<1024x128xi32>
    %slice3A_20 = vector.extract_strided_slice %or3A {offsets = [0, 128], sizes = [1024, 128], strides = [1, 1]} : vector<1024x4096xi32> to vector<1024x128xi32>
    %slice3A_21 = vector.extract_strided_slice %or3A {offsets = [0, 256], sizes = [1024, 128], strides = [1, 1]} : vector<1024x4096xi32> to vector<1024x128xi32>
    %slice3A_22 = vector.extract_strided_slice %or3A {offsets = [0, 384], sizes = [1024, 128], strides = [1, 1]} : vector<1024x4096xi32> to vector<1024x128xi32>
    %slice3A_23 = vector.extract_strided_slice %or3A {offsets = [0, 512], sizes = [1024, 128], strides = [1, 1]} : vector<1024x4096xi32> to vector<1024x128xi32>
    %slice3A_24 = vector.extract_strided_slice %or3A {offsets = [0, 640], sizes = [1024, 128], strides = [1, 1]} : vector<1024x4096xi32> to vector<1024x128xi32>
    %slice3A_25 = vector.extract_strided_slice %or3A {offsets = [0, 768], sizes = [1024, 128], strides = [1, 1]} : vector<1024x4096xi32> to vector<1024x128xi32>
    %slice3A_26 = vector.extract_strided_slice %or3A {offsets = [0, 896], sizes = [1024, 128], strides = [1, 1]} : vector<1024x4096xi32> to vector<1024x128xi32>
    %slice3A_27 = vector.extract_strided_slice %or3A {offsets = [0, 1024], sizes = [1024, 128], strides = [1, 1]} : vector<1024x4096xi32> to vector<1024x128xi32>
    %slice3A_28 = vector.extract_strided_slice %or3A {offsets = [0, 1152], sizes = [1024, 128], strides = [1, 1]} : vector<1024x4096xi32> to vector<1024x128xi32>
    %slice3A_29 = vector.extract_strided_slice %or3A {offsets = [0, 1280], sizes = [1024, 128], strides = [1, 1]} : vector<1024x4096xi32> to vector<1024x128xi32>
    %slice3A_30 = vector.extract_strided_slice %or3A {offsets = [0, 1408], sizes = [1024, 128], strides = [1, 1]} : vector<1024x4096xi32> to vector<1024x128xi32>
    %slice3A_31 = vector.extract_strided_slice %or3A {offsets = [0, 1536], sizes = [1024, 128], strides = [1, 1]} : vector<1024x4096xi32> to vector<1024x128xi32>
    %slice3A_32 = vector.extract_strided_slice %or3A {offsets = [0, 1664], sizes = [1024, 128], strides = [1, 1]} : vector<1024x4096xi32> to vector<1024x128xi32>
    %slice3A_33 = vector.extract_strided_slice %or3A {offsets = [0, 1792], sizes = [1024, 128], strides = [1, 1]} : vector<1024x4096xi32> to vector<1024x128xi32>
    %slice3A_34 = vector.extract_strided_slice %or3A {offsets = [0, 1920], sizes = [1024, 128], strides = [1, 1]} : vector<1024x4096xi32> to vector<1024x128xi32>
    %slice3A_35 = vector.extract_strided_slice %or3A {offsets = [0, 2048], sizes = [1024, 128], strides = [1, 1]} : vector<1024x4096xi32> to vector<1024x128xi32>
    %slice3A_36 = vector.extract_strided_slice %or3A {offsets = [0, 2176], sizes = [1024, 128], strides = [1, 1]} : vector<1024x4096xi32> to vector<1024x128xi32>
    %slice3A_37 = vector.extract_strided_slice %or3A {offsets = [0, 2304], sizes = [1024, 128], strides = [1, 1]} : vector<1024x4096xi32> to vector<1024x128xi32>
    %slice3A_38 = vector.extract_strided_slice %or3A {offsets = [0, 2432], sizes = [1024, 128], strides = [1, 1]} : vector<1024x4096xi32> to vector<1024x128xi32>
    %slice3A_39 = vector.extract_strided_slice %or3A {offsets = [0, 2560], sizes = [1024, 128], strides = [1, 1]} : vector<1024x4096xi32> to vector<1024x128xi32>
    %slice3A_40 = vector.extract_strided_slice %or3A {offsets = [0, 2688], sizes = [1024, 128], strides = [1, 1]} : vector<1024x4096xi32> to vector<1024x128xi32>
    %slice3A_41 = vector.extract_strided_slice %or3A {offsets = [0, 2816], sizes = [1024, 128], strides = [1, 1]} : vector<1024x4096xi32> to vector<1024x128xi32>
    %slice3A_42 = vector.extract_strided_slice %or3A {offsets = [0, 2944], sizes = [1024, 128], strides = [1, 1]} : vector<1024x4096xi32> to vector<1024x128xi32>
    %slice3A_43 = vector.extract_strided_slice %or3A {offsets = [0, 3072], sizes = [1024, 128], strides = [1, 1]} : vector<1024x4096xi32> to vector<1024x128xi32>
    %slice3A_44 = vector.extract_strided_slice %or3A {offsets = [0, 3200], sizes = [1024, 128], strides = [1, 1]} : vector<1024x4096xi32> to vector<1024x128xi32>
    %slice3A_45 = vector.extract_strided_slice %or3A {offsets = [0, 3328], sizes = [1024, 128], strides = [1, 1]} : vector<1024x4096xi32> to vector<1024x128xi32>
    %slice3A_46 = vector.extract_strided_slice %or3A {offsets = [0, 3456], sizes = [1024, 128], strides = [1, 1]} : vector<1024x4096xi32> to vector<1024x128xi32>
    %slice3A_47 = vector.extract_strided_slice %or3A {offsets = [0, 3584], sizes = [1024, 128], strides = [1, 1]} : vector<1024x4096xi32> to vector<1024x128xi32>
    %slice3A_48 = vector.extract_strided_slice %or3A {offsets = [0, 3712], sizes = [1024, 128], strides = [1, 1]} : vector<1024x4096xi32> to vector<1024x128xi32>
    %slice3A_49 = vector.extract_strided_slice %or3A {offsets = [0, 3840], sizes = [1024, 128], strides = [1, 1]} : vector<1024x4096xi32> to vector<1024x128xi32>
    %slice3A_50 = vector.extract_strided_slice %or3A {offsets = [0, 3968], sizes = [1024, 128], strides = [1, 1]} : vector<1024x4096xi32> to vector<1024x128xi32>
    %min3A = arith.minsi %slice3A, %slice3A_20 : vector<1024x128xi32>
    %max3A_51 = arith.maxsi %slice3A, %slice3A_20 : vector<1024x128xi32>
    %min3A_52 = arith.minsi %slice3A_21, %slice3A_22 : vector<1024x128xi32>
    %max3A_53 = arith.maxsi %slice3A_21, %slice3A_22 : vector<1024x128xi32>
    %min3A_54 = arith.minsi %min3A, %min3A_52 : vector<1024x128xi32>
    %max3A_55 = arith.maxsi %min3A, %min3A_52 : vector<1024x128xi32>
    %min3A_56 = arith.minsi %max3A_51, %max3A_53 : vector<1024x128xi32>
    %max3A_57 = arith.maxsi %max3A_51, %max3A_53 : vector<1024x128xi32>
    %min3A_58 = arith.minsi %min3A_56, %max3A_55 : vector<1024x128xi32>
    %max3A_59 = arith.maxsi %min3A_56, %max3A_55 : vector<1024x128xi32>
    %min3A_60 = arith.minsi %slice3A_23, %slice3A_24 : vector<1024x128xi32>
    %max3A_61 = arith.maxsi %slice3A_23, %slice3A_24 : vector<1024x128xi32>
    %min3A_62 = arith.minsi %slice3A_25, %slice3A_26 : vector<1024x128xi32>
    %max3A_63 = arith.maxsi %slice3A_25, %slice3A_26 : vector<1024x128xi32>
    %min3A_64 = arith.minsi %min3A_60, %min3A_62 : vector<1024x128xi32>
    %max3A_65 = arith.maxsi %min3A_60, %min3A_62 : vector<1024x128xi32>
    %min3A_66 = arith.minsi %max3A_61, %max3A_63 : vector<1024x128xi32>
    %max3A_67 = arith.maxsi %max3A_61, %max3A_63 : vector<1024x128xi32>
    %min3A_68 = arith.minsi %min3A_66, %max3A_65 : vector<1024x128xi32>
    %max3A_69 = arith.maxsi %min3A_66, %max3A_65 : vector<1024x128xi32>
    %min3A_70 = arith.minsi %min3A_54, %min3A_64 : vector<1024x128xi32>
    %max3A_71 = arith.maxsi %min3A_54, %min3A_64 : vector<1024x128xi32>
    %min3A_72 = arith.minsi %max3A_59, %max3A_69 : vector<1024x128xi32>
    %max3A_73 = arith.maxsi %max3A_59, %max3A_69 : vector<1024x128xi32>
    %min3A_74 = arith.minsi %min3A_72, %max3A_71 : vector<1024x128xi32>
    %max3A_75 = arith.maxsi %min3A_72, %max3A_71 : vector<1024x128xi32>
    %min3A_76 = arith.minsi %min3A_58, %min3A_68 : vector<1024x128xi32>
    %max3A_77 = arith.maxsi %min3A_58, %min3A_68 : vector<1024x128xi32>
    %min3A_78 = arith.minsi %max3A_57, %max3A_67 : vector<1024x128xi32>
    %max3A_79 = arith.maxsi %max3A_57, %max3A_67 : vector<1024x128xi32>
    %min3A_80 = arith.minsi %min3A_78, %max3A_77 : vector<1024x128xi32>
    %max3A_81 = arith.maxsi %min3A_78, %max3A_77 : vector<1024x128xi32>
    %min3A_82 = arith.minsi %min3A_76, %min3A_74 : vector<1024x128xi32>
    %max3A_83 = arith.maxsi %min3A_76, %min3A_74 : vector<1024x128xi32>
    %min3A_84 = arith.minsi %min3A_80, %max3A_75 : vector<1024x128xi32>
    %max3A_85 = arith.maxsi %min3A_80, %max3A_75 : vector<1024x128xi32>
    %min3A_86 = arith.minsi %max3A_81, %max3A_73 : vector<1024x128xi32>
    %max3A_87 = arith.maxsi %max3A_81, %max3A_73 : vector<1024x128xi32>
    %min3A_88 = arith.minsi %slice3A_27, %slice3A_28 : vector<1024x128xi32>
    %max3A_89 = arith.maxsi %slice3A_27, %slice3A_28 : vector<1024x128xi32>
    %min3A_90 = arith.minsi %slice3A_29, %slice3A_30 : vector<1024x128xi32>
    %max3A_91 = arith.maxsi %slice3A_29, %slice3A_30 : vector<1024x128xi32>
    %min3A_92 = arith.minsi %min3A_88, %min3A_90 : vector<1024x128xi32>
    %max3A_93 = arith.maxsi %min3A_88, %min3A_90 : vector<1024x128xi32>
    %min3A_94 = arith.minsi %max3A_89, %max3A_91 : vector<1024x128xi32>
    %max3A_95 = arith.maxsi %max3A_89, %max3A_91 : vector<1024x128xi32>
    %min3A_96 = arith.minsi %min3A_94, %max3A_93 : vector<1024x128xi32>
    %max3A_97 = arith.maxsi %min3A_94, %max3A_93 : vector<1024x128xi32>
    %min3A_98 = arith.minsi %slice3A_31, %slice3A_32 : vector<1024x128xi32>
    %max3A_99 = arith.maxsi %slice3A_31, %slice3A_32 : vector<1024x128xi32>
    %min3A_100 = arith.minsi %slice3A_33, %slice3A_34 : vector<1024x128xi32>
    %max3A_101 = arith.maxsi %slice3A_33, %slice3A_34 : vector<1024x128xi32>
    %min3A_102 = arith.minsi %min3A_98, %min3A_100 : vector<1024x128xi32>
    %max3A_103 = arith.maxsi %min3A_98, %min3A_100 : vector<1024x128xi32>
    %min3A_104 = arith.minsi %max3A_99, %max3A_101 : vector<1024x128xi32>
    %max3A_105 = arith.maxsi %max3A_99, %max3A_101 : vector<1024x128xi32>
    %min3A_106 = arith.minsi %min3A_104, %max3A_103 : vector<1024x128xi32>
    %max3A_107 = arith.maxsi %min3A_104, %max3A_103 : vector<1024x128xi32>
    %min3A_108 = arith.minsi %min3A_92, %min3A_102 : vector<1024x128xi32>
    %max3A_109 = arith.maxsi %min3A_92, %min3A_102 : vector<1024x128xi32>
    %min3A_110 = arith.minsi %max3A_97, %max3A_107 : vector<1024x128xi32>
    %max3A_111 = arith.maxsi %max3A_97, %max3A_107 : vector<1024x128xi32>
    %min3A_112 = arith.minsi %min3A_110, %max3A_109 : vector<1024x128xi32>
    %max3A_113 = arith.maxsi %min3A_110, %max3A_109 : vector<1024x128xi32>
    %min3A_114 = arith.minsi %min3A_96, %min3A_106 : vector<1024x128xi32>
    %max3A_115 = arith.maxsi %min3A_96, %min3A_106 : vector<1024x128xi32>
    %min3A_116 = arith.minsi %max3A_95, %max3A_105 : vector<1024x128xi32>
    %max3A_117 = arith.maxsi %max3A_95, %max3A_105 : vector<1024x128xi32>
    %min3A_118 = arith.minsi %min3A_116, %max3A_115 : vector<1024x128xi32>
    %max3A_119 = arith.maxsi %min3A_116, %max3A_115 : vector<1024x128xi32>
    %min3A_120 = arith.minsi %min3A_114, %min3A_112 : vector<1024x128xi32>
    %max3A_121 = arith.maxsi %min3A_114, %min3A_112 : vector<1024x128xi32>
    %min3A_122 = arith.minsi %min3A_118, %max3A_113 : vector<1024x128xi32>
    %max3A_123 = arith.maxsi %min3A_118, %max3A_113 : vector<1024x128xi32>
    %min3A_124 = arith.minsi %max3A_119, %max3A_111 : vector<1024x128xi32>
    %max3A_125 = arith.maxsi %max3A_119, %max3A_111 : vector<1024x128xi32>
    %min3A_126 = arith.minsi %min3A_70, %min3A_108 : vector<1024x128xi32>
    %max3A_127 = arith.maxsi %min3A_70, %min3A_108 : vector<1024x128xi32>
    %min3A_128 = arith.minsi %max3A_85, %max3A_123 : vector<1024x128xi32>
    %max3A_129 = arith.maxsi %max3A_85, %max3A_123 : vector<1024x128xi32>
    %min3A_130 = arith.minsi %min3A_128, %max3A_127 : vector<1024x128xi32>
    %max3A_131 = arith.maxsi %min3A_128, %max3A_127 : vector<1024x128xi32>
    %min3A_132 = arith.minsi %max3A_83, %max3A_121 : vector<1024x128xi32>
    %max3A_133 = arith.maxsi %max3A_83, %max3A_121 : vector<1024x128xi32>
    %min3A_134 = arith.minsi %max3A_87, %max3A_125 : vector<1024x128xi32>
    %min3A_135 = arith.minsi %min3A_134, %max3A_133 : vector<1024x128xi32>
    %max3A_136 = arith.maxsi %min3A_134, %max3A_133 : vector<1024x128xi32>
    %min3A_137 = arith.minsi %min3A_132, %min3A_130 : vector<1024x128xi32>
    %max3A_138 = arith.maxsi %min3A_132, %min3A_130 : vector<1024x128xi32>
    %min3A_139 = arith.minsi %min3A_135, %max3A_131 : vector<1024x128xi32>
    %max3A_140 = arith.maxsi %min3A_135, %max3A_131 : vector<1024x128xi32>
    %min3A_141 = arith.minsi %max3A_136, %max3A_129 : vector<1024x128xi32>
    %max3A_142 = arith.maxsi %max3A_136, %max3A_129 : vector<1024x128xi32>
    %min3A_143 = arith.minsi %min3A_82, %min3A_120 : vector<1024x128xi32>
    %max3A_144 = arith.maxsi %min3A_82, %min3A_120 : vector<1024x128xi32>
    %min3A_145 = arith.minsi %min3A_86, %min3A_124 : vector<1024x128xi32>
    %max3A_146 = arith.maxsi %min3A_86, %min3A_124 : vector<1024x128xi32>
    %min3A_147 = arith.minsi %min3A_145, %max3A_144 : vector<1024x128xi32>
    %max3A_148 = arith.maxsi %min3A_145, %max3A_144 : vector<1024x128xi32>
    %min3A_149 = arith.minsi %min3A_84, %min3A_122 : vector<1024x128xi32>
    %max3A_150 = arith.maxsi %min3A_84, %min3A_122 : vector<1024x128xi32>
    %min3A_151 = arith.minsi %max3A_79, %max3A_117 : vector<1024x128xi32>
    %min3A_152 = arith.minsi %min3A_151, %max3A_150 : vector<1024x128xi32>
    %max3A_153 = arith.maxsi %min3A_151, %max3A_150 : vector<1024x128xi32>
    %min3A_154 = arith.minsi %min3A_149, %min3A_147 : vector<1024x128xi32>
    %max3A_155 = arith.maxsi %min3A_149, %min3A_147 : vector<1024x128xi32>
    %min3A_156 = arith.minsi %min3A_152, %max3A_148 : vector<1024x128xi32>
    %max3A_157 = arith.maxsi %min3A_152, %max3A_148 : vector<1024x128xi32>
    %min3A_158 = arith.minsi %max3A_153, %max3A_146 : vector<1024x128xi32>
    %min3A_159 = arith.minsi %min3A_143, %min3A_137 : vector<1024x128xi32>
    %max3A_160 = arith.maxsi %min3A_143, %min3A_137 : vector<1024x128xi32>
    %min3A_161 = arith.minsi %min3A_154, %max3A_138 : vector<1024x128xi32>
    %max3A_162 = arith.maxsi %min3A_154, %max3A_138 : vector<1024x128xi32>
    %min3A_163 = arith.minsi %max3A_155, %min3A_139 : vector<1024x128xi32>
    %max3A_164 = arith.maxsi %max3A_155, %min3A_139 : vector<1024x128xi32>
    %min3A_165 = arith.minsi %min3A_156, %max3A_140 : vector<1024x128xi32>
    %max3A_166 = arith.maxsi %min3A_156, %max3A_140 : vector<1024x128xi32>
    %min3A_167 = arith.minsi %max3A_157, %min3A_141 : vector<1024x128xi32>
    %max3A_168 = arith.maxsi %max3A_157, %min3A_141 : vector<1024x128xi32>
    %min3A_169 = arith.minsi %min3A_158, %max3A_142 : vector<1024x128xi32>
    %min3A_170 = arith.minsi %slice3A_35, %slice3A_36 : vector<1024x128xi32>
    %max3A_171 = arith.maxsi %slice3A_35, %slice3A_36 : vector<1024x128xi32>
    %min3A_172 = arith.minsi %slice3A_37, %slice3A_38 : vector<1024x128xi32>
    %max3A_173 = arith.maxsi %slice3A_37, %slice3A_38 : vector<1024x128xi32>
    %min3A_174 = arith.minsi %min3A_170, %min3A_172 : vector<1024x128xi32>
    %max3A_175 = arith.maxsi %min3A_170, %min3A_172 : vector<1024x128xi32>
    %min3A_176 = arith.minsi %max3A_171, %max3A_173 : vector<1024x128xi32>
    %max3A_177 = arith.maxsi %max3A_171, %max3A_173 : vector<1024x128xi32>
    %min3A_178 = arith.minsi %min3A_176, %max3A_175 : vector<1024x128xi32>
    %max3A_179 = arith.maxsi %min3A_176, %max3A_175 : vector<1024x128xi32>
    %min3A_180 = arith.minsi %slice3A_39, %slice3A_40 : vector<1024x128xi32>
    %max3A_181 = arith.maxsi %slice3A_39, %slice3A_40 : vector<1024x128xi32>
    %min3A_182 = arith.minsi %slice3A_41, %slice3A_42 : vector<1024x128xi32>
    %max3A_183 = arith.maxsi %slice3A_41, %slice3A_42 : vector<1024x128xi32>
    %min3A_184 = arith.minsi %min3A_180, %min3A_182 : vector<1024x128xi32>
    %max3A_185 = arith.maxsi %min3A_180, %min3A_182 : vector<1024x128xi32>
    %min3A_186 = arith.minsi %max3A_181, %max3A_183 : vector<1024x128xi32>
    %max3A_187 = arith.maxsi %max3A_181, %max3A_183 : vector<1024x128xi32>
    %min3A_188 = arith.minsi %min3A_186, %max3A_185 : vector<1024x128xi32>
    %max3A_189 = arith.maxsi %min3A_186, %max3A_185 : vector<1024x128xi32>
    %min3A_190 = arith.minsi %min3A_174, %min3A_184 : vector<1024x128xi32>
    %max3A_191 = arith.maxsi %min3A_174, %min3A_184 : vector<1024x128xi32>
    %min3A_192 = arith.minsi %max3A_179, %max3A_189 : vector<1024x128xi32>
    %max3A_193 = arith.maxsi %max3A_179, %max3A_189 : vector<1024x128xi32>
    %min3A_194 = arith.minsi %min3A_192, %max3A_191 : vector<1024x128xi32>
    %max3A_195 = arith.maxsi %min3A_192, %max3A_191 : vector<1024x128xi32>
    %min3A_196 = arith.minsi %min3A_178, %min3A_188 : vector<1024x128xi32>
    %max3A_197 = arith.maxsi %min3A_178, %min3A_188 : vector<1024x128xi32>
    %min3A_198 = arith.minsi %max3A_177, %max3A_187 : vector<1024x128xi32>
    %max3A_199 = arith.maxsi %max3A_177, %max3A_187 : vector<1024x128xi32>
    %min3A_200 = arith.minsi %min3A_198, %max3A_197 : vector<1024x128xi32>
    %max3A_201 = arith.maxsi %min3A_198, %max3A_197 : vector<1024x128xi32>
    %min3A_202 = arith.minsi %min3A_196, %min3A_194 : vector<1024x128xi32>
    %max3A_203 = arith.maxsi %min3A_196, %min3A_194 : vector<1024x128xi32>
    %min3A_204 = arith.minsi %min3A_200, %max3A_195 : vector<1024x128xi32>
    %max3A_205 = arith.maxsi %min3A_200, %max3A_195 : vector<1024x128xi32>
    %min3A_206 = arith.minsi %max3A_201, %max3A_193 : vector<1024x128xi32>
    %max3A_207 = arith.maxsi %max3A_201, %max3A_193 : vector<1024x128xi32>
    %min3A_208 = arith.minsi %slice3A_43, %slice3A_44 : vector<1024x128xi32>
    %max3A_209 = arith.maxsi %slice3A_43, %slice3A_44 : vector<1024x128xi32>
    %min3A_210 = arith.minsi %slice3A_45, %slice3A_46 : vector<1024x128xi32>
    %max3A_211 = arith.maxsi %slice3A_45, %slice3A_46 : vector<1024x128xi32>
    %min3A_212 = arith.minsi %min3A_208, %min3A_210 : vector<1024x128xi32>
    %max3A_213 = arith.maxsi %min3A_208, %min3A_210 : vector<1024x128xi32>
    %min3A_214 = arith.minsi %max3A_209, %max3A_211 : vector<1024x128xi32>
    %max3A_215 = arith.maxsi %max3A_209, %max3A_211 : vector<1024x128xi32>
    %min3A_216 = arith.minsi %min3A_214, %max3A_213 : vector<1024x128xi32>
    %max3A_217 = arith.maxsi %min3A_214, %max3A_213 : vector<1024x128xi32>
    %min3A_218 = arith.minsi %slice3A_47, %slice3A_48 : vector<1024x128xi32>
    %max3A_219 = arith.maxsi %slice3A_47, %slice3A_48 : vector<1024x128xi32>
    %min3A_220 = arith.minsi %slice3A_49, %slice3A_50 : vector<1024x128xi32>
    %max3A_221 = arith.maxsi %slice3A_49, %slice3A_50 : vector<1024x128xi32>
    %min3A_222 = arith.minsi %min3A_218, %min3A_220 : vector<1024x128xi32>
    %max3A_223 = arith.maxsi %min3A_218, %min3A_220 : vector<1024x128xi32>
    %min3A_224 = arith.minsi %max3A_219, %max3A_221 : vector<1024x128xi32>
    %max3A_225 = arith.maxsi %max3A_219, %max3A_221 : vector<1024x128xi32>
    %min3A_226 = arith.minsi %min3A_224, %max3A_223 : vector<1024x128xi32>
    %max3A_227 = arith.maxsi %min3A_224, %max3A_223 : vector<1024x128xi32>
    %min3A_228 = arith.minsi %min3A_212, %min3A_222 : vector<1024x128xi32>
    %max3A_229 = arith.maxsi %min3A_212, %min3A_222 : vector<1024x128xi32>
    %min3A_230 = arith.minsi %max3A_217, %max3A_227 : vector<1024x128xi32>
    %max3A_231 = arith.maxsi %max3A_217, %max3A_227 : vector<1024x128xi32>
    %min3A_232 = arith.minsi %min3A_230, %max3A_229 : vector<1024x128xi32>
    %max3A_233 = arith.maxsi %min3A_230, %max3A_229 : vector<1024x128xi32>
    %min3A_234 = arith.minsi %min3A_216, %min3A_226 : vector<1024x128xi32>
    %max3A_235 = arith.maxsi %min3A_216, %min3A_226 : vector<1024x128xi32>
    %min3A_236 = arith.minsi %max3A_215, %max3A_225 : vector<1024x128xi32>
    %max3A_237 = arith.maxsi %max3A_215, %max3A_225 : vector<1024x128xi32>
    %min3A_238 = arith.minsi %min3A_236, %max3A_235 : vector<1024x128xi32>
    %max3A_239 = arith.maxsi %min3A_236, %max3A_235 : vector<1024x128xi32>
    %min3A_240 = arith.minsi %min3A_234, %min3A_232 : vector<1024x128xi32>
    %max3A_241 = arith.maxsi %min3A_234, %min3A_232 : vector<1024x128xi32>
    %min3A_242 = arith.minsi %min3A_238, %max3A_233 : vector<1024x128xi32>
    %max3A_243 = arith.maxsi %min3A_238, %max3A_233 : vector<1024x128xi32>
    %min3A_244 = arith.minsi %max3A_239, %max3A_231 : vector<1024x128xi32>
    %max3A_245 = arith.maxsi %max3A_239, %max3A_231 : vector<1024x128xi32>
    %min3A_246 = arith.minsi %min3A_190, %min3A_228 : vector<1024x128xi32>
    %max3A_247 = arith.maxsi %min3A_190, %min3A_228 : vector<1024x128xi32>
    %min3A_248 = arith.minsi %max3A_205, %max3A_243 : vector<1024x128xi32>
    %max3A_249 = arith.maxsi %max3A_205, %max3A_243 : vector<1024x128xi32>
    %min3A_250 = arith.minsi %min3A_248, %max3A_247 : vector<1024x128xi32>
    %max3A_251 = arith.maxsi %min3A_248, %max3A_247 : vector<1024x128xi32>
    %min3A_252 = arith.minsi %max3A_203, %max3A_241 : vector<1024x128xi32>
    %max3A_253 = arith.maxsi %max3A_203, %max3A_241 : vector<1024x128xi32>
    %min3A_254 = arith.minsi %max3A_207, %max3A_245 : vector<1024x128xi32>
    %min3A_255 = arith.minsi %min3A_254, %max3A_253 : vector<1024x128xi32>
    %max3A_256 = arith.maxsi %min3A_254, %max3A_253 : vector<1024x128xi32>
    %min3A_257 = arith.minsi %min3A_252, %min3A_250 : vector<1024x128xi32>
    %max3A_258 = arith.maxsi %min3A_252, %min3A_250 : vector<1024x128xi32>
    %min3A_259 = arith.minsi %min3A_255, %max3A_251 : vector<1024x128xi32>
    %max3A_260 = arith.maxsi %min3A_255, %max3A_251 : vector<1024x128xi32>
    %min3A_261 = arith.minsi %max3A_256, %max3A_249 : vector<1024x128xi32>
    %max3A_262 = arith.maxsi %max3A_256, %max3A_249 : vector<1024x128xi32>
    %min3A_263 = arith.minsi %min3A_202, %min3A_240 : vector<1024x128xi32>
    %max3A_264 = arith.maxsi %min3A_202, %min3A_240 : vector<1024x128xi32>
    %min3A_265 = arith.minsi %min3A_206, %min3A_244 : vector<1024x128xi32>
    %max3A_266 = arith.maxsi %min3A_206, %min3A_244 : vector<1024x128xi32>
    %min3A_267 = arith.minsi %min3A_265, %max3A_264 : vector<1024x128xi32>
    %max3A_268 = arith.maxsi %min3A_265, %max3A_264 : vector<1024x128xi32>
    %min3A_269 = arith.minsi %min3A_204, %min3A_242 : vector<1024x128xi32>
    %max3A_270 = arith.maxsi %min3A_204, %min3A_242 : vector<1024x128xi32>
    %min3A_271 = arith.minsi %max3A_199, %max3A_237 : vector<1024x128xi32>
    %min3A_272 = arith.minsi %min3A_271, %max3A_270 : vector<1024x128xi32>
    %max3A_273 = arith.maxsi %min3A_271, %max3A_270 : vector<1024x128xi32>
    %min3A_274 = arith.minsi %min3A_269, %min3A_267 : vector<1024x128xi32>
    %max3A_275 = arith.maxsi %min3A_269, %min3A_267 : vector<1024x128xi32>
    %min3A_276 = arith.minsi %min3A_272, %max3A_268 : vector<1024x128xi32>
    %max3A_277 = arith.maxsi %min3A_272, %max3A_268 : vector<1024x128xi32>
    %min3A_278 = arith.minsi %max3A_273, %max3A_266 : vector<1024x128xi32>
    %min3A_279 = arith.minsi %min3A_263, %min3A_257 : vector<1024x128xi32>
    %max3A_280 = arith.maxsi %min3A_263, %min3A_257 : vector<1024x128xi32>
    %min3A_281 = arith.minsi %min3A_274, %max3A_258 : vector<1024x128xi32>
    %max3A_282 = arith.maxsi %min3A_274, %max3A_258 : vector<1024x128xi32>
    %min3A_283 = arith.minsi %max3A_275, %min3A_259 : vector<1024x128xi32>
    %max3A_284 = arith.maxsi %max3A_275, %min3A_259 : vector<1024x128xi32>
    %min3A_285 = arith.minsi %min3A_276, %max3A_260 : vector<1024x128xi32>
    %max3A_286 = arith.maxsi %min3A_276, %max3A_260 : vector<1024x128xi32>
    %min3A_287 = arith.minsi %max3A_277, %min3A_261 : vector<1024x128xi32>
    %max3A_288 = arith.maxsi %max3A_277, %min3A_261 : vector<1024x128xi32>
    %min3A_289 = arith.minsi %min3A_278, %max3A_262 : vector<1024x128xi32>
    %min3A_290 = arith.minsi %min3A_126, %min3A_246 : vector<1024x128xi32>
    %max3A_291 = arith.maxsi %min3A_126, %min3A_246 : vector<1024x128xi32>
    %min3A_292 = arith.minsi %max3A_166, %max3A_286 : vector<1024x128xi32>
    %min3A_293 = arith.minsi %min3A_292, %max3A_291 : vector<1024x128xi32>
    %min3A_294 = arith.minsi %max3A_162, %max3A_282 : vector<1024x128xi32>
    %min3A_295 = arith.minsi %min3A_294, %min3A_293 : vector<1024x128xi32>
    %max3A_296 = arith.maxsi %min3A_294, %min3A_293 : vector<1024x128xi32>
    %min3A_297 = arith.minsi %max3A_160, %max3A_280 : vector<1024x128xi32>
    %max3A_298 = arith.maxsi %max3A_160, %max3A_280 : vector<1024x128xi32>
    %min3A_299 = arith.minsi %max3A_168, %max3A_288 : vector<1024x128xi32>
    %min3A_300 = arith.minsi %min3A_299, %max3A_298 : vector<1024x128xi32>
    %min3A_301 = arith.minsi %max3A_164, %max3A_284 : vector<1024x128xi32>
    %min3A_302 = arith.minsi %min3A_301, %min3A_300 : vector<1024x128xi32>
    %min3A_303 = arith.minsi %min3A_297, %min3A_295 : vector<1024x128xi32>
    %max3A_304 = arith.maxsi %min3A_297, %min3A_295 : vector<1024x128xi32>
    %min3A_305 = arith.minsi %min3A_302, %max3A_296 : vector<1024x128xi32>
    %max3A_306 = arith.maxsi %min3A_302, %max3A_296 : vector<1024x128xi32>
    %min3A_307 = arith.minsi %min3A_159, %min3A_279 : vector<1024x128xi32>
    %max3A_308 = arith.maxsi %min3A_159, %min3A_279 : vector<1024x128xi32>
    %min3A_309 = arith.minsi %min3A_167, %min3A_287 : vector<1024x128xi32>
    %min3A_310 = arith.minsi %min3A_309, %max3A_308 : vector<1024x128xi32>
    %min3A_311 = arith.minsi %min3A_163, %min3A_283 : vector<1024x128xi32>
    %min3A_312 = arith.minsi %min3A_311, %min3A_310 : vector<1024x128xi32>
    %max3A_313 = arith.maxsi %min3A_311, %min3A_310 : vector<1024x128xi32>
    %min3A_314 = arith.minsi %min3A_161, %min3A_281 : vector<1024x128xi32>
    %max3A_315 = arith.maxsi %min3A_161, %min3A_281 : vector<1024x128xi32>
    %min3A_316 = arith.minsi %min3A_169, %min3A_289 : vector<1024x128xi32>
    %min3A_317 = arith.minsi %min3A_316, %max3A_315 : vector<1024x128xi32>
    %min3A_318 = arith.minsi %min3A_165, %min3A_285 : vector<1024x128xi32>
    %min3A_319 = arith.minsi %min3A_318, %min3A_317 : vector<1024x128xi32>
    %min3A_320 = arith.minsi %min3A_314, %min3A_312 : vector<1024x128xi32>
    %max3A_321 = arith.maxsi %min3A_314, %min3A_312 : vector<1024x128xi32>
    %min3A_322 = arith.minsi %min3A_319, %max3A_313 : vector<1024x128xi32>
    %min3A_323 = arith.minsi %min3A_307, %min3A_303 : vector<1024x128xi32>
    %max3A_324 = arith.maxsi %min3A_307, %min3A_303 : vector<1024x128xi32>
    %min3A_325 = arith.minsi %min3A_320, %max3A_304 : vector<1024x128xi32>
    %max3A_326 = arith.maxsi %min3A_320, %max3A_304 : vector<1024x128xi32>
    %min3A_327 = arith.minsi %max3A_321, %min3A_305 : vector<1024x128xi32>
    %max3A_328 = arith.maxsi %max3A_321, %min3A_305 : vector<1024x128xi32>
    %min3A_329 = arith.minsi %min3A_322, %max3A_306 : vector<1024x128xi32>
    %max3A_330 = arith.maxsi %min3A_322, %max3A_306 : vector<1024x128xi32>
    %concatenate3A = tpu.concatenate %min3A_290, %min3A_323, %max3A_324, %min3A_325, %max3A_326, %min3A_327, %max3A_328, %min3A_329, %max3A_330 in 1 : vector<1024x128xi32>, vector<1024x128xi32>, vector<1024x128xi32>, vector<1024x128xi32>, vector<1024x128xi32>, vector<1024x128xi32>, vector<1024x128xi32>, vector<1024x128xi32>, vector<1024x128xi32> -> vector<1024x1152xi32>
    %reduce_min3A = arith.constant dense<2147483647> : vector<1024xi32>
    %reduce_min3A_331 = vector.multi_reduction <minsi>, %concatenate3A, %reduce_min3A [1] : vector<1024x1152xi32> to vector<1024xi32>
    %broadcast_in_dim3A_332 = vector.shape_cast %reduce_min3A_331 : vector<1024xi32> to vector<1024x1xi32>
    %and3A_333 = arith.constant 4095 : i32
    %and3A_334 = vector.broadcast %and3A_333 : i32 to vector<1024x1xi32>
    %and3A_335 = arith.andi %broadcast_in_dim3A_332, %and3A_334 : vector<1024x1xi32>
    %and3A_336 = arith.constant -4096 : i32
    %and3A_337 = vector.broadcast %and3A_336 : i32 to vector<1024x1xi32>
    %and3A_338 = arith.andi %broadcast_in_dim3A_332, %and3A_337 : vector<1024x1xi32>
    %bitcast_convert_type3A_339 = tpu.bitcast %and3A_338 : vector<1024x1xi32> -> vector<1024x1xf32>
    %eq3A = vector.broadcast %broadcast_in_dim3A_332 : vector<1024x1xi32> to vector<1024x1152xi32>
    %eq3A_340 = arith.cmpi eq, %concatenate3A, %eq3A : vector<1024x1152xi32>
    %jit3A = arith.constant 2147483647 : i32
    %broadcast_in_dim3A_341 = vector.broadcast %jit3A : i32 to vector<1024x1152xi32>
    %select_n3A = arith.select %eq3A_340, %broadcast_in_dim3A_341, %concatenate3A : vector<1024x1152xi1>, vector<1024x1152xi32>
    %reduce_min3A_342 = arith.constant dense<2147483647> : vector<1024xi32>
    %reduce_min3A_343 = vector.multi_reduction <minsi>, %select_n3A, %reduce_min3A_342 [1] : vector<1024x1152xi32> to vector<1024xi32>
    %broadcast_in_dim3A_344 = vector.shape_cast %reduce_min3A_343 : vector<1024xi32> to vector<1024x1xi32>
    %and3A_345 = arith.constant 4095 : i32
    %and3A_346 = vector.broadcast %and3A_345 : i32 to vector<1024x1xi32>
    %and3A_347 = arith.andi %broadcast_in_dim3A_344, %and3A_346 : vector<1024x1xi32>
    %and3A_348 = arith.constant -4096 : i32
    %and3A_349 = vector.broadcast %and3A_348 : i32 to vector<1024x1xi32>
    %and3A_350 = arith.andi %broadcast_in_dim3A_344, %and3A_349 : vector<1024x1xi32>
    %bitcast_convert_type3A_351 = tpu.bitcast %and3A_350 : vector<1024x1xi32> -> vector<1024x1xf32>
    %eq3A_352 = vector.broadcast %broadcast_in_dim3A_344 : vector<1024x1xi32> to vector<1024x1152xi32>
    %eq3A_353 = arith.cmpi eq, %select_n3A, %eq3A_352 : vector<1024x1152xi32>
    %jit3A_354 = arith.constant 2147483647 : i32
    %broadcast_in_dim3A_355 = vector.broadcast %jit3A_354 : i32 to vector<1024x1152xi32>
    %select_n3A_356 = arith.select %eq3A_353, %broadcast_in_dim3A_355, %select_n3A : vector<1024x1152xi1>, vector<1024x1152xi32>
    %reduce_min3A_357 = arith.constant dense<2147483647> : vector<1024xi32>
    %reduce_min3A_358 = vector.multi_reduction <minsi>, %select_n3A_356, %reduce_min3A_357 [1] : vector<1024x1152xi32> to vector<1024xi32>
    %broadcast_in_dim3A_359 = vector.shape_cast %reduce_min3A_358 : vector<1024xi32> to vector<1024x1xi32>
    %and3A_360 = arith.constant 4095 : i32
    %and3A_361 = vector.broadcast %and3A_360 : i32 to vector<1024x1xi32>
    %and3A_362 = arith.andi %broadcast_in_dim3A_359, %and3A_361 : vector<1024x1xi32>
    %and3A_363 = arith.constant -4096 : i32
    %and3A_364 = vector.broadcast %and3A_363 : i32 to vector<1024x1xi32>
    %and3A_365 = arith.andi %broadcast_in_dim3A_359, %and3A_364 : vector<1024x1xi32>
    %bitcast_convert_type3A_366 = tpu.bitcast %and3A_365 : vector<1024x1xi32> -> vector<1024x1xf32>
    %eq3A_367 = vector.broadcast %broadcast_in_dim3A_359 : vector<1024x1xi32> to vector<1024x1152xi32>
    %eq3A_368 = arith.cmpi eq, %select_n3A_356, %eq3A_367 : vector<1024x1152xi32>
    %jit3A_369 = arith.constant 2147483647 : i32
    %broadcast_in_dim3A_370 = vector.broadcast %jit3A_369 : i32 to vector<1024x1152xi32>
    %select_n3A_371 = arith.select %eq3A_368, %broadcast_in_dim3A_370, %select_n3A_356 : vector<1024x1152xi1>, vector<1024x1152xi32>
    %reduce_min3A_372 = arith.constant dense<2147483647> : vector<1024xi32>
    %reduce_min3A_373 = vector.multi_reduction <minsi>, %select_n3A_371, %reduce_min3A_372 [1] : vector<1024x1152xi32> to vector<1024xi32>
    %broadcast_in_dim3A_374 = vector.shape_cast %reduce_min3A_373 : vector<1024xi32> to vector<1024x1xi32>
    %and3A_375 = arith.constant 4095 : i32
    %and3A_376 = vector.broadcast %and3A_375 : i32 to vector<1024x1xi32>
    %and3A_377 = arith.andi %broadcast_in_dim3A_374, %and3A_376 : vector<1024x1xi32>
    %and3A_378 = arith.constant -4096 : i32
    %and3A_379 = vector.broadcast %and3A_378 : i32 to vector<1024x1xi32>
    %and3A_380 = arith.andi %broadcast_in_dim3A_374, %and3A_379 : vector<1024x1xi32>
    %bitcast_convert_type3A_381 = tpu.bitcast %and3A_380 : vector<1024x1xi32> -> vector<1024x1xf32>
    %eq3A_382 = vector.broadcast %broadcast_in_dim3A_374 : vector<1024x1xi32> to vector<1024x1152xi32>
    %eq3A_383 = arith.cmpi eq, %select_n3A_371, %eq3A_382 : vector<1024x1152xi32>
    %jit3A_384 = arith.constant 2147483647 : i32
    %broadcast_in_dim3A_385 = vector.broadcast %jit3A_384 : i32 to vector<1024x1152xi32>
    %select_n3A_386 = arith.select %eq3A_383, %broadcast_in_dim3A_385, %select_n3A_371 : vector<1024x1152xi1>, vector<1024x1152xi32>
    %reduce_min3A_387 = arith.constant dense<2147483647> : vector<1024xi32>
    %reduce_min3A_388 = vector.multi_reduction <minsi>, %select_n3A_386, %reduce_min3A_387 [1] : vector<1024x1152xi32> to vector<1024xi32>
    %broadcast_in_dim3A_389 = vector.shape_cast %reduce_min3A_388 : vector<1024xi32> to vector<1024x1xi32>
    %and3A_390 = arith.constant 4095 : i32
    %and3A_391 = vector.broadcast %and3A_390 : i32 to vector<1024x1xi32>
    %and3A_392 = arith.andi %broadcast_in_dim3A_389, %and3A_391 : vector<1024x1xi32>
    %and3A_393 = arith.constant -4096 : i32
    %and3A_394 = vector.broadcast %and3A_393 : i32 to vector<1024x1xi32>
    %and3A_395 = arith.andi %broadcast_in_dim3A_389, %and3A_394 : vector<1024x1xi32>
    %bitcast_convert_type3A_396 = tpu.bitcast %and3A_395 : vector<1024x1xi32> -> vector<1024x1xf32>
    %eq3A_397 = vector.broadcast %broadcast_in_dim3A_389 : vector<1024x1xi32> to vector<1024x1152xi32>
    %eq3A_398 = arith.cmpi eq, %select_n3A_386, %eq3A_397 : vector<1024x1152xi32>
    %jit3A_399 = arith.constant 2147483647 : i32
    %broadcast_in_dim3A_400 = vector.broadcast %jit3A_399 : i32 to vector<1024x1152xi32>
    %select_n3A_401 = arith.select %eq3A_398, %broadcast_in_dim3A_400, %select_n3A_386 : vector<1024x1152xi1>, vector<1024x1152xi32>
    %reduce_min3A_402 = arith.constant dense<2147483647> : vector<1024xi32>
    %reduce_min3A_403 = vector.multi_reduction <minsi>, %select_n3A_401, %reduce_min3A_402 [1] : vector<1024x1152xi32> to vector<1024xi32>
    %broadcast_in_dim3A_404 = vector.shape_cast %reduce_min3A_403 : vector<1024xi32> to vector<1024x1xi32>
    %and3A_405 = arith.constant 4095 : i32
    %and3A_406 = vector.broadcast %and3A_405 : i32 to vector<1024x1xi32>
    %and3A_407 = arith.andi %broadcast_in_dim3A_404, %and3A_406 : vector<1024x1xi32>
    %and3A_408 = arith.constant -4096 : i32
    %and3A_409 = vector.broadcast %and3A_408 : i32 to vector<1024x1xi32>
    %and3A_410 = arith.andi %broadcast_in_dim3A_404, %and3A_409 : vector<1024x1xi32>
    %bitcast_convert_type3A_411 = tpu.bitcast %and3A_410 : vector<1024x1xi32> -> vector<1024x1xf32>
    %eq3A_412 = vector.broadcast %broadcast_in_dim3A_404 : vector<1024x1xi32> to vector<1024x1152xi32>
    %eq3A_413 = arith.cmpi eq, %select_n3A_401, %eq3A_412 : vector<1024x1152xi32>
    %jit3A_414 = arith.constant 2147483647 : i32
    %broadcast_in_dim3A_415 = vector.broadcast %jit3A_414 : i32 to vector<1024x1152xi32>
    %select_n3A_416 = arith.select %eq3A_413, %broadcast_in_dim3A_415, %select_n3A_401 : vector<1024x1152xi1>, vector<1024x1152xi32>
    %reduce_min3A_417 = arith.constant dense<2147483647> : vector<1024xi32>
    %reduce_min3A_418 = vector.multi_reduction <minsi>, %select_n3A_416, %reduce_min3A_417 [1] : vector<1024x1152xi32> to vector<1024xi32>
    %broadcast_in_dim3A_419 = vector.shape_cast %reduce_min3A_418 : vector<1024xi32> to vector<1024x1xi32>
    %and3A_420 = arith.constant 4095 : i32
    %and3A_421 = vector.broadcast %and3A_420 : i32 to vector<1024x1xi32>
    %and3A_422 = arith.andi %broadcast_in_dim3A_419, %and3A_421 : vector<1024x1xi32>
    %and3A_423 = arith.constant -4096 : i32
    %and3A_424 = vector.broadcast %and3A_423 : i32 to vector<1024x1xi32>
    %and3A_425 = arith.andi %broadcast_in_dim3A_419, %and3A_424 : vector<1024x1xi32>
    %bitcast_convert_type3A_426 = tpu.bitcast %and3A_425 : vector<1024x1xi32> -> vector<1024x1xf32>
    %eq3A_427 = vector.broadcast %broadcast_in_dim3A_419 : vector<1024x1xi32> to vector<1024x1152xi32>
    %eq3A_428 = arith.cmpi eq, %select_n3A_416, %eq3A_427 : vector<1024x1152xi32>
    %jit3A_429 = arith.constant 2147483647 : i32
    %broadcast_in_dim3A_430 = vector.broadcast %jit3A_429 : i32 to vector<1024x1152xi32>
    %select_n3A_431 = arith.select %eq3A_428, %broadcast_in_dim3A_430, %select_n3A_416 : vector<1024x1152xi1>, vector<1024x1152xi32>
    %reduce_min3A_432 = arith.constant dense<2147483647> : vector<1024xi32>
    %reduce_min3A_433 = vector.multi_reduction <minsi>, %select_n3A_431, %reduce_min3A_432 [1] : vector<1024x1152xi32> to vector<1024xi32>
    %broadcast_in_dim3A_434 = vector.shape_cast %reduce_min3A_433 : vector<1024xi32> to vector<1024x1xi32>
    %and3A_435 = arith.constant 4095 : i32
    %and3A_436 = vector.broadcast %and3A_435 : i32 to vector<1024x1xi32>
    %and3A_437 = arith.andi %broadcast_in_dim3A_434, %and3A_436 : vector<1024x1xi32>
    %and3A_438 = arith.constant -4096 : i32
    %and3A_439 = vector.broadcast %and3A_438 : i32 to vector<1024x1xi32>
    %and3A_440 = arith.andi %broadcast_in_dim3A_434, %and3A_439 : vector<1024x1xi32>
    %bitcast_convert_type3A_441 = tpu.bitcast %and3A_440 : vector<1024x1xi32> -> vector<1024x1xf32>
    %eq3A_442 = vector.broadcast %broadcast_in_dim3A_434 : vector<1024x1xi32> to vector<1024x1152xi32>
    %eq3A_443 = arith.cmpi eq, %select_n3A_431, %eq3A_442 : vector<1024x1152xi32>
    %jit3A_444 = arith.constant 2147483647 : i32
    %broadcast_in_dim3A_445 = vector.broadcast %jit3A_444 : i32 to vector<1024x1152xi32>
    %select_n3A_446 = arith.select %eq3A_443, %broadcast_in_dim3A_445, %select_n3A_431 : vector<1024x1152xi1>, vector<1024x1152xi32>
    %reduce_min3A_447 = arith.constant dense<2147483647> : vector<1024xi32>
    %reduce_min3A_448 = vector.multi_reduction <minsi>, %select_n3A_446, %reduce_min3A_447 [1] : vector<1024x1152xi32> to vector<1024xi32>
    %broadcast_in_dim3A_449 = vector.shape_cast %reduce_min3A_448 : vector<1024xi32> to vector<1024x1xi32>
    %and3A_450 = arith.constant 4095 : i32
    %and3A_451 = vector.broadcast %and3A_450 : i32 to vector<1024x1xi32>
    %and3A_452 = arith.andi %broadcast_in_dim3A_449, %and3A_451 : vector<1024x1xi32>
    %and3A_453 = arith.constant -4096 : i32
    %and3A_454 = vector.broadcast %and3A_453 : i32 to vector<1024x1xi32>
    %and3A_455 = arith.andi %broadcast_in_dim3A_449, %and3A_454 : vector<1024x1xi32>
    %bitcast_convert_type3A_456 = tpu.bitcast %and3A_455 : vector<1024x1xi32> -> vector<1024x1xf32>
    %broadcast_in_dim3A_457 = arith.constant -1 : i32
    %broadcast_in_dim3A_458 = vector.broadcast %broadcast_in_dim3A_457 : i32 to vector<1024x7xi32>
    %concatenate3A_459 = tpu.concatenate %and3A_335, %and3A_347, %and3A_362, %and3A_377, %and3A_392, %and3A_407, %and3A_422, %and3A_437, %and3A_452, %broadcast_in_dim3A_458 in 1 : vector<1024x1xi32>, vector<1024x1xi32>, vector<1024x1xi32>, vector<1024x1xi32>, vector<1024x1xi32>, vector<1024x1xi32>, vector<1024x1xi32>, vector<1024x1xi32>, vector<1024x1xi32>, vector<1024x7xi32> -> vector<1024x16xi32>
    %swap3A = arith.constant 0 : index
    %swap3A_460 = arith.constant 0 : index
    %swap3A_461 = vector.load %arg3[%swap3A, %swap3A_460] : memref<1024x16xi32, #tpu.memory_space<vmem>>, vector<1024x16xi32>
    tpu.vector_store %arg3[%swap3A, %swap3A_460], %concatenate3A_459 {strides = array<i32>} : memref<1024x16xi32, #tpu.memory_space<vmem>>, vector<1024x16xi32>,
    %broadcast_in_dim3A_462 = arith.constant 0.000000e+00 : f32
    %broadcast_in_dim3A_463 = vector.broadcast %broadcast_in_dim3A_462 : f32 to vector<1024x7xf32>
    %concatenate3A_464 = tpu.concatenate %bitcast_convert_type3A_339, %bitcast_convert_type3A_351, %bitcast_convert_type3A_366, %bitcast_convert_type3A_381, %bitcast_convert_type3A_396, %bitcast_convert_type3A_411, %bitcast_convert_type3A_426, %bitcast_convert_type3A_441, %bitcast_convert_type3A_456, %broadcast_in_dim3A_463 in 1 : vector<1024x1xf32>, vector<1024x1xf32>, vector<1024x1xf32>, vector<1024x1xf32>, vector<1024x1xf32>, vector<1024x1xf32>, vector<1024x1xf32>, vector<1024x1xf32>, vector<1024x1xf32>, vector<1024x7xf32> -> vector<1024x16xf32>
    %swap3A_465 = arith.constant 0 : index
    %swap3A_466 = arith.constant 0 : index
    %swap3A_467 = vector.load %arg4[%swap3A_465, %swap3A_466] : memref<1024x16xf32, #tpu.memory_space<vmem>>, vector<1024x16xf32>
    tpu.vector_store %arg4[%swap3A_465, %swap3A_466], %concatenate3A_464 {strides = array<i32>} : memref<1024x16xf32, #tpu.memory_space<vmem>>, vector<1024x16xf32>,
    return
  }
  func.func @transform_0(%arg0: i32) -> (i32, i32) {
    %c0_i32 = arith.constant 0 : i32
    %c0_i32_0 = arith.constant 0 : i32
    return %arg0, %c0_i32 : i32, i32
  }
  func.func @transform_1(%arg0: i32) -> (i32, i32) {
    %c0_i32 = arith.constant 0 : i32
    %c0_i32_0 = arith.constant 0 : i32
    %c0_i32_1 = arith.constant 0 : i32
    return %c0_i32, %c0_i32_0 : i32, i32
  }
  func.func @transform_2(%arg0: i32) -> (i32, i32) {
    %c0_i32 = arith.constant 0 : i32
    %c0_i32_0 = arith.constant 0 : i32
    return %arg0, %c0_i32 : i32, i32
  }
  func.func @transform_3(%arg0: i32) -> (i32, i32) {
    %c0_i32 = arith.constant 0 : i32
    %c0_i32_0 = arith.constant 0 : i32
    return %arg0, %c0_i32 : i32, i32
  }
}

</mosaic_0001>

<sc_bundles>
// kernel: kernel.4.cloned.1.call-start
scs
__scs_entry_jumppad:
0x0: {  	(pc) =	sbr.rel $0x88, $3  }
0x1: {  	(tag) =	ssettag $0x0;
	lr =	simm.s32 $0x1  }
0x2: {  	[smem:$0x3F9F] =	sst lr;
	_ =	strace $0xD0000000  }
0x3: {  	_ = 	snop  }
0x4: {  	_ = 	snop  }
0x5: {  	_ = 	snop  }
0x6: {  	_ = 	snop  }
0x7: {  	_ = 	snop  }
__scs_overlays_trampoline_lowered:
0x8: {  	[smem:$0x3FAE] =	sst s0  }
0x9: {  	[smem:$0x3FAF] =	sst s1  }
0xa: {  	[smem:$0x3FB0] =	sst s2  }
0xb: {  	[smem:$0x3FB1] =	sst s3  }
0xc: {  	[smem:$0x3FB2] =	sst s4  }
0xd: {  	[smem:$0x3FB3] =	sst s5  }
0xe: {  	[smem:$0x3FB4] =	sst s6  }
0xf: {  	[smem:$0x3FB5] =	sst s7  }
0x10: {  	[smem:$0x3FB6] =	sst s8  }
0x11: {  	[smem:$0x3FB7] =	sst s9;
	s0 =	simm.s32 @!p0 $0x0  }
0x12: {  	s1 =	sld [smem:$0x3F9D];
	s0 =	simm.s32 @p0 $0x1  }
0x13: {  	[smem:$0x3FB8] =	sst s0;
	s0 =	simm.s32 @!p1 $0x0  }
0x14: {  	s2 =	sld [smem:$0x3F9C];
	s0 =	simm.s32 @p1 $0x1  }
0x15: {  	[smem:$0x3FB9] =	sst s0;
	s0 =	simm.s32 @!p2 $0x0  }
0x16: {  	s3 =	sld [smem:$0x3FDB];
	s0 =	simm.s32 @p2 $0x1  }
0x17: {  	s4 =	simm.s32 $0x1BF5;
	[smem:$0x3FBB] =	sst s0  }
0x18: {  	s0 =	sld [smem:$0x3F9E];
	_ =	swait.ge [sflag:s4], $0x0  }
0x19: {  	s7 =	sld [smem:$0x3F9F]  }
0x1a: {  	s8 =	sadd.s32 $0xFFFFE003, lr  }
0x1b: {  	s9 =	sadd.s32 $0xFFFFFEF7, lr;
	s5 =	simm.s32 $0xFFFFFFFF;
	p2 =	slt.u32 s8, $0xFFFFF086  }
0x1c: {  	p1 =	slt.u32 s9, $0xF7A;
	s5 =	simm.s32 @!p2 $0x0  }
0x1d: {  	s5 =	simm.s32 @p1 $0x1;
	p0 =	seq.s32 s7, s2  }
0x1e: {  	s7 =	smul.u32 @!p0 $0xF7A, s2;
	p2 =	seq.s32 @!p0 s5, $0x0  }
0x1f: {  	s9 =	smul.u32 $0xF7A, s1;
	s8 =	simm.s32 @!p0 $0x1BF5;
	p2 =	por !p2, p0  }
0x20: {  	[sflag:s8] =	ssyncset.s32 @!p0 $0xFFFFF086;
	s6 =	sadd.s32 @!p0 s3, s7;
	s7 =	simm.s32 @!p0 $0x108  }
0x21: {  	s3 =	sadd.s32 s3, s9;
	s6 =	sadd.s32 @!p0 $0x88, s6;
	s7 =	simm.s32 @p2 $0x1082  }
0x22: {  	[simem:s7], [sflag:s8] =	dma.local @!p0 [hbm:s6], $0xF7A  }
0x23: {  	s9 =	sor.u32 $0xD0000000, s2;
	s6 =	simm.s32 $0x108;
	_ =	swait.ge @!p0 [sflag:s8], $0x0  }
0x24: {  	s3 =	sadd.s32 $0x88, s3;
	s6 =	simm.s32 @!p1 $0x1082;
	[sflag:s4] =	ssyncset.s32 $0xFFFFF086  }
0x25: {  	[simem:s6], [sflag:s4] =	dma.local [hbm:s3], $0xF7A  }
0x26: {  	[smem:$0x3F9F] =	sst s1;
	(tag) =	ssettag s2;
	_ =	strace s9  }
0x27: {  	s1 =	sld [smem:$0x3FAF]  }
0x28: {  	s2 =	sld [smem:$0x3FB0]  }
0x29: {  	s4 =	sld [smem:$0x3FB2]  }
0x2a: {  	p0 =	seq.s32 s5, $0x0;
	s5 =	sld [smem:$0x3FB3]  }
0x2b: {  	s6 =	sld [smem:$0x3FB4]  }
0x2c: {  	s7 =	sld [smem:$0x3FB5]  }
0x2d: {  	s3 =	simm.s32 $0x108;
	s8 =	sld [smem:$0x3FB6]  }
0x2e: {  	s3 =	simm.s32 @!p0 $0x1082;
	s9 =	sld [smem:$0x3FB7]  }
0x2f: {  	lr =	sadd.s32 s0, s3;
	s0 =	sld [smem:$0x3FAE]  }
0x30: {  	s3 =	sld [smem:$0x3FB1]  }
0x31: {  	[smem:$0x3FBA] =	sst s10  }
0x32: {  	s10 =	sld [smem:$0x3FB8];
	_ =	sdelay $0x3  }
0x33: {  	p0 =	seq.s32 s10, $0x1;
	s10 =	sld [smem:$0x3FBA];
	_ =	sdelay $0x3  }
0x34: {  	[smem:$0x3FBA] =	sst s10  }
0x35: {  	s10 =	sld [smem:$0x3FB9];
	_ =	sdelay $0x3  }
0x36: {  	p1 =	seq.s32 s10, $0x1;
	s10 =	sld [smem:$0x3FBA];
	_ =	sdelay $0x3  }
0x37: {  	[smem:$0x3FBA] =	sst s10  }
0x38: {  	s10 =	sld [smem:$0x3FBB]  }
0x39: {  	_ = 	snop;
	(pc) =	sbr.ind lr, $3  }
0x3a: {  	_ = 	snop  }
0x3b: {  	_ = 	snop  }
0x3c: {  	p2 =	seq.s32 s10, $0x1;
	s10 =	sld [smem:$0x3FBA]  }
0x3d: {  	_ =	shalt  }
0x3e: {  	_ =	shalt  }
0x3f: {  	_ =	shalt  }
0x40: {  	_ =	shalt  }
0x41: {  	_ =	shalt  }
0x42: {  	_ =	shalt  }
0x43: {  	_ =	shalt  }
0x44: {  	_ =	shalt  }
0x45: {  	_ =	shalt  }
0x46: {  	_ =	shalt  }
0x47: {  	_ =	shalt  }
0x48: {  	_ =	shalt  }
0x49: {  	_ =	shalt  }
0x4a: {  	_ =	shalt  }
0x4b: {  	_ =	shalt  }
0x4c: {  	_ =	shalt  }
0x4d: {  	_ =	shalt  }
0x4e: {  	_ =	shalt  }
0x4f: {  	_ =	shalt  }
0x50: {  	_ =	shalt  }
0x51: {  	_ =	shalt  }
0x52: {  	_ =	shalt  }
0x53: {  	_ =	shalt  }
0x54: {  	_ =	shalt  }
0x55: {  	_ =	shalt  }
0x56: {  	_ =	shalt  }
0x57: {  	_ =	shalt  }
0x58: {  	_ =	shalt  }
0x59: {  	_ =	shalt  }
0x5a: {  	_ =	shalt  }
0x5b: {  	_ =	shalt  }
0x5c: {  	_ =	shalt  }
0x5d: {  	_ =	shalt  }
0x5e: {  	_ =	shalt  }
0x5f: {  	_ =	shalt  }
0x60: {  	_ =	shalt  }
0x61: {  	_ =	shalt  }
0x62: {  	_ =	shalt  }
0x63: {  	_ =	shalt  }
0x64: {  	_ =	shalt  }
0x65: {  	_ =	shalt  }
0x66: {  	_ =	shalt  }
0x67: {  	_ =	shalt  }
0x68: {  	_ =	shalt  }
0x69: {  	_ =	shalt  }
0x6a: {  	_ =	shalt  }
0x6b: {  	_ =	shalt  }
0x6c: {  	_ =	shalt  }
0x6d: {  	_ =	shalt  }
0x6e: {  	_ =	shalt  }
0x6f: {  	_ =	shalt  }
0x70: {  	_ =	shalt  }
0x71: {  	_ =	shalt  }
0x72: {  	_ =	shalt  }
0x73: {  	_ =	shalt  }
0x74: {  	_ =	shalt  }
0x75: {  	_ =	shalt  }
0x76: {  	_ =	shalt  }
0x77: {  	_ =	shalt  }
0x78: {  	_ =	shalt  }
0x79: {  	_ =	shalt  }
0x7a: {  	_ =	shalt  }
0x7b: {  	_ =	shalt  }
0x7c: {  	_ =	shalt  }
0x7d: {  	_ =	shalt  }
0x7e: {  	_ =	shalt  }
0x7f: {  	_ =	shalt  }
0x80: {  	_ =	shalt  }
0x81: {  	_ =	shalt  }
0x82: {  	_ =	shalt  }
0x83: {  	_ =	shalt  }
0x84: {  	_ =	shalt  }
0x85: {  	_ =	shalt  }
0x86: {  	_ =	shalt  }
0x87: {  	_ =	shalt  }
.Lfunc_end0:
.L_simem_size_0:
called_computation_lowered:
.L_overlay_start_0:
0x88: {  	s2 =	sld [smem:$0x3FD9]  }
0x89: {  	s3 =	sld [smem:$0x3FFE];
	_ =	sdelay $0x1  }
0x8a: {  	s1 =	srdreg.scid  }
0x8b: {  	s0 =	sand.u32 $0x1, s1  }
0x8c: {  	s16 =	sshll.u32 s0, $0xA;
	s2 =	sadd.s32 s3, s2  }
0x8d: {  	s2 =	sadd.s32 s2, s16  }
0x8e: {  	[smem:$0x3FC6] =	sst s2  }
0x8f: {  	_ = 	snop  }
0x90: {  	(tm) =	ssettm $0x1  }
0x91: {  	s17 =	sld [smem:$0x3FFB];
	_ =	sdelay $0x3  }
0x92: {  	_ =	strace s17  }
0x93: {  	s2 =	sld [smem:$0x3FFC];
	_ =	sdelay $0x3  }
0x94: {  	_ =	strace s2  }
0x95: {  	s2 =	sld [smem:$0x3FFD];
	_ =	sdelay $0x3  }
0x96: {  	_ =	strace s2  }
0x97: {  	_ =	strace $0x8FFFFFFF  }
0x98: {  	s18 =	sld [smem:$0x3FDB];
	_ =	sdelay $0x1  }
0x99: {  	s19 =	simm.s32 $_scs_section_size  }
0x9a: {  	s4 =	simm.s32 $_size__tile_overlayer_lowered;
	s5 =	simm.s32 $_tile_overlayer_lowered  }
0x9b: {  	s22 =	simm.s32 $0x1BFF;
	s21 =	sshll.u32 s5, $0x1;
	s2 =	sadd.s32 s19, s18  }
0x9c: {  	s6 =	simm.s32 $0x0;
	s20 =	sshll.u32 s4, $0x1;
	s4 =	sadd.s32 s21, s2  }
0x9d: {  	[timem:s6], [sflag:s22] =	dma.local [hbm:s4], s20  }
0x9e: {  	_ =	swait.ge [sflag:s22], s20  }
0x9f: {  	s3 =	ssub.s32 $0x0, s20;
	[sflag:s22] =	ssyncset.done $0x0  }
0xa0: {  	[sflag:s22] =	ssyncadd.s32 s3;
	_ =	sdelay $0x1  }
0xa1: {  	s23 =	simm.s32 $0x1B8B  }
0xa2: {  	_ =	swait.ge [sflag:s23], $0x1  }
0xa3: {  	[sflag:s23] =	ssyncset.done $0x0  }
0xa4: {  	s25 =	simm.s32 $0x1B8E;
	s24 =	sld [smem:$0x3FFE];
	[sflag:s23] =	ssyncadd.s32 $0xFFFFFFFF  }
0xa5: {  	s26 =	simm.s32 $execute0_lowered;
	[smem:$0x3FD2] =	sst s25  }
0xa6: {  	s4 =	sshll.u32 s26, $0x1;
	_ =	strace $0x80000046;
	[dreg:$0x1] =	wrdreg $0xFFFFFFFF  }
0xa7: {  	s28 =	simm.s32 $_size_execute0_lowered;
	s2 =	sadd.s32 s2, s4;
	[dreg:$0x0] =	wrdreg $0x0  }
0xa8: {  	s4 =	sshll.u32 s28, $0x1;
	[dreg:$0x2] =	wrdreg s2  }
0xa9: {  	[dreg:$0x3] =	wrdreg s4  }
0xaa: {  	[dreg:$0x4] =	wrdreg $0xC0  }
0xab: {  	_ =	task [dreg:s6], $0x5FFFF  }
0xac: {  	[dreg:$0x1] =	wrdreg $0xFFFFFFFF  }
0xad: {  	[dreg:$0x0] =	wrdreg $0x60  }
0xae: {  	[dreg:$0x2] =	wrdreg s24  }
0xaf: {  	[dreg:$0x3] =	wrdreg $0x9  }
0xb0: {  	_ =	task.clear_ibuf [dreg:s6], $0x4FFFF;
	_ =	strace $0x90000046  }
0xb1: {  	s29 =	simm.s32 $0x9;
	_ =	strace $0x80000048  }
0xb2: {  	_ =	swait.ge [sflag:s29], $0x1  }
0xb3: {  	[sflag:s29] =	ssyncadd.s32 $0xFFFFFFFF  }
0xb4: {  	_ =	strace $0x90000048  }
0xb5: {  	_ =	sfence  }
0xb6: {  	s30 =	sld [smem:$0x0];
	_ =	sdelay $0x2  }
0xb7: {  	s31 =	sshll.u32 s1, $0xD;
	s1 =	sshrl.u32 s1, $0x2  }
0xb8: {  	s3 =	sand.u32 $0x4000, s31;
	s1 =	sadd.s32 s1, s30  }
0xb9: {  	s0 =	sor.u32 s3, s0;
	s1 =	sshll.u32 s1, $0x11  }
0xba: {  	s0 =	sor.u32 s1, s0  }
0xbb: {  	s0 =	sadd.s32 $0x8F2B, s0  }
0xbc: {  	[sflag:s0] =	ssyncadd.remote.s32 $0x1  }
0xbd: {  	_ =	sfence.sel $0xFFFF  }
0xbe: {  	[dreg:$0x0] =	wrdreg $0xFFFFFFFF;
	(pc) =	sbr.abs _section_cstart, $3  }
0xbf: {  	[dreg:$0x1] =	wrdreg $0xFFFFFFFF  }
0xc0: {  	_ =	task.clear_ibuf [dreg:s6], $0x2FFFF;
	_ =	strace $0x9FFFFFFF  }
0xc1: {  	(tm) =	ssettm $0x7FFFFFFF  }
tec
execute0_lowered:
.L_overlay_start_1:
0x0: {  	(tag) =	ssettag $0x1  }
0x1: {  	s5 =	rddreg [dreg:$0x0]  }
0x2: {  	s0 =	rddreg [dreg:$0x1]  }
0x3: {  	s3 =	srdreg.scid;
	s1 =	stileid.u32;
	s2 =	simm.s32 $0x0  }
0x4: {  	s11 =	simm.s32 $0x10800;
	s12 =	simm.s32 $0x80;
	s13 =	simm.s32 $0x12800  }
0x5: {  	s14 =	simm.s32 $0x12880;
	s15 =	simm.s32 $0x1;
	s17 =	simm.s32 $0x14900  }
0x6: {  	s18 =	simm.s32 $0x0;
	s4 =	sand.u32 $0x1, s3;
	s30 =	sshll.u32 s1, $0x1  }
0x7: {  	[smem:$0x7FF] =	sst s2;
	s3 =	sadd.s32 $0x2600, s5;
	s6 =	sor.u32 s4, s30  }
0x8: {  	_ =	strace $0x80000047;
	s8 =	ssub.s32 $0x2, s4;
	s4 =	sadd.s32 $0x4600, s5  }
0x9: {  	s7 =	sshll.u32 s6, $0x8;
	s9 =	sshll.u32 s6, $0x1;
	s10 =	sshrl.u32 s8, $0x1  }
0xa: {  	s31 =	sshll.u32 s6, $0xA;
	s16 =	sshll.u32 s6, $0x7;
	s7 =	sadd.s32 s7, s5  }
0xb: {  	v0 =	vlaneseq.u32;
	v1 =	vimm.s32 $0x0;
	s9 =	sadd.s32 s9, s5;
	s8 =	ssub.s32 s8, s10;
	s6 =	sadd.s32 s4, s31  }
0xc: {  	vm0 =	vcmask $0x300;
	v3 =	vand.u32 $0x7, v0;
	s10 =	simm.s32 $0x10000;
	v2 =	vmov s16;
	s16 =	simm.s32 $0x14880;
	s5 =	sadd.s32 $0x600, s7  }
0xd: {  	v4 =	vsel vm0, $0x3, v1;
	v3 =	vadd.s32 $0x1, v3;
	s7 =	sadd.s32 $0xC600, s9;
	s8 =	smax.u32 s8, $0x1;
	s9 =	simm.s32 $0x2  }
.LBB2_1:
0xe: {  	[tilespmem:s2], [sflag:$0x2] =	stream.linear.gather [hbm4b:s3+s2], $0x10000, $0x38;
	[tilespmem:$0x14910] =	vst v63  }
0xf: {  	_ =	swait.ge [sflag:s9], $0x10000  }
0x10: {  	[sflag:s9] =	ssyncset.done $0x0  }
0x11: {  	[sflag:s9] =	ssyncadd.s32 $0xFFFF0000  }
0x12: {  	[tilespmem:s10], [sflag:$0x2] =	stream.linear.gather [hbm4b:s5+s2], $0x800, $0x38;
	[tilespmem:$0x14910] =	vst v63  }
0x13: {  	_ =	swait.ge [sflag:s9], $0x800  }
0x14: {  	[sflag:s9] =	ssyncset.done $0x0  }
0x15: {  	[sflag:s9] =	ssyncadd.s32 $0xFFFFF800  }
0x16: {  	[tilespmem:s11], [sflag:$0x2] =	stream.linear.gather [hbm4b:s6+s2], $0x2000, $0x38;
	[tilespmem:$0x14910] =	vst v63  }
0x17: {  	_ =	swait.ge [sflag:s9], $0x2000  }
0x18: {  	s19 =	simm.s32 $0x60;
	[sflag:s9] =	ssyncset.done $0x0  }
0x19: {  	v7 =	vimm.f32 $0.0e+00;
	s20 =	simm.s32 $0x10840;
	s21 =	simm.s32 $0x0;
	[sflag:s9] =	ssyncadd.s32 $0xFFFFE000  }
.LBB2_2:
0x1a: {  	s22 =	sshll.u32 s21, $0x7  }
0x1b: {  	v5 =	vor.u32 s22, v0  }
0x1c: {  	v5 =	vshrl.u32 v5, $0x3  }
0x1d: {  	v6 =	vor.u32 v2, v5  }
0x1e: {  	v8 =	vshll.u32 v6, $0x4  }
0x1f: {  	v8 =	vor.u32 v3, v8;
	_ =	sdelay $0x4  }
0x20: {  	v8 =	vld.idx.msk [tilespmem:v8+s2+$0x0], $0xffff;
	_ =	sdelay $0x2  }
0x21: {  	v5 =	vshll.u32 v5, $0x4  }
0x22: {  	v5 =	vor.u32 v3, v5  }
0x23: {  	v9 =	vshll.u32 v8, $0x4  }
0x24: {  	v10 =	vor.u32 $0x7, v9  }
0x25: {  	v11 =	vor.u32 $0x8, v9  }
0x26: {  	v12 =	vor.u32 $0x6, v9  }
0x27: {  	v5 =	vld.idx.msk [tilespmem:v5+s10+$0x0], $0xffff;
	v13 =	vor.u32 $0x5, v9  }
0x28: {  	v14 =	vor.u32 $0x4, v9  }
0x29: {  	v15 =	vor.u32 $0x3, v9;
	v10 =	vld.idx.msk [tilespmem:v10+s2+$0x0], $0xffff  }
0x2a: {  	v16 =	vor.u32 $0x2, v9;
	v11 =	vld.idx.msk [tilespmem:v11+s2+$0x0], $0xffff  }
0x2b: {  	v9 =	vor.u32 $0x1, v9;
	v12 =	vld.idx.msk [tilespmem:v12+s2+$0x0], $0xffff  }
0x2c: {  	v5 =	vsub.f32 $0.0e+00, v5;
	v13 =	vld.idx.msk [tilespmem:v13+s2+$0x0], $0xffff  }
0x2d: {  	v14 =	vld.idx.msk [tilespmem:v14+s2+$0x0], $0xffff  }
0x2e: {  	v5 =	vmul.f32 $1.442695020e+00, v5;
	v15 =	vld.idx.msk [tilespmem:v15+s2+$0x0], $0xffff  }
0x2f: {  	v16 =	vld.idx.msk [tilespmem:v16+s2+$0x0], $0xffff;
	vm0 =	veq.s32 v10, v6;
	vm1 =	veq.s32 v11, v6  }
0x30: {  	(erf) = vpow2.f32 v5;
	v5 =	vld.idx.msk [tilespmem:v9+s2+$0x0], $0xffff;
	vm2 =	veq.s32 v12, v6;
	vm0 =	vmor vm1, vm0  }
0x31: {  	vm15 =	veq.s32 v13, v6;
	vm0 =	vmor vm0, vm2  }
0x32: {  	vm4 =	veq.s32 v14, v6;
	vm0 =	vmor vm0, vm15  }
0x33: {  	s23 =	sor.u32 $0x10, s22;
	vm5 =	veq.s32 v15, v6;
	vm0 =	vmor vm0, vm4  }
0x34: {  	v9 =	vor.u32 s23, v0;
	vm6 =	veq.s32 v16, v6;
	vm0 =	vmor vm0, vm5  }
0x35: {  	vm7 =	veq.s32 v5, v6;
	v5 =	vshrl.u32 v9, $0x3;
	vm0 =	vmor vm0, vm6  }
0x36: {  	v6 =	vor.u32 v2, v5;
	vm0 =	vmor vm0, vm7  }
0x37: {  	v10 =	vshll.u32 v6, $0x4;
	v9 =	vsel vm0, $0x3F800000, v1  }
0x38: {  	v10 =	vor.u32 v3, v10;
	v9 =	vsub.f32 $2.000000000e+00, v9  }
0x39: {  	v11 =	vpop (erf)  }
0x3a: {  	v9 =	vmul.f32 v9, v11  }
0x3b: {  	[tilespmem:$0x12800] =	vst v8  }
0x3c: {  	[tilespmem:$0x14880] =	vst v9  }
0x3d: {  	v8 =	vld.idx.msk [tilespmem:v10+s2+$0x0], $0xffff;
	_ =	sdelay $0x2  }
0x3e: {  	v5 =	vshll.u32 v5, $0x4  }
0x3f: {  	v5 =	vor.u32 v3, v5  }
0x40: {  	v9 =	vshll.u32 v8, $0x4  }
0x41: {  	v10 =	vor.u32 $0x7, v9  }
0x42: {  	v11 =	vor.u32 $0x8, v9  }
0x43: {  	v12 =	vor.u32 $0x6, v9  }
0x44: {  	v5 =	vld.idx.msk [tilespmem:v5+s10+$0x0], $0xffff;
	v13 =	vor.u32 $0x5, v9  }
0x45: {  	v14 =	vor.u32 $0x4, v9  }
0x46: {  	v15 =	vor.u32 $0x3, v9;
	v10 =	vld.idx.msk [tilespmem:v10+s2+$0x0], $0xffff  }
0x47: {  	v16 =	vor.u32 $0x2, v9;
	v11 =	vld.idx.msk [tilespmem:v11+s2+$0x0], $0xffff  }
0x48: {  	v9 =	vor.u32 $0x1, v9;
	v12 =	vld.idx.msk [tilespmem:v12+s2+$0x0], $0xffff  }
0x49: {  	v5 =	vsub.f32 $0.0e+00, v5;
	v13 =	vld.idx.msk [tilespmem:v13+s2+$0x0], $0xffff  }
0x4a: {  	v14 =	vld.idx.msk [tilespmem:v14+s2+$0x0], $0xffff  }
0x4b: {  	v5 =	vmul.f32 $1.442695020e+00, v5;
	v15 =	vld.idx.msk [tilespmem:v15+s2+$0x0], $0xffff  }
0x4c: {  	v16 =	vld.idx.msk [tilespmem:v16+s2+$0x0], $0xffff;
	vm8 =	veq.s32 v10, v6;
	vm9 =	veq.s32 v11, v6  }
0x4d: {  	(erf) = vpow2.f32 v5;
	v5 =	vld.idx.msk [tilespmem:v9+s2+$0x0], $0xffff;
	vm10 =	veq.s32 v12, v6;
	vm0 =	vmor vm9, vm8  }
0x4e: {  	vm11 =	veq.s32 v13, v6;
	vm0 =	vmor vm0, vm10  }
0x4f: {  	vm12 =	veq.s32 v14, v6;
	vm0 =	vmor vm0, vm11  }
0x50: {  	s26 =	sor.u32 $0x20, s22;
	vm13 =	veq.s32 v15, v6;
	vm0 =	vmor vm0, vm12  }
0x51: {  	v9 =	vor.u32 s26, v0;
	vm14 =	veq.s32 v16, v6;
	vm0 =	vmor vm0, vm13  }
0x52: {  	vm15 =	veq.s32 v5, v6;
	v5 =	vshrl.u32 v9, $0x3;
	vm0 =	vmor vm0, vm14  }
0x53: {  	v6 =	vor.u32 v2, v5;
	vm0 =	vmor vm0, vm15  }
0x54: {  	v10 =	vshll.u32 v6, $0x4;
	v9 =	vsel vm0, $0x3F800000, v1  }
0x55: {  	v10 =	vor.u32 v3, v10;
	v9 =	vsub.f32 $2.000000000e+00, v9  }
0x56: {  	v11 =	vpop (erf)  }
0x57: {  	v9 =	vmul.f32 v9, v11  }
0x58: {  	[tilespmem:$0x12810] =	vst v8  }
0x59: {  	[tilespmem:$0x14890] =	vst v9  }
0x5a: {  	v8 =	vld.idx.msk [tilespmem:v10+s2+$0x0], $0xffff;
	_ =	sdelay $0x2  }
0x5b: {  	v5 =	vshll.u32 v5, $0x4  }
0x5c: {  	v5 =	vor.u32 v3, v5  }
0x5d: {  	v9 =	vshll.u32 v8, $0x4  }
0x5e: {  	v10 =	vor.u32 $0x7, v9  }
0x5f: {  	v11 =	vor.u32 $0x8, v9  }
0x60: {  	v12 =	vor.u32 $0x6, v9  }
0x61: {  	v5 =	vld.idx.msk [tilespmem:v5+s10+$0x0], $0xffff;
	v13 =	vor.u32 $0x5, v9  }
0x62: {  	v14 =	vor.u32 $0x4, v9  }
0x63: {  	v15 =	vor.u32 $0x3, v9;
	v10 =	vld.idx.msk [tilespmem:v10+s2+$0x0], $0xffff  }
0x64: {  	v16 =	vor.u32 $0x2, v9;
	v11 =	vld.idx.msk [tilespmem:v11+s2+$0x0], $0xffff  }
0x65: {  	v9 =	vor.u32 $0x1, v9;
	v12 =	vld.idx.msk [tilespmem:v12+s2+$0x0], $0xffff  }
0x66: {  	v5 =	vsub.f32 $0.0e+00, v5;
	v13 =	vld.idx.msk [tilespmem:v13+s2+$0x0], $0xffff  }
0x67: {  	v14 =	vld.idx.msk [tilespmem:v14+s2+$0x0], $0xffff  }
0x68: {  	v5 =	vmul.f32 $1.442695020e+00, v5;
	v15 =	vld.idx.msk [tilespmem:v15+s2+$0x0], $0xffff  }
0x69: {  	v16 =	vld.idx.msk [tilespmem:v16+s2+$0x0], $0xffff;
	vm4 =	veq.s32 v10, v6;
	vm5 =	veq.s32 v11, v6  }
0x6a: {  	(erf) = vpow2.f32 v5;
	v5 =	vld.idx.msk [tilespmem:v9+s2+$0x0], $0xffff;
	vm6 =	veq.s32 v12, v6;
	vm0 =	vmor vm5, vm4  }
0x6b: {  	vm7 =	veq.s32 v13, v6;
	vm0 =	vmor vm0, vm6  }
0x6c: {  	vm8 =	veq.s32 v14, v6;
	vm0 =	vmor vm0, vm7  }
0x6d: {  	s28 =	sor.u32 $0x30, s22;
	vm9 =	veq.s32 v15, v6;
	vm0 =	vmor vm0, vm8  }
0x6e: {  	v9 =	vor.u32 s28, v0;
	vm10 =	veq.s32 v16, v6;
	vm0 =	vmor vm0, vm9  }
0x6f: {  	vm11 =	veq.s32 v5, v6;
	v5 =	vshrl.u32 v9, $0x3;
	vm0 =	vmor vm0, vm10  }
0x70: {  	v6 =	vor.u32 v2, v5;
	vm0 =	vmor vm0, vm11  }
0x71: {  	v10 =	vshll.u32 v6, $0x4;
	v9 =	vsel vm0, $0x3F800000, v1  }
0x72: {  	v10 =	vor.u32 v3, v10;
	v9 =	vsub.f32 $2.000000000e+00, v9  }
0x73: {  	v11 =	vpop (erf)  }
0x74: {  	v9 =	vmul.f32 v9, v11  }
0x75: {  	[tilespmem:$0x12820] =	vst v8  }
0x76: {  	[tilespmem:$0x148A0] =	vst v9  }
0x77: {  	v8 =	vld.idx.msk [tilespmem:v10+s2+$0x0], $0xffff;
	_ =	sdelay $0x2  }
0x78: {  	v5 =	vshll.u32 v5, $0x4  }
0x79: {  	v5 =	vor.u32 v3, v5  }
0x7a: {  	v9 =	vshll.u32 v8, $0x4  }
0x7b: {  	v10 =	vor.u32 $0x7, v9  }
0x7c: {  	v11 =	vor.u32 $0x8, v9  }
0x7d: {  	v12 =	vor.u32 $0x6, v9  }
0x7e: {  	v5 =	vld.idx.msk [tilespmem:v5+s10+$0x0], $0xffff;
	v13 =	vor.u32 $0x5, v9  }
0x7f: {  	v14 =	vor.u32 $0x4, v9  }
0x80: {  	v15 =	vor.u32 $0x3, v9;
	v10 =	vld.idx.msk [tilespmem:v10+s2+$0x0], $0xffff  }
0x81: {  	v16 =	vor.u32 $0x2, v9;
	v11 =	vld.idx.msk [tilespmem:v11+s2+$0x0], $0xffff  }
0x82: {  	v9 =	vor.u32 $0x1, v9;
	v12 =	vld.idx.msk [tilespmem:v12+s2+$0x0], $0xffff  }
0x83: {  	v5 =	vsub.f32 $0.0e+00, v5;
	v13 =	vld.idx.msk [tilespmem:v13+s2+$0x0], $0xffff  }
0x84: {  	v14 =	vld.idx.msk [tilespmem:v14+s2+$0x0], $0xffff  }
0x85: {  	v5 =	vmul.f32 $1.442695020e+00, v5;
	v15 =	vld.idx.msk [tilespmem:v15+s2+$0x0], $0xffff  }
0x86: {  	v16 =	vld.idx.msk [tilespmem:v16+s2+$0x0], $0xffff;
	vm12 =	veq.s32 v10, v6;
	vm13 =	veq.s32 v11, v6  }
0x87: {  	(erf) = vpow2.f32 v5;
	v5 =	vld.idx.msk [tilespmem:v9+s2+$0x0], $0xffff;
	vm14 =	veq.s32 v12, v6;
	vm0 =	vmor vm13, vm12  }
0x88: {  	vm15 =	veq.s32 v13, v6;
	vm0 =	vmor vm0, vm14  }
0x89: {  	vm4 =	veq.s32 v14, v6;
	vm0 =	vmor vm0, vm15  }
0x8a: {  	s29 =	sor.u32 $0x40, s22;
	vm5 =	veq.s32 v15, v6;
	vm0 =	vmor vm0, vm4  }
0x8b: {  	v9 =	vor.u32 s29, v0;
	vm6 =	veq.s32 v16, v6;
	vm0 =	vmor vm0, vm5  }
0x8c: {  	vm7 =	veq.s32 v5, v6;
	v5 =	vshrl.u32 v9, $0x3;
	vm0 =	vmor vm0, vm6  }
0x8d: {  	v6 =	vor.u32 v2, v5;
	vm0 =	vmor vm0, vm7  }
0x8e: {  	v10 =	vshll.u32 v6, $0x4;
	v9 =	vsel vm0, $0x3F800000, v1  }
0x8f: {  	v10 =	vor.u32 v3, v10;
	v9 =	vsub.f32 $2.000000000e+00, v9  }
0x90: {  	v11 =	vpop (erf)  }
0x91: {  	v9 =	vmul.f32 v9, v11  }
0x92: {  	[tilespmem:$0x12830] =	vst v8  }
0x93: {  	[tilespmem:$0x148B0] =	vst v9  }
0x94: {  	v8 =	vld.idx.msk [tilespmem:v10+s2+$0x0], $0xffff;
	_ =	sdelay $0x2  }
0x95: {  	v5 =	vshll.u32 v5, $0x4  }
0x96: {  	v5 =	vor.u32 v3, v5  }
0x97: {  	v9 =	vshll.u32 v8, $0x4  }
0x98: {  	v10 =	vor.u32 $0x7, v9  }
0x99: {  	v11 =	vor.u32 $0x8, v9  }
0x9a: {  	v12 =	vor.u32 $0x6, v9  }
0x9b: {  	v5 =	vld.idx.msk [tilespmem:v5+s10+$0x0], $0xffff;
	v13 =	vor.u32 $0x5, v9  }
0x9c: {  	v14 =	vor.u32 $0x4, v9  }
0x9d: {  	v15 =	vor.u32 $0x3, v9;
	v10 =	vld.idx.msk [tilespmem:v10+s2+$0x0], $0xffff  }
0x9e: {  	v16 =	vor.u32 $0x2, v9;
	v11 =	vld.idx.msk [tilespmem:v11+s2+$0x0], $0xffff  }
0x9f: {  	v9 =	vor.u32 $0x1, v9;
	v12 =	vld.idx.msk [tilespmem:v12+s2+$0x0], $0xffff  }
0xa0: {  	v5 =	vsub.f32 $0.0e+00, v5;
	v13 =	vld.idx.msk [tilespmem:v13+s2+$0x0], $0xffff  }
0xa1: {  	v14 =	vld.idx.msk [tilespmem:v14+s2+$0x0], $0xffff  }
0xa2: {  	v5 =	vmul.f32 $1.442695020e+00, v5;
	v15 =	vld.idx.msk [tilespmem:v15+s2+$0x0], $0xffff  }
0xa3: {  	v16 =	vld.idx.msk [tilespmem:v16+s2+$0x0], $0xffff;
	vm8 =	veq.s32 v10, v6;
	vm9 =	veq.s32 v11, v6  }
0xa4: {  	(erf) = vpow2.f32 v5;
	v5 =	vld.idx.msk [tilespmem:v9+s2+$0x0], $0xffff;
	vm10 =	veq.s32 v12, v6;
	vm0 =	vmor vm9, vm8  }
0xa5: {  	vm11 =	veq.s32 v13, v6;
	vm0 =	vmor vm0, vm10  }
0xa6: {  	vm12 =	veq.s32 v14, v6;
	vm0 =	vmor vm0, vm11  }
0xa7: {  	s30 =	sor.u32 $0x50, s22;
	vm13 =	veq.s32 v15, v6;
	vm0 =	vmor vm0, vm12  }
0xa8: {  	v9 =	vor.u32 s30, v0;
	vm14 =	veq.s32 v16, v6;
	vm0 =	vmor vm0, vm13  }
0xa9: {  	vm15 =	veq.s32 v5, v6;
	v5 =	vshrl.u32 v9, $0x3;
	vm0 =	vmor vm0, vm14  }
0xaa: {  	v6 =	vor.u32 v2, v5;
	vm0 =	vmor vm0, vm15  }
0xab: {  	v10 =	vshll.u32 v6, $0x4;
	v9 =	vsel vm0, $0x3F800000, v1  }
0xac: {  	v10 =	vor.u32 v3, v10;
	v9 =	vsub.f32 $2.000000000e+00, v9  }
0xad: {  	v11 =	vpop (erf)  }
0xae: {  	v9 =	vmul.f32 v9, v11  }
0xaf: {  	[tilespmem:$0x12840] =	vst v8  }
0xb0: {  	[tilespmem:$0x148C0] =	vst v9  }
0xb1: {  	v8 =	vld.idx.msk [tilespmem:v10+s2+$0x0], $0xffff;
	_ =	sdelay $0x2  }
0xb2: {  	v5 =	vshll.u32 v5, $0x4  }
0xb3: {  	v5 =	vor.u32 v3, v5  }
0xb4: {  	v9 =	vshll.u32 v8, $0x4  }
0xb5: {  	v10 =	vor.u32 $0x7, v9  }
0xb6: {  	v11 =	vor.u32 $0x8, v9  }
0xb7: {  	v12 =	vor.u32 $0x6, v9  }
0xb8: {  	v5 =	vld.idx.msk [tilespmem:v5+s10+$0x0], $0xffff;
	v13 =	vor.u32 $0x5, v9  }
0xb9: {  	v14 =	vor.u32 $0x4, v9  }
0xba: {  	v15 =	vor.u32 $0x3, v9;
	v10 =	vld.idx.msk [tilespmem:v10+s2+$0x0], $0xffff  }
0xbb: {  	v16 =	vor.u32 $0x2, v9;
	v11 =	vld.idx.msk [tilespmem:v11+s2+$0x0], $0xffff  }
0xbc: {  	v9 =	vor.u32 $0x1, v9;
	v12 =	vld.idx.msk [tilespmem:v12+s2+$0x0], $0xffff  }
0xbd: {  	v5 =	vsub.f32 $0.0e+00, v5;
	v13 =	vld.idx.msk [tilespmem:v13+s2+$0x0], $0xffff  }
0xbe: {  	v14 =	vld.idx.msk [tilespmem:v14+s2+$0x0], $0xffff  }
0xbf: {  	v5 =	vmul.f32 $1.442695020e+00, v5;
	v15 =	vld.idx.msk [tilespmem:v15+s2+$0x0], $0xffff  }
0xc0: {  	v16 =	vld.idx.msk [tilespmem:v16+s2+$0x0], $0xffff;
	vm4 =	veq.s32 v10, v6;
	vm5 =	veq.s32 v11, v6  }
0xc1: {  	(erf) = vpow2.f32 v5;
	v5 =	vld.idx.msk [tilespmem:v9+s2+$0x0], $0xffff;
	vm6 =	veq.s32 v12, v6;
	vm0 =	vmor vm5, vm4  }
0xc2: {  	vm7 =	veq.s32 v13, v6;
	vm0 =	vmor vm0, vm6  }
0xc3: {  	vm8 =	veq.s32 v14, v6;
	vm0 =	vmor vm0, vm7  }
0xc4: {  	s31 =	sor.u32 $0x60, s22;
	vm9 =	veq.s32 v15, v6;
	vm0 =	vmor vm0, vm8  }
0xc5: {  	v9 =	vor.u32 s31, v0;
	vm10 =	veq.s32 v16, v6;
	vm0 =	vmor vm0, vm9  }
0xc6: {  	vm11 =	veq.s32 v5, v6;
	v5 =	vshrl.u32 v9, $0x3;
	vm0 =	vmor vm0, vm10  }
0xc7: {  	v6 =	vor.u32 v2, v5;
	vm0 =	vmor vm0, vm11  }
0xc8: {  	v10 =	vshll.u32 v6, $0x4;
	v9 =	vsel vm0, $0x3F800000, v1  }
0xc9: {  	v10 =	vor.u32 v3, v10;
	v9 =	vsub.f32 $2.000000000e+00, v9  }
0xca: {  	v11 =	vpop (erf)  }
0xcb: {  	v9 =	vmul.f32 v9, v11  }
0xcc: {  	[tilespmem:$0x12850] =	vst v8  }
0xcd: {  	[tilespmem:$0x148D0] =	vst v9  }
0xce: {  	v8 =	vld.idx.msk [tilespmem:v10+s2+$0x0], $0xffff;
	_ =	sdelay $0x2  }
0xcf: {  	v5 =	vshll.u32 v5, $0x4  }
0xd0: {  	v5 =	vor.u32 v3, v5  }
0xd1: {  	v9 =	vshll.u32 v8, $0x4  }
0xd2: {  	v10 =	vor.u32 $0x7, v9  }
0xd3: {  	v11 =	vor.u32 $0x8, v9  }
0xd4: {  	v12 =	vor.u32 $0x6, v9  }
0xd5: {  	v5 =	vld.idx.msk [tilespmem:v5+s10+$0x0], $0xffff;
	v13 =	vor.u32 $0x5, v9  }
0xd6: {  	v14 =	vor.u32 $0x4, v9  }
0xd7: {  	v15 =	vor.u32 $0x3, v9;
	v10 =	vld.idx.msk [tilespmem:v10+s2+$0x0], $0xffff  }
0xd8: {  	v16 =	vor.u32 $0x2, v9;
	v11 =	vld.idx.msk [tilespmem:v11+s2+$0x0], $0xffff  }
0xd9: {  	v9 =	vor.u32 $0x1, v9;
	v12 =	vld.idx.msk [tilespmem:v12+s2+$0x0], $0xffff  }
0xda: {  	v5 =	vsub.f32 $0.0e+00, v5;
	v13 =	vld.idx.msk [tilespmem:v13+s2+$0x0], $0xffff  }
0xdb: {  	v14 =	vld.idx.msk [tilespmem:v14+s2+$0x0], $0xffff  }
0xdc: {  	v5 =	vmul.f32 $1.442695020e+00, v5;
	v15 =	vld.idx.msk [tilespmem:v15+s2+$0x0], $0xffff  }
0xdd: {  	v16 =	vld.idx.msk [tilespmem:v16+s2+$0x0], $0xffff;
	vm12 =	veq.s32 v10, v6;
	vm13 =	veq.s32 v11, v6  }
0xde: {  	(erf) = vpow2.f32 v5;
	v5 =	vld.idx.msk [tilespmem:v9+s2+$0x0], $0xffff;
	vm14 =	veq.s32 v12, v6;
	vm0 =	vmor vm13, vm12  }
0xdf: {  	vm15 =	veq.s32 v13, v6;
	vm0 =	vmor vm0, vm14  }
0xe0: {  	vm4 =	veq.s32 v14, v6;
	vm0 =	vmor vm0, vm15  }
0xe1: {  	s22 =	sor.u32 $0x70, s22;
	vm5 =	veq.s32 v15, v6;
	vm0 =	vmor vm0, vm4  }
0xe2: {  	v9 =	vor.u32 s22, v0;
	vm6 =	veq.s32 v16, v6;
	vm0 =	vmor vm0, vm5  }
0xe3: {  	vm7 =	veq.s32 v5, v6;
	v5 =	vshrl.u32 v9, $0x3;
	vm0 =	vmor vm0, vm6  }
0xe4: {  	v6 =	vor.u32 v2, v5;
	vm0 =	vmor vm0, vm7  }
0xe5: {  	v10 =	vshll.u32 v6, $0x4;
	v9 =	vsel vm0, $0x3F800000, v1  }
0xe6: {  	v10 =	vor.u32 v3, v10;
	v9 =	vsub.f32 $2.000000000e+00, v9  }
0xe7: {  	v11 =	vpop (erf)  }
0xe8: {  	v9 =	vmul.f32 v9, v11  }
0xe9: {  	[tilespmem:$0x12860] =	vst v8  }
0xea: {  	[tilespmem:$0x148E0] =	vst v9  }
0xeb: {  	v8 =	vld.idx.msk [tilespmem:v10+s2+$0x0], $0xffff;
	_ =	sdelay $0x2  }
0xec: {  	v5 =	vshll.u32 v5, $0x4  }
0xed: {  	v5 =	vor.u32 v3, v5  }
0xee: {  	v9 =	vshll.u32 v8, $0x4  }
0xef: {  	v10 =	vor.u32 $0x7, v9  }
0xf0: {  	v11 =	vor.u32 $0x8, v9  }
0xf1: {  	v12 =	vor.u32 $0x6, v9  }
0xf2: {  	v5 =	vld.idx.msk [tilespmem:v5+s10+$0x0], $0xffff;
	v13 =	vor.u32 $0x5, v9  }
0xf3: {  	v14 =	vor.u32 $0x4, v9  }
0xf4: {  	v15 =	vor.u32 $0x3, v9;
	v10 =	vld.idx.msk [tilespmem:v10+s2+$0x0], $0xffff  }
0xf5: {  	v16 =	vor.u32 $0x2, v9;
	v11 =	vld.idx.msk [tilespmem:v11+s2+$0x0], $0xffff  }
0xf6: {  	v9 =	vor.u32 $0x1, v9;
	v12 =	vld.idx.msk [tilespmem:v12+s2+$0x0], $0xffff  }
0xf7: {  	v5 =	vsub.f32 $0.0e+00, v5;
	v13 =	vld.idx.msk [tilespmem:v13+s2+$0x0], $0xffff  }
0xf8: {  	v14 =	vld.idx.msk [tilespmem:v14+s2+$0x0], $0xffff  }
0xf9: {  	v5 =	vmul.f32 $1.442695020e+00, v5;
	v15 =	vld.idx.msk [tilespmem:v15+s2+$0x0], $0xffff  }
0xfa: {  	v16 =	vld.idx.msk [tilespmem:v16+s2+$0x0], $0xffff;
	vm8 =	veq.s32 v10, v6;
	vm9 =	veq.s32 v11, v6  }
0xfb: {  	(erf) = vpow2.f32 v5;
	v5 =	vld.idx.msk [tilespmem:v9+s2+$0x0], $0xffff;
	vm10 =	veq.s32 v12, v6;
	vm0 =	vmor vm9, vm8  }
0xfc: {  	vm11 =	veq.s32 v13, v6;
	vm0 =	vmor vm0, vm10  }
0xfd: {  	vm12 =	veq.s32 v14, v6;
	vm0 =	vmor vm0, vm11  }
0xfe: {  	vm13 =	veq.s32 v15, v6;
	vm0 =	vmor vm0, vm12  }
0xff: {  	vm14 =	veq.s32 v16, v6;
	vm0 =	vmor vm0, vm13  }
0x100: {  	vm15 =	veq.s32 v5, v6;
	vm0 =	vmor vm0, vm14  }
0x101: {  	vm0 =	vmor vm0, vm15  }
0x102: {  	v5 =	vsel vm0, $0x3F800000, v1  }
0x103: {  	v5 =	vsub.f32 $2.000000000e+00, v5  }
0x104: {  	v6 =	vpop (erf)  }
0x105: {  	v5 =	vmul.f32 v5, v6  }
0x106: {  	[tilespmem:$0x12870] =	vst v8  }
0x107: {  	s24 =	simm.s32 $0x0;
	[tilespmem:$0x148F0] =	vst v5  }
0x108: {  	v5 =	vmov s24;
	[tilespmem:s14], [sflag:$0x1] =	stream.indirect.gather [hbm4b:s4+s12], $0x40, s13, s12, $0xb8;
	[tilespmem:$0x14910] =	vst v63  }
0x109: {  	v5 =	vshrl.u32 v5, $0x3;
	_ =	swait.ge [sflag:s15], $0x2000  }
0x10a: {  	v5 =	vshll.u32 v5, v4;
	[sflag:s15] =	ssyncset.done $0x0  }
0x10b: {  	v5 =	vbroadcast v5, $0x0;
	[sflag:s15] =	ssyncadd.s32 $0xFFFFE000  }
0x10c: {  	v11 =	vld [tilespmem:s20+$0xFFFFFFD0]  }
0x10d: {  	s22 =	simm.s32 $0x12A80;
	v13 =	vld [tilespmem:s20+$0xFFFFFFC0]  }
0x10e: {  	s25 =	simm.s32 $0x1;
	v8 =	vld [tilespmem:s22+$0xFFFFFE00]  }
0x10f: {  	v6 =	vmov s25;
	v9 =	vld [tilespmem:s22+$0xFFFFFE10]  }
0x110: {  	v6 =	vshrl.u32 v6, $0x3;
	v12 =	vld [tilespmem:s20+$0xFFFFFFE0]  }
0x111: {  	v6 =	vshll.u32 v6, v4;
	v14 =	vld.idx.msk [tilespmem:v5+s16+$0x0], $0xffff  }
0x112: {  	s26 =	simm.s32 $0x2;
	v15 =	vld [tilespmem:s22+$0xFFFFFE20];
	v5 =	vadd.s32 $0x1, v6  }
0x113: {  	v17 =	vmov s26;
	s28 =	simm.s32 $0x3;
	v10 =	vld [tilespmem:s20+$0xFFFFFFF0];
	v6 =	vbroadcast v5, $0x0  }
0x114: {  	v17 =	vshrl.u32 v17, $0x3;
	v22 =	vmov s28;
	v16 =	vld [tilespmem:s22+$0xFFFFFE30];
	v8 =	vsub.f32 v13, v8  }
0x115: {  	v17 =	vshll.u32 v17, v4;
	v22 =	vshrl.u32 v22, $0x3  }
0x116: {  	v22 =	vshll.u32 v22, v4;
	v19 =	vld [tilespmem:s22+$0xFFFFFE40];
	v9 =	vsub.f32 v11, v9;
	v18 =	vmul.f32 v8, v14  }
0x117: {  	v17 =	vadd.s32 $0x2, v17;
	v22 =	vadd.s32 $0x3, v22;
	v20 =	vld [tilespmem:s22+$0xFFFFFE50]  }
0x118: {  	v23 =	vld [tilespmem:s20+$0xFFFFFFD0];
	v15 =	vsub.f32 v12, v15;
	v8 =	vmul.f32 v18, v8;
	v18 =	vmul.f32 v9, v14  }
0x119: {  	v17 =	vbroadcast v17, $0x0;
	v22 =	vbroadcast v22, $0x0;
	v16 =	vsub.f32 v10, v16;
	v21 =	vld.idx.msk [tilespmem:v6+s16+$0x0], $0xffff  }
0x11a: {  	v7 =	vadd.f32 v8, v7;
	v8 =	vmul.f32 v18, v9;
	v9 =	vmul.f32 v15, v14;
	v18 =	vld [tilespmem:s22+$0xFFFFFE60]  }
0x11b: {  	v24 =	vld [tilespmem:s22+$0xFFFFFE90];
	v19 =	vsub.f32 v13, v19  }
0x11c: {  	v7 =	vadd.f32 v8, v7;
	v8 =	vmul.f32 v9, v15;
	v9 =	vmul.f32 v16, v14;
	v14 =	vld [tilespmem:s22+$0xFFFFFE70]  }
0x11d: {  	v15 =	vsub.f32 v11, v20;
	v20 =	vld [tilespmem:s20+$0xFFFFFFC0]  }
0x11e: {  	v7 =	vadd.f32 v8, v7;
	v8 =	vmul.f32 v9, v16;
	v9 =	vmul.f32 v19, v21;
	v16 =	vld [tilespmem:s22+$0xFFFFFE80]  }
0x11f: {  	v17 =	vld.idx.msk [tilespmem:v17+s16+$0x0], $0xffff;
	v18 =	vsub.f32 v12, v18  }
0x120: {  	s29 =	simm.s32 $0x4;
	v22 =	vld.idx.msk [tilespmem:v22+s16+$0x0], $0xffff;
	v7 =	vadd.f32 v8, v7;
	v8 =	vmul.f32 v9, v19;
	v9 =	vmul.f32 v15, v21  }
0x121: {  	v25 =	vmov s29;
	v19 =	vld [tilespmem:s20+$0xFFFFFFE0];
	v14 =	vsub.f32 v10, v14  }
0x122: {  	s30 =	sadd.s32 $0xFFFFFFB0, s19;
	v7 =	vadd.f32 v8, v7;
	v8 =	vmul.f32 v9, v15;
	v9 =	vmul.f32 v18, v21;
	v15 =	vld [tilespmem:s22+$0xFFFFFEA0]  }
0x123: {  	v25 =	vshrl.u32 v25, $0x3;
	s23 =	sor.u32 $0x30, s30;
	v16 =	vsub.f32 v20, v16;
	v20 =	vld [tilespmem:s22+$0xFFFFFEB0]  }
0x124: {  	v8 =	vadd.f32 v8, v7;
	v9 =	vmul.f32 v9, v18;
	v18 =	vmul.f32 v14, v21;
	v21 =	vld [tilespmem:s23+$0x10800]  }
0x125: {  	v44 =	vshll.u32 v25, v4;
	v46 =	vld [tilespmem:s20+$0xFFFFFFD0];
	v23 =	vsub.f32 v23, v24  }
0x126: {  	v8 =	vadd.f32 v9, v8;
	v9 =	vmul.f32 v18, v14;
	v14 =	vmul.f32 v16, v17;
	v18 =	vld [tilespmem:s22+$0xFFFFFEC0]  }
0x127: {  	v26 =	vld [tilespmem:s22+$0xFFFFFF10];
	v24 =	vadd.s32 $0x4, v44;
	v15 =	vsub.f32 v19, v15  }
0x128: {  	v19 =	vld [tilespmem:s22+$0xFFFFFED0];
	v9 =	vadd.f32 v9, v8;
	v14 =	vmul.f32 v14, v16;
	v16 =	vmul.f32 v23, v17  }
0x129: {  	v49 =	vld [tilespmem:s22+$0xFFFFFF60];
	v20 =	vsub.f32 v21, v20;
	v21 =	vbroadcast v24, $0x0  }
0x12a: {  	s31 =	simm.s32 $0x5;
	v9 =	vadd.f32 v14, v9;
	v14 =	vmul.f32 v16, v23;
	v16 =	vmul.f32 v15, v17;
	v23 =	vld [tilespmem:s22+$0xFFFFFEE0]  }
0x12b: {  	v45 =	vmov s31;
	v50 =	vld [tilespmem:s20+$0xFFFFFFD0];
	v18 =	vsub.f32 v13, v18  }
0x12c: {  	v9 =	vadd.f32 v14, v9;
	v14 =	vmul.f32 v16, v15;
	v15 =	vmul.f32 v20, v17;
	v16 =	vld [tilespmem:s22+$0xFFFFFEF0]  }
0x12d: {  	v24 =	vshrl.u32 v45, $0x3;
	v17 =	vsub.f32 v11, v19;
	v19 =	vld [tilespmem:s20+$0xFFFFFFC0]  }
0x12e: {  	v9 =	vadd.f32 v14, v9;
	v14 =	vmul.f32 v15, v20;
	v15 =	vmul.f32 v18, v22;
	v20 =	vld [tilespmem:s22+$0xFFFFFF00]  }
0x12f: {  	v28 =	vld [tilespmem:s22+$0xFFFFFF90];
	v24 =	vshll.u32 v24, v4;
	v23 =	vsub.f32 v12, v23  }
0x130: {  	s24 =	simm.s32 $0x6;
	v9 =	vadd.f32 v14, v9;
	v14 =	vmul.f32 v15, v18;
	v15 =	vmul.f32 v17, v22;
	v18 =	vld.idx.msk [tilespmem:v21+s16+$0x0], $0xffff  }
0x131: {  	v27 =	vmov s24;
	v24 =	vadd.s32 $0x5, v24;
	v21 =	vld [tilespmem:s20+$0xFFFFFFE0];
	v16 =	vsub.f32 v10, v16  }
0x132: {  	s25 =	sadd.s32 $0xFFFFFFC0, s19;
	v9 =	vadd.f32 v14, v9;
	v14 =	vmul.f32 v15, v17;
	v15 =	vmul.f32 v23, v22;
	v17 =	vld [tilespmem:s22+$0xFFFFFF20]  }
0x133: {  	v27 =	vshrl.u32 v27, $0x3;
	s23 =	sor.u32 $0x30, s25;
	v24 =	vbroadcast v24, $0x0;
	v19 =	vsub.f32 v19, v20;
	v20 =	vld [tilespmem:s22+$0xFFFFFF30]  }
0x134: {  	v22 =	vmul.f32 v16, v22;
	v14 =	vadd.f32 v14, v9;
	v15 =	vmul.f32 v15, v23;
	v23 =	vld [tilespmem:s23+$0x10800]  }
0x135: {  	v47 =	vshll.u32 v27, v4;
	v51 =	vld [tilespmem:s22+$0xFFFFFFB0];
	v25 =	vsub.f32 v46, v26  }
0x136: {  	v14 =	vadd.f32 v15, v14;
	v15 =	vmul.f32 v22, v16;
	v16 =	vmul.f32 v19, v18;
	v22 =	vld [tilespmem:s22+$0xFFFFFF40]  }
0x137: {  	v54 =	vld [tilespmem:s20+$0x10];
	v26 =	vadd.s32 $0x6, v47;
	v17 =	vsub.f32 v21, v17  }
0x138: {  	v21 =	vld [tilespmem:s22+$0xFFFFFF50];
	v15 =	vadd.f32 v15, v14;
	v16 =	vmul.f32 v16, v19;
	v19 =	vmul.f32 v25, v18  }
0x139: {  	v24 =	vld.idx.msk [tilespmem:v24+s16+$0x0], $0xffff;
	v20 =	vsub.f32 v23, v20;
	v23 =	vbroadcast v26, $0x0  }
0x13a: {  	s26 =	simm.s32 $0x7;
	v57 =	vld [tilespmem:s20+$0x10];
	v15 =	vadd.f32 v16, v15;
	v16 =	vmul.f32 v19, v25;
	v19 =	vmul.f32 v17, v18  }
0x13b: {  	v48 =	vmov s26;
	v58 =	vld [tilespmem:s22+$0xFFFFFFE0];
	v22 =	vsub.f32 v13, v22  }
0x13c: {  	v15 =	vadd.f32 v16, v15;
	v16 =	vmul.f32 v19, v17;
	v17 =	vmul.f32 v20, v18;
	v18 =	vld [tilespmem:s22+$0xFFFFFF70]  }
0x13d: {  	v26 =	vshrl.u32 v48, $0x3;
	v19 =	vsub.f32 v11, v21;
	v21 =	vld [tilespmem:s20+$0xFFFFFFC0]  }
0x13e: {  	v15 =	vadd.f32 v16, v15;
	v16 =	vmul.f32 v17, v20;
	v17 =	vmul.f32 v22, v24;
	v20 =	vld [tilespmem:s22+$0xFFFFFF80]  }
0x13f: {  	v59 =	vld [tilespmem:s22+$0x10];
	v26 =	vshll.u32 v26, v4;
	v25 =	vsub.f32 v12, v49  }
0x140: {  	v15 =	vadd.f32 v16, v15;
	v16 =	vmul.f32 v17, v22;
	v17 =	vmul.f32 v19, v24;
	v22 =	vld.idx.msk [tilespmem:v23+s16+$0x0], $0xffff  }
0x141: {  	v26 =	vadd.s32 $0x7, v26;
	v23 =	vld [tilespmem:s20+$0xFFFFFFE0];
	v18 =	vsub.f32 v10, v18  }
0x142: {  	s28 =	simm.s32 $0x8;
	v15 =	vadd.f32 v16, v15;
	v16 =	vmul.f32 v17, v19;
	v17 =	vmul.f32 v25, v24;
	v19 =	vld [tilespmem:s22+$0xFFFFFFA0]  }
0x143: {  	v29 =	vmov s28;
	v5 =	vld [tilespmem:s20+$0x30];
	v26 =	vbroadcast v26, $0x0;
	v20 =	vsub.f32 v21, v20  }
0x144: {  	v21 =	vld [tilespmem:s20+$0xFFFFFFF0];
	v15 =	vadd.f32 v16, v15;
	v16 =	vmul.f32 v17, v25;
	v17 =	vmul.f32 v18, v24  }
0x145: {  	v53 =	vshrl.u32 v29, $0x3;
	v52 =	vsub.f32 v50, v28;
	v6 =	vld [tilespmem:s20+$0x10]  }
0x146: {  	v15 =	vadd.f32 v16, v15;
	v16 =	vmul.f32 v17, v18;
	v17 =	vmul.f32 v20, v22;
	v18 =	vld [tilespmem:s22+$0xFFFFFFC0]  }
0x147: {  	v27 =	vshll.u32 v53, v4;
	v8 =	vld [tilespmem:s20+$0x10];
	v19 =	vsub.f32 v23, v19  }
0x148: {  	s29 =	simm.s32 $0x9;
	v23 =	vld [tilespmem:s22+$0xFFFFFFD0];
	v15 =	vadd.f32 v16, v15;
	v16 =	vmul.f32 v17, v20;
	v17 =	vmul.f32 v52, v22  }
0x149: {  	v56 =	vmov s29;
	v55 =	vbroadcast v27, $0x0;
	v20 =	vld.idx.msk [tilespmem:v26+s16+$0x0], $0xffff;
	v21 =	vsub.f32 v21, v51  }
0x14a: {  	v9 =	vld [tilespmem:s20+$0x10];
	v15 =	vadd.f32 v16, v15;
	v16 =	vmul.f32 v17, v52;
	v17 =	vmul.f32 v19, v22  }
0x14b: {  	v14 =	vld [tilespmem:s20+$0x10];
	v26 =	vshrl.u32 v56, $0x3;
	v13 =	vsub.f32 v13, v18  }
0x14c: {  	v15 =	vadd.f32 v16, v15;
	v16 =	vmul.f32 v17, v19;
	v17 =	vmul.f32 v21, v22;
	v19 =	vld [tilespmem:s22+$0xFFFFFFF0]  }
0x14d: {  	v11 =	vsub.f32 v11, v23;
	v22 =	vld [tilespmem:s20+$0x0];
	v23 =	vshll.u32 v26, v4  }
0x14e: {  	v15 =	vadd.f32 v16, v15;
	v16 =	vmul.f32 v17, v21;
	v17 =	vmul.f32 v13, v20;
	v21 =	vld [tilespmem:s22+$0x0]  }
0x14f: {  	v12 =	vsub.f32 v12, v58;
	v18 =	vld [tilespmem:s20+$0x10];
	v23 =	vadd.s32 $0x1, v23  }
0x150: {  	s30 =	simm.s32 $0xA;
	v15 =	vadd.f32 v16, v15;
	v13 =	vmul.f32 v17, v13;
	v16 =	vmul.f32 v11, v20;
	v17 =	vld.idx.msk [tilespmem:v55+s16+$0x0], $0xffff  }
0x151: {  	v60 =	vmov s30;
	v23 =	vbroadcast v23, $0x0;
	v10 =	vsub.f32 v10, v19;
	v19 =	vld [tilespmem:s20+$0x20]  }
0x152: {  	v13 =	vadd.f32 v13, v15;
	v11 =	vmul.f32 v16, v11;
	v15 =	vmul.f32 v12, v20;
	v16 =	vld [tilespmem:s22+$0x20]  }
0x153: {  	v24 =	vshrl.u32 v60, $0x3;
	v21 =	vsub.f32 v22, v21;
	v22 =	vld [tilespmem:s20+$0x30]  }
0x154: {  	v11 =	vadd.f32 v11, v13;
	v12 =	vmul.f32 v15, v12;
	v13 =	vmul.f32 v10, v20;
	v15 =	vld [tilespmem:s22+$0x30]  }
0x155: {  	v24 =	vshll.u32 v24, v4;
	v18 =	vsub.f32 v18, v59;
	v20 =	vld [tilespmem:s20+$0x0]  }
0x156: {  	v11 =	vadd.f32 v12, v11;
	v10 =	vmul.f32 v13, v10;
	v12 =	vmul.f32 v21, v17;
	v13 =	vld [tilespmem:s22+$0x40]  }
0x157: {  	v24 =	vadd.s32 $0x2, v24;
	v16 =	vsub.f32 v19, v16;
	v19 =	vld [tilespmem:s22+$0x50]  }
0x158: {  	s31 =	simm.s32 $0xB;
	v10 =	vadd.f32 v10, v11;
	v11 =	vmul.f32 v12, v21;
	v12 =	vmul.f32 v18, v17;
	v21 =	vld.idx.msk [tilespmem:v23+s16+$0x0], $0xffff  }
0x159: {  	v61 =	vmov s31;
	v23 =	vbroadcast v24, $0x0;
	v15 =	vsub.f32 v22, v15;
	v22 =	vld [tilespmem:s20+$0x20]  }
0x15a: {  	v10 =	vadd.f32 v11, v10;
	v11 =	vmul.f32 v12, v18;
	v12 =	vmul.f32 v16, v17;
	v18 =	vld [tilespmem:s22+$0x60]  }
0x15b: {  	v24 =	vshrl.u32 v61, $0x3;
	v13 =	vsub.f32 v20, v13;
	v20 =	vld [tilespmem:s20+$0x30]  }
0x15c: {  	v10 =	vadd.f32 v11, v10;
	v11 =	vmul.f32 v12, v16;
	v12 =	vmul.f32 v15, v17;
	v16 =	vld [tilespmem:s22+$0x70]  }
0x15d: {  	v24 =	vshll.u32 v24, v4;
	v17 =	vsub.f32 v57, v19;
	v19 =	vld [tilespmem:s20+$0x0]  }
0x15e: {  	v10 =	vadd.f32 v11, v10;
	v11 =	vmul.f32 v12, v15;
	v12 =	vmul.f32 v13, v21;
	v15 =	vld [tilespmem:s22+$0x80]  }
0x15f: {  	v24 =	vadd.s32 $0x3, v24;
	v18 =	vsub.f32 v22, v18;
	v22 =	vld [tilespmem:s22+$0x90]  }
0x160: {  	s24 =	simm.s32 $0xC;
	v10 =	vadd.f32 v11, v10;
	v11 =	vmul.f32 v12, v13;
	v12 =	vmul.f32 v17, v21;
	v13 =	vld.idx.msk [tilespmem:v23+s16+$0x0], $0xffff  }
0x161: {  	v62 =	vmov s24;
	v23 =	vbroadcast v24, $0x0;
	v16 =	vsub.f32 v20, v16;
	v20 =	vld [tilespmem:s20+$0x20]  }
0x162: {  	s25 =	sadd.s32 $0xFFFFFFF0, s19;
	v10 =	vadd.f32 v11, v10;
	v11 =	vmul.f32 v12, v17;
	v12 =	vmul.f32 v18, v21;
	v17 =	vld [tilespmem:s22+$0xA0]  }
0x163: {  	s23 =	sor.u32 $0x30, s25;
	v24 =	vshrl.u32 v62, $0x3;
	v15 =	vsub.f32 v19, v15;
	v19 =	vld [tilespmem:s22+$0xB0]  }
0x164: {  	v10 =	vadd.f32 v11, v10;
	v11 =	vmul.f32 v12, v18;
	v12 =	vmul.f32 v16, v21;
	v18 =	vld [tilespmem:s23+$0x10800]  }
0x165: {  	v24 =	vshll.u32 v24, v4;
	v21 =	vsub.f32 v54, v22;
	v22 =	vld [tilespmem:s20+$0x0]  }
0x166: {  	v10 =	vadd.f32 v11, v10;
	v11 =	vmul.f32 v12, v16;
	v12 =	vmul.f32 v15, v13;
	v16 =	vld [tilespmem:s22+$0xC0]  }
0x167: {  	v24 =	vadd.s32 $0x4, v24;
	v17 =	vsub.f32 v20, v17;
	v20 =	vld [tilespmem:s22+$0xD0]  }
0x168: {  	s26 =	simm.s32 $0xD;
	v10 =	vadd.f32 v11, v10;
	v11 =	vmul.f32 v12, v15;
	v12 =	vmul.f32 v21, v13;
	v15 =	vld.idx.msk [tilespmem:v23+s16+$0x0], $0xffff  }
0x169: {  	v63 =	vmov s26;
	v23 =	vbroadcast v24, $0x0;
	v18 =	vsub.f32 v18, v19;
	v19 =	vld [tilespmem:s20+$0x20]  }
0x16a: {  	v10 =	vadd.f32 v11, v10;
	v11 =	vmul.f32 v12, v21;
	v12 =	vmul.f32 v17, v13;
	v21 =	vld [tilespmem:s22+$0xE0]  }
0x16b: {  	v24 =	vshrl.u32 v63, $0x3;
	v16 =	vsub.f32 v22, v16;
	v22 =	vld [tilespmem:s20+$0x30]  }
0x16c: {  	v10 =	vadd.f32 v11, v10;
	v11 =	vmul.f32 v12, v17;
	v12 =	vmul.f32 v18, v13;
	v13 =	vld [tilespmem:s22+$0xF0]  }
0x16d: {  	v14 =	vsub.f32 v14, v20;
	v17 =	vld [tilespmem:s20+$0x0];
	v20 =	vshll.u32 v24, v4  }
0x16e: {  	v10 =	vadd.f32 v11, v10;
	v11 =	vmul.f32 v12, v18;
	v12 =	vmul.f32 v16, v15;
	v18 =	vld [tilespmem:s22+$0x100]  }
0x16f: {  	v20 =	vadd.s32 $0x5, v20;
	v19 =	vsub.f32 v19, v21;
	v21 =	vld [tilespmem:s22+$0x110]  }
0x170: {  	v10 =	vadd.f32 v11, v10;
	v11 =	vmul.f32 v12, v16;
	v12 =	vmul.f32 v14, v15;
	v16 =	vld.idx.msk [tilespmem:v23+s16+$0x0], $0xffff  }
0x171: {  	v20 =	vbroadcast v20, $0x0;
	v13 =	vsub.f32 v22, v13;
	v22 =	vld [tilespmem:s20+$0x20]  }
0x172: {  	s28 =	simm.s32 $0xE;
	v10 =	vadd.f32 v11, v10;
	v11 =	vmul.f32 v12, v14;
	v12 =	vmul.f32 v19, v15;
	v14 =	vld [tilespmem:s22+$0x120]  }
0x173: {  	s29 =	sor.u32 $0x30, s19;
	v23 =	vmov s28;
	v17 =	vsub.f32 v17, v18;
	v18 =	vld [tilespmem:s22+$0x130]  }
0x174: {  	v10 =	vadd.f32 v11, v10;
	v11 =	vmul.f32 v12, v19;
	v12 =	vmul.f32 v13, v15;
	v15 =	vld [tilespmem:s29+$0x10800]  }
0x175: {  	v23 =	vshrl.u32 v23, $0x3;
	v9 =	vsub.f32 v9, v21;
	v19 =	vld [tilespmem:s20+$0x0]  }
0x176: {  	v10 =	vadd.f32 v11, v10;
	v11 =	vmul.f32 v12, v13;
	v12 =	vmul.f32 v17, v16;
	v13 =	vld [tilespmem:s22+$0x140]  }
0x177: {  	v21 =	vshll.u32 v23, v4;
	v14 =	vsub.f32 v22, v14;
	v22 =	vld [tilespmem:s22+$0x150]  }
0x178: {  	v10 =	vadd.f32 v11, v10;
	v11 =	vmul.f32 v12, v17;
	v12 =	vmul.f32 v9, v16;
	v17 =	vld.idx.msk [tilespmem:v20+s16+$0x0], $0xffff  }
0x179: {  	v21 =	vadd.s32 $0x6, v21;
	v15 =	vsub.f32 v15, v18;
	v18 =	vld [tilespmem:s20+$0x20]  }
0x17a: {  	v10 =	vadd.f32 v11, v10;
	v9 =	vmul.f32 v12, v9;
	v11 =	vmul.f32 v14, v16;
	v12 =	vld [tilespmem:s22+$0x160]  }
0x17b: {  	v20 =	vbroadcast v21, $0x0;
	v13 =	vsub.f32 v19, v13;
	v19 =	vld [tilespmem:s20+$0x30]  }
0x17c: {  	v9 =	vadd.f32 v9, v10;
	v10 =	vmul.f32 v11, v14;
	v11 =	vmul.f32 v15, v16;
	v14 =	vld [tilespmem:s22+$0x170]  }
0x17d: {  	s30 =	simm.s32 $0xF;
	v21 =	vsub.f32 v8, v22;
	v22 =	vld [tilespmem:s20+$0x0]  }
0x17e: {  	v16 =	vmov s30;
	v8 =	vadd.f32 v10, v9;
	v9 =	vmul.f32 v11, v15;
	v11 =	vld [tilespmem:s22+$0x180]  }
0x17f: {  	v7 =	vld [tilespmem:s20+$0x10];
	v10 =	vmul.f32 v13, v17;
	v15 =	vshrl.u32 v16, $0x3  }
0x180: {  	v16 =	vld [tilespmem:s22+$0x190];
	v12 =	vsub.f32 v18, v12;
	v18 =	vmul.f32 v21, v17;
	v9 =	vadd.f32 v9, v8  }
0x181: {  	v13 =	vmul.f32 v10, v13;
	v10 =	vld.idx.msk [tilespmem:v20+s16+$0x0], $0xffff;
	v20 =	vshll.u32 v15, v4;
	v19 =	vsub.f32 v19, v14  }
0x182: {  	v8 =	vld [tilespmem:s20+$0x20];
	v18 =	vmul.f32 v18, v21;
	v21 =	vmul.f32 v12, v17;
	v20 =	vadd.s32 $0x7, v20  }
0x183: {  	s31 =	simm.s32 $0x10;
	v15 =	vld [tilespmem:s22+$0x1A0];
	v14 =	vadd.f32 v13, v9;
	v13 =	vsub.f32 v22, v11;
	v11 =	vbroadcast v20, $0x0  }
0x184: {  	v23 =	vmov s31;
	v9 =	vld [tilespmem:s20+$0x30]  }
0x185: {  	v21 =	vmul.f32 v21, v12;
	v22 =	vmul.f32 v19, v17;
	v18 =	vadd.f32 v18, v14;
	v14 =	vld [tilespmem:s22+$0x1B0]  }
0x186: {  	s26 =	simm.s32 $0x2F;
	v17 =	vshrl.u32 v23, $0x3;
	v12 =	vsub.f32 v7, v16;
	v7 =	vld [tilespmem:s20+$0x0]  }
0x187: {  	s24 =	smov.u32 s19;
	s25 =	smov.u32 s20;
	s23 =	simm.s32 $0x1F;
	v16 =	vld [tilespmem:s22+$0x1C0];
	v19 =	vmul.f32 v22, v19;
	v20 =	vmul.f32 v13, v10;
	v18 =	vadd.f32 v21, v18  }
.LBB2_3:
0x188: {  	p0 =	sne.s32 s26, $0x7F;
	v17 =	vshll.u32 v17, v4;
	v8 =	vsub.f32 v8, v15;
	v15 =	vld [tilespmem:s22+$0x1D0]  }
0x189: {  	s28 =	sadd.s32 $0xFFFFFFF2, s23;
	v18 =	vadd.f32 v19, v18;
	v13 =	vmul.f32 v20, v13;
	v19 =	vmul.f32 v12, v10;
	v20 =	vld.idx.msk [tilespmem:v11+s16+$0x0], $0xffff  }
0x18a: {  	v17 =	vbroadcast v17, $0x0;
	v11 =	vmov s28;
	v14 =	vsub.f32 v9, v14;
	v21 =	vld [tilespmem:s25+$0x20]  }
0x18b: {  	v13 =	vadd.f32 v13, v18;
	v12 =	vmul.f32 v19, v12;
	v18 =	vmul.f32 v8, v10;
	v19 =	vld [tilespmem:s22+$0x1E0]  }
0x18c: {  	v22 =	vshrl.u32 v11, $0x3;
	s25 =	sadd.s32 $0x80, s25;
	v7 =	vsub.f32 v7, v16;
	v16 =	vld [tilespmem:s22+$0x1F0]  }
0x18d: {  	v10 =	vmul.f32 v14, v10;
	v9 =	vld [tilespmem:s25+$0xFFFFFFD0];
	v12 =	vadd.f32 v12, v13;
	v8 =	vmul.f32 v18, v8  }
0x18e: {  	s22 =	sadd.s32 $0x400, s22;
	v13 =	vshll.u32 v22, v4;
	v6 =	vsub.f32 v6, v15;
	v11 =	vld [tilespmem:s25+$0xFFFFFFC0]  }
0x18f: {  	v10 =	vmul.f32 v10, v14;
	v15 =	vld [tilespmem:s22+$0xFFFFFE00];
	v8 =	vadd.f32 v8, v12;
	v12 =	vmul.f32 v7, v20  }
0x190: {  	v13 =	vadd.s32 $0x1, v13;
	v14 =	vld [tilespmem:s22+$0xFFFFFE10];
	v18 =	vsub.f32 v21, v19  }
0x191: {  	s28 =	sadd.s32 $0xFFFFFFF3, s23;
	v17 =	vld.idx.msk [tilespmem:v17+s16+$0x0], $0xffff;
	v8 =	vadd.f32 v10, v8;
	v7 =	vmul.f32 v12, v7;
	v10 =	vmul.f32 v6, v20  }
0x192: {  	v19 =	vbroadcast v13, $0x0;
	v21 =	vmov s28;
	v16 =	vsub.f32 v5, v16;
	v12 =	vld [tilespmem:s25+$0xFFFFFFE0]  }
0x193: {  	v22 =	vld [tilespmem:s22+$0xFFFFFE20];
	v5 =	vadd.f32 v7, v8;
	v6 =	vmul.f32 v10, v6;
	v7 =	vmul.f32 v18, v20  }
0x194: {  	v10 =	vshrl.u32 v21, $0x3;
	v8 =	vsub.f32 v11, v15;
	v13 =	vld [tilespmem:s25+$0xFFFFFFF0]  }
0x195: {  	v15 =	vld [tilespmem:s22+$0xFFFFFE30];
	v6 =	vadd.f32 v6, v5;
	v7 =	vmul.f32 v7, v18;
	v18 =	vmul.f32 v16, v20  }
0x196: {  	v10 =	vshll.u32 v10, v4;
	v14 =	vsub.f32 v9, v14;
	v5 =	vld [tilespmem:s25+$0x30]  }
0x197: {  	v20 =	vmul.f32 v8, v17;
	v21 =	vld [tilespmem:s22+$0xFFFFFE40];
	v6 =	vadd.f32 v7, v6;
	v7 =	vmul.f32 v18, v16  }
0x198: {  	v10 =	vadd.s32 $0x2, v10;
	v16 =	vsub.f32 v12, v22;
	v18 =	vld [tilespmem:s22+$0xFFFFFE50]  }
0x199: {  	s28 =	sadd.s32 $0xFFFFFFF4, s23;
	v8 =	vmul.f32 v20, v8;
	v20 =	vmul.f32 v14, v17;
	v19 =	vld.idx.msk [tilespmem:v19+s16+$0x0], $0xffff;
	v7 =	vadd.f32 v7, v6  }
0x19a: {  	v10 =	vbroadcast v10, $0x0;
	v22 =	vmov s28;
	v15 =	vsub.f32 v13, v15;
	v6 =	vld [tilespmem:s25+$0x10]  }
0x19b: {  	v7 =	vadd.f32 v8, v7;
	v8 =	vmul.f32 v20, v14;
	v14 =	vmul.f32 v16, v17;
	v20 =	vld [tilespmem:s22+$0xFFFFFE60]  }
0x19c: {  	v22 =	vshrl.u32 v22, $0x3;
	v21 =	vsub.f32 v11, v21;
	v23 =	vld [tilespmem:s25+$0xFFFFFFD0]  }
0x19d: {  	v7 =	vadd.f32 v8, v7;
	v8 =	vmul.f32 v14, v16;
	v14 =	vmul.f32 v15, v17;
	v16 =	vld [tilespmem:s22+$0xFFFFFE70]  }
0x19e: {  	v22 =	vshll.u32 v22, v4;
	v17 =	vsub.f32 v9, v18;
	v18 =	vld [tilespmem:s25+$0xFFFFFFC0]  }
0x19f: {  	v7 =	vadd.f32 v8, v7;
	v8 =	vmul.f32 v14, v15;
	v14 =	vmul.f32 v21, v19;
	v15 =	vld [tilespmem:s22+$0xFFFFFE80]  }
0x1a0: {  	v22 =	vadd.s32 $0x3, v22;
	v20 =	vsub.f32 v12, v20;
	v24 =	vld [tilespmem:s22+$0xFFFFFE90]  }
0x1a1: {  	s28 =	sadd.s32 $0xFFFFFFF5, s23;
	v7 =	vadd.f32 v8, v7;
	v8 =	vmul.f32 v14, v21;
	v14 =	vmul.f32 v17, v19;
	v10 =	vld.idx.msk [tilespmem:v10+s16+$0x0], $0xffff  }
0x1a2: {  	s24 =	sadd.s32 $0x80, s24;
	v25 =	vmov s28;
	v22 =	vbroadcast v22, $0x0;
	v16 =	vsub.f32 v13, v16;
	v21 =	vld [tilespmem:s25+$0xFFFFFFE0]  }
0x1a3: {  	s28 =	sadd.s32 $0xFFFFFFB0, s24;
	v7 =	vadd.f32 v8, v7;
	v8 =	vmul.f32 v14, v17;
	v14 =	vmul.f32 v20, v19;
	v17 =	vld [tilespmem:s22+$0xFFFFFEA0]  }
0x1a4: {  	s28 =	sor.u32 $0x30, s28;
	v25 =	vshrl.u32 v25, $0x3;
	v15 =	vsub.f32 v18, v15;
	v18 =	vld [tilespmem:s22+$0xFFFFFEB0]  }
0x1a5: {  	v19 =	vmul.f32 v16, v19;
	v8 =	vadd.f32 v8, v7;
	v14 =	vmul.f32 v14, v20;
	v20 =	vld [tilespmem:s28+$0x10800]  }
0x1a6: {  	v23 =	vsub.f32 v23, v24;
	v24 =	vshll.u32 v25, v4;
	v7 =	vld [tilespmem:s25+$0x10]  }
0x1a7: {  	v8 =	vadd.f32 v14, v8;
	v14 =	vmul.f32 v19, v16;
	v16 =	vmul.f32 v15, v10;
	v19 =	vld [tilespmem:s22+$0xFFFFFEC0]  }
0x1a8: {  	v24 =	vadd.s32 $0x4, v24;
	v17 =	vsub.f32 v21, v17;
	v21 =	vld [tilespmem:s22+$0xFFFFFED0]  }
0x1a9: {  	s28 =	sadd.s32 $0xFFFFFFF6, s23;
	v14 =	vadd.f32 v14, v8;
	v15 =	vmul.f32 v16, v15;
	v16 =	vmul.f32 v23, v10;
	v22 =	vld.idx.msk [tilespmem:v22+s16+$0x0], $0xffff  }
0x1aa: {  	v18 =	vsub.f32 v20, v18;
	v20 =	vbroadcast v24, $0x0;
	v24 =	vmov s28;
	v8 =	vld [tilespmem:s25+$0x10]  }
0x1ab: {  	v14 =	vadd.f32 v15, v14;
	v15 =	vmul.f32 v16, v23;
	v16 =	vmul.f32 v17, v10;
	v23 =	vld [tilespmem:s22+$0xFFFFFEE0]  }
0x1ac: {  	v24 =	vshrl.u32 v24, $0x3;
	v19 =	vsub.f32 v11, v19;
	v25 =	vld [tilespmem:s25+$0xFFFFFFD0]  }
0x1ad: {  	v10 =	vmul.f32 v18, v10;
	v14 =	vadd.f32 v15, v14;
	v15 =	vmul.f32 v16, v17;
	v16 =	vld [tilespmem:s22+$0xFFFFFEF0]  }
0x1ae: {  	v24 =	vshll.u32 v24, v4;
	v17 =	vsub.f32 v9, v21;
	v21 =	vld [tilespmem:s25+$0xFFFFFFC0]  }
0x1af: {  	v10 =	vmul.f32 v10, v18;
	v14 =	vadd.f32 v15, v14;
	v15 =	vmul.f32 v19, v22;
	v18 =	vld [tilespmem:s22+$0xFFFFFF00]  }
0x1b0: {  	v24 =	vadd.s32 $0x5, v24;
	v23 =	vsub.f32 v12, v23;
	v26 =	vld [tilespmem:s22+$0xFFFFFF10]  }
0x1b1: {  	s28 =	sadd.s32 $0xFFFFFFF7, s23;
	v10 =	vadd.f32 v10, v14;
	v14 =	vmul.f32 v15, v19;
	v15 =	vmul.f32 v17, v22;
	v19 =	vld.idx.msk [tilespmem:v20+s16+$0x0], $0xffff  }
0x1b2: {  	v27 =	vmov s28;
	v24 =	vbroadcast v24, $0x0;
	v16 =	vsub.f32 v13, v16;
	v20 =	vld [tilespmem:s25+$0xFFFFFFE0]  }
0x1b3: {  	s28 =	sadd.s32 $0xFFFFFFC0, s24;
	v10 =	vadd.f32 v14, v10;
	v14 =	vmul.f32 v15, v17;
	v15 =	vmul.f32 v23, v22;
	v17 =	vld [tilespmem:s22+$0xFFFFFF20]  }
0x1b4: {  	s28 =	sor.u32 $0x30, s28;
	v27 =	vshrl.u32 v27, $0x3;
	v18 =	vsub.f32 v21, v18;
	v21 =	vld [tilespmem:s22+$0xFFFFFF30]  }
0x1b5: {  	v22 =	vmul.f32 v16, v22;
	v14 =	vadd.f32 v14, v10;
	v15 =	vmul.f32 v15, v23;
	v23 =	vld [tilespmem:s28+$0x10800]  }
0x1b6: {  	v25 =	vsub.f32 v25, v26;
	v26 =	vshll.u32 v27, v4;
	v10 =	vld [tilespmem:s25+$0x10]  }
0x1b7: {  	v14 =	vadd.f32 v15, v14;
	v15 =	vmul.f32 v22, v16;
	v16 =	vmul.f32 v18, v19;
	v22 =	vld [tilespmem:s22+$0xFFFFFF40]  }
0x1b8: {  	v26 =	vadd.s32 $0x6, v26;
	v17 =	vsub.f32 v20, v17;
	v20 =	vld [tilespmem:s22+$0xFFFFFF50]  }
0x1b9: {  	s28 =	sadd.s32 $0xFFFFFFF8, s23;
	v15 =	vadd.f32 v15, v14;
	v16 =	vmul.f32 v16, v18;
	v18 =	vmul.f32 v25, v19;
	v24 =	vld.idx.msk [tilespmem:v24+s16+$0x0], $0xffff  }
0x1ba: {  	v21 =	vsub.f32 v23, v21;
	v23 =	vbroadcast v26, $0x0;
	v26 =	vmov s28;
	v14 =	vld [tilespmem:s25+$0x10]  }
0x1bb: {  	v15 =	vadd.f32 v16, v15;
	v16 =	vmul.f32 v18, v25;
	v18 =	vmul.f32 v17, v19;
	v25 =	vld [tilespmem:s22+$0xFFFFFF60]  }
0x1bc: {  	v26 =	vshrl.u32 v26, $0x3;
	v22 =	vsub.f32 v11, v22;
	v27 =	vld [tilespmem:s25+$0xFFFFFFD0]  }
0x1bd: {  	v15 =	vadd.f32 v16, v15;
	v16 =	vmul.f32 v18, v17;
	v17 =	vmul.f32 v21, v19;
	v18 =	vld [tilespmem:s22+$0xFFFFFF70]  }
0x1be: {  	v26 =	vshll.u32 v26, v4;
	v19 =	vsub.f32 v9, v20;
	v20 =	vld [tilespmem:s25+$0xFFFFFFC0]  }
0x1bf: {  	v15 =	vadd.f32 v16, v15;
	v16 =	vmul.f32 v17, v21;
	v17 =	vmul.f32 v22, v24;
	v21 =	vld [tilespmem:s22+$0xFFFFFF80]  }
0x1c0: {  	v26 =	vadd.s32 $0x7, v26;
	v25 =	vsub.f32 v12, v25;
	v28 =	vld [tilespmem:s22+$0xFFFFFF90]  }
0x1c1: {  	v15 =	vadd.f32 v16, v15;
	v16 =	vmul.f32 v17, v22;
	v17 =	vmul.f32 v19, v24;
	v22 =	vld.idx.msk [tilespmem:v23+s16+$0x0], $0xffff  }
0x1c2: {  	v26 =	vbroadcast v26, $0x0;
	v18 =	vsub.f32 v13, v18;
	v23 =	vld [tilespmem:s25+$0xFFFFFFE0]  }
0x1c3: {  	s28 =	sadd.s32 $0xFFFFFFF9, s23;
	v15 =	vadd.f32 v16, v15;
	v16 =	vmul.f32 v17, v19;
	v17 =	vmul.f32 v25, v24;
	v19 =	vld [tilespmem:s22+$0xFFFFFFA0]  }
0x1c4: {  	v29 =	vmov s28;
	v20 =	vsub.f32 v20, v21;
	v21 =	vld [tilespmem:s25+$0xFFFFFFF0]  }
0x1c5: {  	v24 =	vmul.f32 v18, v24;
	v16 =	vadd.f32 v16, v15;
	v17 =	vmul.f32 v17, v25;
	v25 =	vld [tilespmem:s22+$0xFFFFFFB0]  }
0x1c6: {  	v27 =	vsub.f32 v27, v28;
	v28 =	vshrl.u32 v29, $0x3;
	v15 =	vld [tilespmem:s25+$0x10]  }
0x1c7: {  	v16 =	vadd.f32 v17, v16;
	v17 =	vmul.f32 v24, v18;
	v18 =	vmul.f32 v20, v22;
	v24 =	vld [tilespmem:s22+$0xFFFFFFC0]  }
0x1c8: {  	v28 =	vshll.u32 v28, v4;
	v19 =	vsub.f32 v23, v19;
	v23 =	vld [tilespmem:s22+$0xFFFFFFD0]  }
0x1c9: {  	s28 =	sadd.s32 $0xFFFFFFFA, s23;
	v16 =	vadd.f32 v17, v16;
	v17 =	vmul.f32 v18, v20;
	v18 =	vmul.f32 v27, v22;
	v20 =	vld.idx.msk [tilespmem:v26+s16+$0x0], $0xffff  }
0x1ca: {  	v26 =	vmov s28;
	v21 =	vsub.f32 v21, v25;
	v25 =	vbroadcast v28, $0x0;
	v28 =	vld [tilespmem:s25+$0x10]  }
0x1cb: {  	v16 =	vadd.f32 v17, v16;
	v17 =	vmul.f32 v18, v27;
	v18 =	vmul.f32 v19, v22;
	v27 =	vld [tilespmem:s22+$0xFFFFFFE0]  }
0x1cc: {  	v26 =	vshrl.u32 v26, $0x3;
	v11 =	vsub.f32 v11, v24;
	v24 =	vld [tilespmem:s25+$0x10]  }
0x1cd: {  	v16 =	vadd.f32 v17, v16;
	v17 =	vmul.f32 v18, v19;
	v18 =	vmul.f32 v21, v22;
	v19 =	vld [tilespmem:s22+$0xFFFFFFF0]  }
0x1ce: {  	v9 =	vsub.f32 v9, v23;
	v23 =	vshll.u32 v26, v4;
	v22 =	vld [tilespmem:s25+$0x0]  }
0x1cf: {  	v16 =	vadd.f32 v17, v16;
	v17 =	vmul.f32 v18, v21;
	v18 =	vmul.f32 v11, v20;
	v21 =	vld [tilespmem:s22+$0x0]  }
0x1d0: {  	v23 =	vadd.s32 $0x1, v23;
	v12 =	vsub.f32 v12, v27;
	v26 =	vld [tilespmem:s22+$0x10]  }
0x1d1: {  	s28 =	sadd.s32 $0xFFFFFFFB, s23;
	v16 =	vadd.f32 v17, v16;
	v11 =	vmul.f32 v18, v11;
	v17 =	vmul.f32 v9, v20;
	v18 =	vld.idx.msk [tilespmem:v25+s16+$0x0], $0xffff  }
0x1d2: {  	v23 =	vbroadcast v23, $0x0;
	v25 =	vmov s28;
	v13 =	vsub.f32 v13, v19;
	v19 =	vld [tilespmem:s25+$0x20]  }
0x1d3: {  	v11 =	vadd.f32 v11, v16;
	v9 =	vmul.f32 v17, v9;
	v16 =	vmul.f32 v12, v20;
	v17 =	vld [tilespmem:s22+$0x20]  }
0x1d4: {  	v25 =	vshrl.u32 v25, $0x3;
	v21 =	vsub.f32 v22, v21;
	v22 =	vld [tilespmem:s25+$0x30]  }
0x1d5: {  	v9 =	vadd.f32 v9, v11;
	v11 =	vmul.f32 v16, v12;
	v12 =	vmul.f32 v13, v20;
	v16 =	vld [tilespmem:s22+$0x30]  }
0x1d6: {  	v25 =	vshll.u32 v25, v4;
	v20 =	vsub.f32 v24, v26;
	v24 =	vld [tilespmem:s25+$0x0]  }
0x1d7: {  	v9 =	vadd.f32 v11, v9;
	v11 =	vmul.f32 v12, v13;
	v12 =	vmul.f32 v21, v18;
	v13 =	vld [tilespmem:s22+$0x40]  }
0x1d8: {  	v25 =	vadd.s32 $0x2, v25;
	v17 =	vsub.f32 v19, v17;
	v19 =	vld [tilespmem:s22+$0x50]  }
0x1d9: {  	s28 =	sadd.s32 $0xFFFFFFFC, s23;
	v9 =	vadd.f32 v11, v9;
	v11 =	vmul.f32 v12, v21;
	v12 =	vmul.f32 v20, v18;
	v21 =	vld.idx.msk [tilespmem:v23+s16+$0x0], $0xffff  }
0x1da: {  	v23 =	vbroadcast v25, $0x0;
	v25 =	vmov s28;
	v16 =	vsub.f32 v22, v16;
	v22 =	vld [tilespmem:s25+$0x20]  }
0x1db: {  	v9 =	vadd.f32 v11, v9;
	v11 =	vmul.f32 v12, v20;
	v12 =	vmul.f32 v17, v18;
	v20 =	vld [tilespmem:s22+$0x60]  }
0x1dc: {  	v25 =	vshrl.u32 v25, $0x3;
	v13 =	vsub.f32 v24, v13;
	v24 =	vld [tilespmem:s25+$0x30]  }
0x1dd: {  	v9 =	vadd.f32 v11, v9;
	v11 =	vmul.f32 v12, v17;
	v12 =	vmul.f32 v16, v18;
	v17 =	vld [tilespmem:s22+$0x70]  }
0x1de: {  	v25 =	vshll.u32 v25, v4;
	v18 =	vsub.f32 v28, v19;
	v19 =	vld [tilespmem:s25+$0x0]  }
0x1df: {  	v9 =	vadd.f32 v11, v9;
	v11 =	vmul.f32 v12, v16;
	v12 =	vmul.f32 v13, v21;
	v16 =	vld [tilespmem:s22+$0x80]  }
0x1e0: {  	v25 =	vadd.s32 $0x3, v25;
	v20 =	vsub.f32 v22, v20;
	v22 =	vld [tilespmem:s22+$0x90]  }
0x1e1: {  	s28 =	sadd.s32 $0xFFFFFFFD, s23;
	v9 =	vadd.f32 v11, v9;
	v11 =	vmul.f32 v12, v13;
	v12 =	vmul.f32 v18, v21;
	v13 =	vld.idx.msk [tilespmem:v23+s16+$0x0], $0xffff  }
0x1e2: {  	v17 =	vsub.f32 v24, v17;
	v23 =	vld [tilespmem:s25+$0x20];
	v24 =	vbroadcast v25, $0x0;
	v25 =	vmov s28  }
0x1e3: {  	s28 =	sadd.s32 $0xFFFFFFF0, s24;
	v9 =	vadd.f32 v11, v9;
	v11 =	vmul.f32 v12, v18;
	v12 =	vmul.f32 v20, v21;
	v18 =	vld [tilespmem:s22+$0xA0]  }
0x1e4: {  	s28 =	sor.u32 $0x30, s28;
	v25 =	vshrl.u32 v25, $0x3;
	v16 =	vsub.f32 v19, v16;
	v19 =	vld [tilespmem:s22+$0xB0]  }
0x1e5: {  	v9 =	vadd.f32 v11, v9;
	v11 =	vmul.f32 v12, v20;
	v12 =	vmul.f32 v17, v21;
	v20 =	vld [tilespmem:s28+$0x10800]  }
0x1e6: {  	v15 =	vsub.f32 v15, v22;
	v22 =	vshll.u32 v25, v4;
	v21 =	vld [tilespmem:s25+$0x0]  }
0x1e7: {  	v9 =	vadd.f32 v11, v9;
	v11 =	vmul.f32 v12, v17;
	v12 =	vmul.f32 v16, v13;
	v17 =	vld [tilespmem:s22+$0xC0]  }
0x1e8: {  	v22 =	vadd.s32 $0x4, v22;
	v18 =	vsub.f32 v23, v18;
	v23 =	vld [tilespmem:s22+$0xD0]  }
0x1e9: {  	s28 =	sadd.s32 $0xFFFFFFFE, s23;
	v9 =	vadd.f32 v11, v9;
	v11 =	vmul.f32 v12, v16;
	v12 =	vmul.f32 v15, v13;
	v16 =	vld.idx.msk [tilespmem:v24+s16+$0x0], $0xffff  }
0x1ea: {  	v22 =	vbroadcast v22, $0x0;
	v24 =	vmov s28;
	v19 =	vsub.f32 v20, v19;
	v20 =	vld [tilespmem:s25+$0x20]  }
0x1eb: {  	v9 =	vadd.f32 v11, v9;
	v11 =	vmul.f32 v12, v15;
	v12 =	vmul.f32 v18, v13;
	v15 =	vld [tilespmem:s22+$0xE0]  }
0x1ec: {  	v24 =	vshrl.u32 v24, $0x3;
	v17 =	vsub.f32 v21, v17;
	v21 =	vld [tilespmem:s25+$0x30]  }
0x1ed: {  	v9 =	vadd.f32 v11, v9;
	v11 =	vmul.f32 v12, v18;
	v12 =	vmul.f32 v19, v13;
	v13 =	vld [tilespmem:s22+$0xF0]  }
0x1ee: {  	v14 =	vsub.f32 v14, v23;
	v23 =	vshll.u32 v24, v4;
	v18 =	vld [tilespmem:s25+$0x0]  }
0x1ef: {  	v9 =	vadd.f32 v11, v9;
	v11 =	vmul.f32 v12, v19;
	v12 =	vmul.f32 v17, v16;
	v19 =	vld [tilespmem:s22+$0x100]  }
0x1f0: {  	v23 =	vadd.s32 $0x5, v23;
	v15 =	vsub.f32 v20, v15;
	v20 =	vld [tilespmem:s22+$0x110]  }
0x1f1: {  	s28 =	sadd.s32 $0xFFFFFFFF, s23;
	v9 =	vadd.f32 v11, v9;
	v11 =	vmul.f32 v12, v17;
	v12 =	vmul.f32 v14, v16;
	v17 =	vld.idx.msk [tilespmem:v22+s16+$0x0], $0xffff  }
0x1f2: {  	v22 =	vbroadcast v23, $0x0;
	v23 =	vmov s28;
	v13 =	vsub.f32 v21, v13;
	v21 =	vld [tilespmem:s25+$0x20]  }
0x1f3: {  	v9 =	vadd.f32 v11, v9;
	v11 =	vmul.f32 v12, v14;
	v12 =	vmul.f32 v15, v16;
	v14 =	vld [tilespmem:s22+$0x120]  }
0x1f4: {  	s28 =	sor.u32 $0x30, s24;
	v23 =	vshrl.u32 v23, $0x3;
	v18 =	vsub.f32 v18, v19;
	v19 =	vld [tilespmem:s22+$0x130]  }
0x1f5: {  	v9 =	vadd.f32 v11, v9;
	v11 =	vmul.f32 v12, v15;
	v12 =	vmul.f32 v13, v16;
	v15 =	vld [tilespmem:s28+$0x10800]  }
0x1f6: {  	v10 =	vsub.f32 v10, v20;
	v20 =	vshll.u32 v23, v4;
	v16 =	vld [tilespmem:s25+$0x0]  }
0x1f7: {  	v9 =	vadd.f32 v11, v9;
	v11 =	vmul.f32 v12, v13;
	v12 =	vmul.f32 v18, v17;
	v13 =	vld [tilespmem:s22+$0x140]  }
0x1f8: {  	v20 =	vadd.s32 $0x6, v20;
	v14 =	vsub.f32 v21, v14;
	v21 =	vld [tilespmem:s22+$0x150]  }
0x1f9: {  	v9 =	vadd.f32 v11, v9;
	v11 =	vmul.f32 v12, v18;
	v12 =	vmul.f32 v10, v17;
	v18 =	vld.idx.msk [tilespmem:v22+s16+$0x0], $0xffff  }
0x1fa: {  	v20 =	vbroadcast v20, $0x0;
	v22 =	vmov s23;
	s23 =	smov.u32 s26;
	v15 =	vsub.f32 v15, v19;
	v19 =	vld [tilespmem:s25+$0x20]  }
0x1fb: {  	v9 =	vadd.f32 v11, v9;
	v10 =	vmul.f32 v12, v10;
	v11 =	vmul.f32 v14, v17;
	v12 =	vld [tilespmem:s22+$0x160]  }
0x1fc: {  	v22 =	vshrl.u32 v22, $0x3;
	v13 =	vsub.f32 v16, v13;
	v16 =	vld [tilespmem:s25+$0x30]  }
0x1fd: {  	v9 =	vadd.f32 v10, v9;
	v10 =	vmul.f32 v11, v14;
	v11 =	vmul.f32 v15, v17;
	v14 =	vld [tilespmem:s22+$0x170]  }
0x1fe: {  	v17 =	vsub.f32 v8, v21;
	v8 =	vshll.u32 v22, v4;
	v21 =	vld [tilespmem:s25+$0x0]  }
0x1ff: {  	v9 =	vadd.f32 v10, v9;
	v10 =	vmul.f32 v11, v15;
	v11 =	vmul.f32 v13, v18;
	v22 =	vld [tilespmem:s22+$0x180]  }
0x200: {  	v15 =	vadd.s32 $0x7, v8;
	v12 =	vsub.f32 v19, v12;
	v19 =	vld [tilespmem:s22+$0x190]  }
0x201: {  	v23 =	vmul.f32 v17, v18;
	v9 =	vadd.f32 v10, v9;
	v13 =	vmul.f32 v11, v13;
	v10 =	vld.idx.msk [tilespmem:v20+s16+$0x0], $0xffff  }
0x202: {  	v11 =	vbroadcast v15, $0x0;
	v16 =	vsub.f32 v16, v14;
	v8 =	vld [tilespmem:s25+$0x20]  }
.Ltmp0:
0x203: {  	s28 =	sadd.s32 $0xFFFFFFF1, s26;
	v17 =	vmul.f32 v23, v17;
	v20 =	vmul.f32 v12, v18;
	v14 =	vadd.f32 v13, v9;
	v15 =	vld [tilespmem:s22+$0x1A0];
	(pc) =	sbr.rel @p0 .LBB2_3-.Ltmp0, $4  }
0x204: {  	v23 =	vmov s28;
	v13 =	vsub.f32 v21, v22;
	v9 =	vld [tilespmem:s25+$0x30]  }
0x205: {  	v20 =	vmul.f32 v20, v12;
	v22 =	vmul.f32 v16, v18;
	v21 =	vadd.f32 v17, v14;
	v14 =	vld [tilespmem:s22+$0x1B0]  }
0x206: {  	v17 =	vshrl.u32 v23, $0x3;
	v12 =	vsub.f32 v7, v19;
	v7 =	vld [tilespmem:s25+$0x0]  }
0x207: {  	s26 =	sadd.s32 $0x10, s26;
	v19 =	vmul.f32 v22, v16;
	v18 =	vadd.f32 v20, v21;
	v20 =	vmul.f32 v13, v10;
	v16 =	vld [tilespmem:s22+$0x1C0]  }
0x208: {  	_ =	sdelay $0x2  }
0x209: {  	v15 =	vsub.f32 v8, v15;
	v21 =	vld [tilespmem:s22+$0x1D0]  }
0x20a: {  	v38 =	vmul.f32 v12, v10;
	v39 =	vld.idx.msk [tilespmem:v11+s16+$0x0], $0xffff;
	v8 =	vadd.f32 v19, v18;
	v13 =	vmul.f32 v20, v13  }
0x20b: {  	v17 =	vshll.u32 v17, v4;
	v42 =	vld [tilespmem:s25+$0x20];
	v9 =	vsub.f32 v9, v14  }
0x20c: {  	s26 =	sadd.s32 $0xFFFFFFF2, s23;
	v44 =	vld [tilespmem:s22+$0x1E0];
	v12 =	vmul.f32 v38, v12;
	v43 =	vmul.f32 v15, v10;
	v13 =	vadd.f32 v13, v8  }
0x20d: {  	v45 =	vld [tilespmem:s22+$0x1F0];
	s22 =	sadd.s32 $0x400, s22;
	v40 =	vbroadcast v17, $0x0;
	v41 =	vmov s26;
	v7 =	vsub.f32 v7, v16  }
0x20e: {  	v48 =	vld [tilespmem:s22+$0xFFFFFE00];
	v46 =	vmul.f32 v43, v15;
	v47 =	vmul.f32 v9, v10;
	v12 =	vadd.f32 v12, v13  }
0x20f: {  	s25 =	sadd.s32 $0x80, s25;
	v50 =	vld [tilespmem:s22+$0xFFFFFE10];
	v17 =	vshrl.u32 v41, $0x3;
	v6 =	vsub.f32 v6, v21  }
0x210: {  	v11 =	vld [tilespmem:s25+$0xFFFFFFE0];
	v9 =	vmul.f32 v47, v9;
	v49 =	vmul.f32 v7, v39;
	v12 =	vadd.f32 v46, v12  }
0x211: {  	v17 =	vshll.u32 v17, v4;
	v10 =	vld [tilespmem:s25+$0xFFFFFFC0];
	v14 =	vsub.f32 v42, v44  }
0x212: {  	v8 =	vld [tilespmem:s25+$0xFFFFFFD0];
	v52 =	vmul.f32 v6, v39;
	v7 =	vmul.f32 v49, v7;
	v9 =	vadd.f32 v9, v12  }
0x213: {  	v17 =	vadd.s32 $0x1, v17;
	v5 =	vsub.f32 v5, v45;
	v51 =	vld.idx.msk [tilespmem:v40+s16+$0x0], $0xffff  }
0x214: {  	s28 =	sadd.s32 $0xFFFFFFF3, s23;
	v55 =	vld [tilespmem:s22+$0xFFFFFE20];
	v56 =	vmul.f32 v14, v39;
	v6 =	vmul.f32 v52, v6;
	v7 =	vadd.f32 v7, v9  }
0x215: {  	v54 =	vmov s28;
	v57 =	vld [tilespmem:s22+$0xFFFFFE30];
	v53 =	vbroadcast v17, $0x0;
	v58 =	vmul.f32 v5, v39  }
0x216: {  	v18 =	vsub.f32 v10, v48;
	v12 =	vld [tilespmem:s25+$0xFFFFFFF0];
	v6 =	vadd.f32 v6, v7;
	v7 =	vmul.f32 v56, v14  }
0x217: {  	v17 =	vshrl.u32 v54, $0x3;
	v59 =	vsub.f32 v8, v50  }
0x218: {  	v62 =	vld [tilespmem:s22+$0xFFFFFE40];
	v5 =	vmul.f32 v58, v5;
	v61 =	vmul.f32 v18, v51;
	v6 =	vadd.f32 v7, v6  }
0x219: {  	v63 =	vld [tilespmem:s22+$0xFFFFFE50];
	v60 =	vshll.u32 v17, v4;
	v25 =	vmul.f32 v59, v51  }
0x21a: {  	s29 =	sadd.s32 $0xFFFFFFF4, s23;
	v29 =	vld [tilespmem:s22+$0xFFFFFE60];
	v24 =	vmul.f32 v61, v18;
	v7 =	vsub.f32 v11, v55;
	v6 =	vadd.f32 v5, v6  }
0x21b: {  	v27 =	vmov s29;
	v15 =	vadd.s32 $0x2, v60;
	v13 =	vld.idx.msk [tilespmem:v53+s16+$0x0], $0xffff;
	v26 =	vsub.f32 v12, v57  }
0x21c: {  	v22 =	vld [tilespmem:s25+$0xFFFFFFD0];
	v14 =	vmul.f32 v25, v59;
	v28 =	vmul.f32 v7, v51;
	v6 =	vadd.f32 v24, v6  }
0x21d: {  	v31 =	vld [tilespmem:s22+$0xFFFFFE70];
	v21 =	vshrl.u32 v27, $0x3;
	v15 =	vbroadcast v15, $0x0;
	v19 =	vsub.f32 v10, v62  }
0x21e: {  	v32 =	vld [tilespmem:s25+$0xFFFFFFC0];
	v30 =	vmul.f32 v26, v51;
	v7 =	vmul.f32 v28, v7;
	v6 =	vadd.f32 v14, v6  }
0x21f: {  	v34 =	vld [tilespmem:s22+$0xFFFFFE80];
	v21 =	vshll.u32 v21, v4;
	v9 =	vsub.f32 v8, v63  }
0x220: {  	v23 =	vld [tilespmem:s22+$0xFFFFFE90];
	v33 =	vmul.f32 v19, v13;
	v6 =	vadd.f32 v7, v6;
	v7 =	vmul.f32 v30, v26  }
0x221: {  	v36 =	vld [tilespmem:s25+$0xFFFFFFE0];
	v17 =	vsub.f32 v11, v29;
	v21 =	vadd.s32 $0x3, v21  }
0x222: {  	v38 =	vld [tilespmem:s22+$0xFFFFFEA0];
	v35 =	vmul.f32 v9, v13;
	v6 =	vadd.f32 v7, v6;
	v7 =	vmul.f32 v33, v19  }
0x223: {  	v21 =	vbroadcast v21, $0x0;
	v15 =	vld.idx.msk [tilespmem:v15+s16+$0x0], $0xffff;
	v16 =	vsub.f32 v12, v31  }
0x224: {  	s24 =	sadd.s32 $0x80, s24;
	v44 =	vld [tilespmem:s22+$0xFFFFFEC0];
	v37 =	vmul.f32 v17, v13;
	v6 =	vadd.f32 v7, v6;
	v7 =	vmul.f32 v35, v9  }
0x225: {  	s31 =	sadd.s32 $0xFFFFFFB0, s24;
	v45 =	vld [tilespmem:s22+$0xFFFFFED0];
	v13 =	vmul.f32 v16, v13  }
0x226: {  	s30 =	sadd.s32 $0xFFFFFFF5, s23;
	s26 =	sor.u32 $0x30, s31;
	v39 =	vld [tilespmem:s22+$0xFFFFFEB0];
	v18 =	vsub.f32 v32, v34;
	v9 =	vmul.f32 v37, v17;
	v7 =	vadd.f32 v7, v6  }
0x227: {  	v22 =	vsub.f32 v22, v23;
	v40 =	vld [tilespmem:s26+$0x10800];
	v42 =	vmul.f32 v13, v16;
	v24 =	vmov s30  }
0x228: {  	v27 =	vld [tilespmem:s22+$0xFFFFFF90];
	v43 =	vmul.f32 v18, v15;
	v24 =	vshrl.u32 v24, $0x3;
	v7 =	vadd.f32 v9, v7  }
0x229: {  	v60 =	vld [tilespmem:s22+$0xFFFFFF00];
	v46 =	vmul.f32 v22, v15;
	v41 =	vshll.u32 v24, v4  }
0x22a: {  	v21 =	vld.idx.msk [tilespmem:v21+s16+$0x0], $0xffff;
	v14 =	vsub.f32 v36, v38;
	v13 =	vmul.f32 v43, v18;
	v9 =	vadd.f32 v42, v7  }
0x22b: {  	v52 =	vld [tilespmem:s25+$0xFFFFFFD0];
	v49 =	vmul.f32 v46, v22;
	v23 =	vadd.s32 $0x4, v41  }
0x22c: {  	v51 =	vld [tilespmem:s22+$0xFFFFFEE0];
	v50 =	vmul.f32 v14, v15;
	v17 =	vsub.f32 v40, v39;
	v9 =	vadd.f32 v13, v9  }
0x22d: {  	v56 =	vsub.f32 v8, v45;
	v45 =	vld [tilespmem:s25+$0xFFFFFFD0];
	v16 =	vsub.f32 v10, v44;
	v47 =	vbroadcast v23, $0x0  }
0x22e: {  	v57 =	vld [tilespmem:s25+$0xFFFFFFC0];
	v53 =	vmul.f32 v50, v14;
	v54 =	vmul.f32 v17, v15;
	v9 =	vadd.f32 v49, v9  }
0x22f: {  	v55 =	vld [tilespmem:s22+$0xFFFFFEF0];
	v62 =	vmul.f32 v56, v21  }
0x230: {  	s28 =	sadd.s32 $0xFFFFFFF6, s23;
	v25 =	vld [tilespmem:s22+$0xFFFFFF10];
	v59 =	vmul.f32 v16, v21;
	v58 =	vmul.f32 v54, v17;
	v9 =	vadd.f32 v53, v9  }
0x231: {  	v48 =	vmov s28;
	v31 =	vld [tilespmem:s22+$0xFFFFFF20];
	v29 =	vmul.f32 v62, v56;
	v22 =	vsub.f32 v11, v51  }
0x232: {  	s29 =	sadd.s32 $0xFFFFFFF7, s23;
	v32 =	vld [tilespmem:s22+$0xFFFFFF30];
	v61 =	vmul.f32 v59, v16;
	v23 =	vshrl.u32 v48, $0x3;
	v9 =	vadd.f32 v58, v9  }
0x233: {  	v26 =	vmov s29;
	v23 =	vshll.u32 v23, v4;
	v30 =	vmul.f32 v22, v21;
	v63 =	vld.idx.msk [tilespmem:v47+s16+$0x0], $0xffff  }
0x234: {  	v28 =	vld [tilespmem:s25+$0xFFFFFFE0];
	s30 =	sadd.s32 $0xFFFFFFC0, s24;
	v23 =	vadd.s32 $0x5, v23;
	v15 =	vsub.f32 v12, v55;
	v9 =	vadd.f32 v61, v9  }
0x235: {  	v5 =	vld [tilespmem:s25+$0x10];
	s26 =	sor.u32 $0x30, s30;
	v26 =	vshrl.u32 v26, $0x3;
	v23 =	vbroadcast v23, $0x0;
	v14 =	vmul.f32 v30, v22  }
0x236: {  	v33 =	vld [tilespmem:s26+$0x10800];
	v17 =	vsub.f32 v57, v60;
	v21 =	vmul.f32 v15, v21;
	v13 =	vadd.f32 v29, v9  }
0x237: {  	v44 =	vld [tilespmem:s22+$0xFFFFFF60];
	v24 =	vsub.f32 v52, v25;
	v34 =	vshll.u32 v26, v4  }
0x238: {  	s31 =	sadd.s32 $0xFFFFFFF8, s23;
	v37 =	vld [tilespmem:s22+$0xFFFFFF40];
	v35 =	vmul.f32 v21, v15;
	v36 =	vmul.f32 v17, v63;
	v13 =	vadd.f32 v14, v13  }
0x239: {  	v38 =	vld [tilespmem:s22+$0xFFFFFF50];
	v41 =	vmov s31;
	v18 =	vsub.f32 v28, v31;
	v25 =	vadd.s32 $0x6, v34  }
0x23a: {  	v52 =	vld [tilespmem:s22+$0xFFFFFF80];
	v39 =	vmul.f32 v24, v63;
	v15 =	vmul.f32 v36, v17;
	v14 =	vadd.f32 v35, v13  }
0x23b: {  	v40 =	vbroadcast v25, $0x0;
	v25 =	vshrl.u32 v41, $0x3;
	v19 =	vsub.f32 v33, v32;
	v23 =	vld.idx.msk [tilespmem:v23+s16+$0x0], $0xffff  }
0x23c: {  	v56 =	vld [tilespmem:s25+$0xFFFFFFE0];
	v43 =	vmul.f32 v18, v63;
	v42 =	vmul.f32 v39, v24;
	v14 =	vadd.f32 v15, v14  }
0x23d: {  	v59 =	vld [tilespmem:s22+$0xFFFFFFA0];
	v25 =	vshll.u32 v25, v4;
	v21 =	vsub.f32 v10, v37  }
0x23e: {  	v47 =	vld [tilespmem:s22+$0xFFFFFF70];
	v16 =	vmul.f32 v19, v63;
	v46 =	vmul.f32 v43, v18;
	v14 =	vadd.f32 v42, v14  }
0x23f: {  	v48 =	vsub.f32 v8, v38;
	v30 =	vsub.f32 v45, v27;
	v27 =	vld [tilespmem:s25+$0x10];
	v25 =	vadd.s32 $0x7, v25  }
0x240: {  	v34 =	vld [tilespmem:s22+$0xFFFFFFC0];
	v50 =	vmul.f32 v16, v19;
	v51 =	vmul.f32 v21, v23;
	v14 =	vadd.f32 v46, v14  }
0x241: {  	v25 =	vbroadcast v25, $0x0;
	v24 =	vsub.f32 v11, v44;
	v49 =	vld [tilespmem:s25+$0xFFFFFFC0]  }
0x242: {  	s28 =	sadd.s32 $0xFFFFFFF9, s23;
	v6 =	vld [tilespmem:s25+$0x10];
	v54 =	vmul.f32 v48, v23;
	v53 =	vmul.f32 v51, v21;
	v14 =	vadd.f32 v50, v14  }
0x243: {  	v28 =	vmov s28;
	v55 =	vld.idx.msk [tilespmem:v40+s16+$0x0], $0xffff;
	v17 =	vsub.f32 v12, v47  }
0x244: {  	v60 =	vld [tilespmem:s25+$0xFFFFFFF0];
	v57 =	vmul.f32 v54, v48;
	v58 =	vmul.f32 v24, v23;
	v14 =	vadd.f32 v53, v14  }
0x245: {  	v31 =	vshrl.u32 v28, $0x3;
	v7 =	vld [tilespmem:s25+$0x10];
	v62 =	vmul.f32 v17, v23  }
0x246: {  	v63 =	vld [tilespmem:s22+$0xFFFFFFB0];
	v19 =	vsub.f32 v49, v52;
	v61 =	vmul.f32 v58, v24;
	v14 =	vadd.f32 v57, v14  }
0x247: {  	v26 =	vshll.u32 v31, v4;
	v10 =	vsub.f32 v10, v34;
	v34 =	vld [tilespmem:s25+$0x20]  }
0x248: {  	v38 =	vld.idx.msk [tilespmem:v25+s16+$0x0], $0xffff;
	v32 =	vmul.f32 v62, v17;
	v33 =	vmul.f32 v19, v55;
	v14 =	vadd.f32 v61, v14  }
0x249: {  	v18 =	vsub.f32 v56, v59;
	v39 =	vbroadcast v26, $0x0;
	v26 =	vld [tilespmem:s25+$0x10]  }
0x24a: {  	v43 =	vld [tilespmem:s22+$0xFFFFFFE0];
	v37 =	vmul.f32 v30, v55;
	v36 =	vmul.f32 v33, v19;
	v14 =	vadd.f32 v32, v14  }
0x24b: {  	v20 =	vsub.f32 v60, v63;
	v35 =	vld [tilespmem:s22+$0xFFFFFFD0]  }
0x24c: {  	s29 =	sadd.s32 $0xFFFFFFFA, s23;
	v44 =	vld [tilespmem:s25+$0x10];
	v41 =	vmul.f32 v37, v30;
	v42 =	vmul.f32 v18, v55;
	v14 =	vadd.f32 v36, v14  }
0x24d: {  	v40 =	vmov s29;
	v47 =	vld [tilespmem:s22+$0xFFFFFFF0]  }
0x24e: {  	v56 =	vld [tilespmem:s25+$0x20];
	v45 =	vmul.f32 v42, v18;
	v46 =	vmul.f32 v20, v55;
	v14 =	vadd.f32 v41, v14  }
0x24f: {  	v25 =	vshrl.u32 v40, $0x3;
	v48 =	vld [tilespmem:s25+$0x0];
	v51 =	vmul.f32 v10, v38  }
0x250: {  	v52 =	vld [tilespmem:s22+$0x0];
	v8 =	vsub.f32 v8, v35;
	v50 =	vmul.f32 v46, v20;
	v14 =	vadd.f32 v45, v14  }
0x251: {  	v59 =	vld [tilespmem:s22+$0x20];
	v11 =	vsub.f32 v11, v43;
	v49 =	vshll.u32 v25, v4  }
0x252: {  	v10 =	vmul.f32 v51, v10;
	v55 =	vld.idx.msk [tilespmem:v39+s16+$0x0], $0xffff;
	v54 =	vmul.f32 v8, v38;
	v14 =	vadd.f32 v50, v14  }
0x253: {  	v12 =	vsub.f32 v12, v47;
	v22 =	vadd.s32 $0x1, v49;
	v53 =	vld [tilespmem:s22+$0x10]  }
0x254: {  	v40 =	vld [tilespmem:s25+$0x30];
	v58 =	vmul.f32 v11, v38;
	v8 =	vmul.f32 v54, v8;
	v10 =	vadd.f32 v10, v14  }
0x255: {  	v60 =	vld [tilespmem:s25+$0x30];
	v62 =	vmul.f32 v12, v38;
	v22 =	vbroadcast v22, $0x0;
	v20 =	vsub.f32 v48, v52  }
0x256: {  	v63 =	vld [tilespmem:s22+$0x30];
	v61 =	vmul.f32 v58, v11;
	v8 =	vadd.f32 v8, v10  }
0x257: {  	s30 =	sadd.s32 $0xFFFFFFFB, s23;
	v24 =	vld [tilespmem:s25+$0x0];
	v25 =	vmul.f32 v62, v12;
	v28 =	vmul.f32 v20, v55  }
0x258: {  	v29 =	vld [tilespmem:s22+$0x40];
	v57 =	vmov s30;
	v17 =	vsub.f32 v44, v53;
	v8 =	vadd.f32 v61, v8  }
0x259: {  	v30 =	vld [tilespmem:s22+$0x50];
	v15 =	vsub.f32 v56, v59;
	v23 =	vshrl.u32 v57, $0x3;
	v31 =	vmul.f32 v28, v20  }
0x25a: {  	v43 =	vld [tilespmem:s22+$0x70];
	v23 =	vshll.u32 v23, v4;
	v32 =	vmul.f32 v17, v55;
	v8 =	vadd.f32 v25, v8  }
0x25b: {  	v33 =	vld.idx.msk [tilespmem:v22+s16+$0x0], $0xffff;
	v38 =	vmul.f32 v15, v55;
	v23 =	vadd.s32 $0x2, v23  }
0x25c: {  	v39 =	vld [tilespmem:s22+$0x60];
	v37 =	vmul.f32 v32, v17;
	v14 =	vsub.f32 v60, v63;
	v8 =	vadd.f32 v31, v8  }
0x25d: {  	s29 =	sadd.s32 $0xFFFFFFF0, s24;
	v49 =	vld [tilespmem:s22+$0x90];
	v12 =	vsub.f32 v24, v29;
	v35 =	vbroadcast v23, $0x0  }
0x25e: {  	s26 =	sor.u32 $0x30, s29;
	v9 =	vld [tilespmem:s25+$0x10];
	v41 =	vmul.f32 v38, v15;
	v42 =	vmul.f32 v14, v55;
	v8 =	vadd.f32 v37, v8  }
0x25f: {  	v62 =	vld [tilespmem:s26+$0x10800];
	v44 =	vsub.f32 v26, v30  }
0x260: {  	s31 =	sadd.s32 $0xFFFFFFFC, s23;
	v47 =	vmul.f32 v12, v33;
	v48 =	vld [tilespmem:s22+$0x80];
	v46 =	vmul.f32 v42, v14;
	v8 =	vadd.f32 v41, v8  }
0x261: {  	v51 =	vmul.f32 v44, v33;
	v36 =	vmov s31;
	v17 =	vsub.f32 v34, v39;
	v45 =	vld [tilespmem:s25+$0x0]  }
0x262: {  	v58 =	vld [tilespmem:s22+$0xA0];
	v23 =	vshrl.u32 v36, $0x3;
	v50 =	vmul.f32 v47, v12;
	v8 =	vadd.f32 v46, v8  }
0x263: {  	v56 =	vmul.f32 v51, v44;
	v23 =	vshll.u32 v23, v4;
	v57 =	vmul.f32 v17, v33;
	v52 =	vld.idx.msk [tilespmem:v35+s16+$0x0], $0xffff  }
0x264: {  	v53 =	vld [tilespmem:s25+$0x20];
	v15 =	vsub.f32 v40, v43;
	v23 =	vadd.s32 $0x3, v23;
	v8 =	vadd.f32 v50, v8  }
0x265: {  	v13 =	vld [tilespmem:s25+$0x10];
	v54 =	vbroadcast v23, $0x0;
	v60 =	vmul.f32 v57, v17  }
0x266: {  	v59 =	vld [tilespmem:s22+$0xB0];
	v14 =	vsub.f32 v45, v48;
	v61 =	vmul.f32 v15, v33;
	v8 =	vadd.f32 v56, v8  }
0x267: {  	v24 =	vld [tilespmem:s25+$0x0];
	v63 =	vsub.f32 v27, v49  }
0x268: {  	s28 =	sadd.s32 $0xFFFFFFFD, s23;
	v28 =	vld [tilespmem:s22+$0xD0];
	v25 =	vmul.f32 v61, v15;
	v26 =	vmul.f32 v14, v52;
	v8 =	vadd.f32 v60, v8  }
0x269: {  	v16 =	vsub.f32 v53, v58;
	v27 =	vld [tilespmem:s22+$0xC0];
	v55 =	vmov s28;
	v30 =	vmul.f32 v63, v52  }
0x26a: {  	v32 =	vld [tilespmem:s25+$0x20];
	v23 =	vshrl.u32 v55, $0x3;
	v29 =	vmul.f32 v26, v14;
	v8 =	vadd.f32 v25, v8  }
0x26b: {  	v17 =	vsub.f32 v62, v59;
	v36 =	vmul.f32 v16, v52;
	v23 =	vshll.u32 v23, v4;
	v31 =	vld.idx.msk [tilespmem:v54+s16+$0x0], $0xffff  }
0x26c: {  	s30 =	sadd.s32 $0xFFFFFFFE, s23;
	v38 =	vld [tilespmem:s25+$0x30];
	v35 =	vmul.f32 v30, v63;
	v23 =	vadd.s32 $0x4, v23;
	v8 =	vadd.f32 v29, v8  }
0x26d: {  	v34 =	vmov s30;
	v40 =	vmul.f32 v17, v52;
	v33 =	vbroadcast v23, $0x0;
	v37 =	vld [tilespmem:s22+$0xE0]  }
0x26e: {  	v39 =	vmul.f32 v36, v16;
	v42 =	vld [tilespmem:s25+$0x0];
	v15 =	vsub.f32 v24, v27;
	v8 =	vadd.f32 v35, v8  }
0x26f: {  	v13 =	vsub.f32 v13, v28;
	v44 =	vmul.f32 v40, v17;
	v23 =	vshrl.u32 v34, $0x3;
	v41 =	vld [tilespmem:s22+$0xF0]  }
0x270: {  	v43 =	vshll.u32 v23, v4;
	v45 =	vmul.f32 v15, v31;
	v46 =	vld [tilespmem:s22+$0x100];
	v8 =	vadd.f32 v39, v8  }
0x271: {  	v51 =	vld [tilespmem:s25+$0x20];
	v19 =	vadd.s32 $0x5, v43;
	v49 =	vmul.f32 v13, v31  }
0x272: {  	v47 =	vld [tilespmem:s22+$0x110];
	v18 =	vsub.f32 v32, v37;
	v48 =	vmul.f32 v45, v15;
	v8 =	vadd.f32 v44, v8  }
0x273: {  	v19 =	vbroadcast v19, $0x0;
	v53 =	vmul.f32 v49, v13;
	v50 =	vld.idx.msk [tilespmem:v33+s16+$0x0], $0xffff  }
0x274: {  	s24 =	sor.u32 $0x30, s24;
	s31 =	sadd.s32 $0xFFFFFFFF, s23;
	v55 =	vld [tilespmem:s22+$0x120];
	v12 =	vsub.f32 v38, v41;
	v54 =	vmul.f32 v18, v31;
	v8 =	vadd.f32 v48, v8  }
0x275: {  	v59 =	vld [tilespmem:s24+$0x10800];
	v52 =	vmov s31;
	v16 =	vsub.f32 v42, v46  }
0x276: {  	v24 =	vld [tilespmem:s22+$0x140];
	v57 =	vmul.f32 v54, v18;
	v58 =	vmul.f32 v12, v31;
	v8 =	vadd.f32 v53, v8  }
0x277: {  	v9 =	vsub.f32 v9, v47;
	v22 =	vshrl.u32 v52, $0x3;
	v56 =	vld [tilespmem:s22+$0x130]  }
0x278: {  	v60 =	vld [tilespmem:s25+$0x0];
	v62 =	vmul.f32 v58, v12;
	v63 =	vmul.f32 v16, v50;
	v8 =	vadd.f32 v57, v8  }
0x279: {  	v61 =	vshll.u32 v22, v4;
	v13 =	vsub.f32 v51, v55;
	v28 =	vld.idx.msk [tilespmem:v19+s16+$0x0], $0xffff  }
0x27a: {  	v27 =	vmul.f32 v9, v50;
	v25 =	vld [tilespmem:s22+$0x150];
	v26 =	vmul.f32 v63, v16;
	v8 =	vadd.f32 v62, v8  }
0x27b: {  	v20 =	vadd.s32 $0x6, v61;
	v33 =	vld [tilespmem:s22+$0x160];
	v32 =	vmul.f32 v13, v50  }
0x27c: {  	v14 =	vsub.f32 v59, v56;
	v9 =	vmul.f32 v27, v9;
	v29 =	vld [tilespmem:s25+$0x20];
	v8 =	vadd.f32 v26, v8  }
0x27d: {  	v34 =	vld [tilespmem:s25+$0x30];
	v30 =	vbroadcast v20, $0x0;
	v31 =	vmov s23;
	v12 =	vsub.f32 v60, v24  }
0x27e: {  	v37 =	vld [tilespmem:s22+$0x170];
	v36 =	vmul.f32 v14, v50;
	v35 =	vmul.f32 v32, v13;
	v8 =	vadd.f32 v9, v8  }
0x27f: {  	v38 =	vld [tilespmem:s25+$0x0];
	v20 =	vshrl.u32 v31, $0x3;
	v7 =	vsub.f32 v7, v25  }
0x280: {  	v41 =	vld [tilespmem:s22+$0x180];
	v40 =	vmul.f32 v12, v28;
	v39 =	vmul.f32 v36, v14;
	v8 =	vadd.f32 v35, v8  }
0x281: {  	v52 =	vld [tilespmem:s22+$0x1B0];
	v20 =	vshll.u32 v20, v4;
	v11 =	vsub.f32 v29, v33  }
0x282: {  	v42 =	vld [tilespmem:s22+$0x190];
	v43 =	vmul.f32 v40, v12;
	v44 =	vmul.f32 v7, v28;
	v8 =	vadd.f32 v39, v8  }
0x283: {  	v45 =	vld.idx.msk [tilespmem:v30+s16+$0x0], $0xffff;
	v20 =	vadd.s32 $0x7, v20;
	v13 =	vsub.f32 v34, v37  }
0x284: {  	v49 =	vld [tilespmem:s22+$0x1A0];
	v7 =	vmul.f32 v44, v7;
	v48 =	vmul.f32 v11, v28;
	v8 =	vadd.f32 v43, v8  }
0x285: {  	v46 =	vld [tilespmem:s25+$0x20];
	v47 =	vbroadcast v20, $0x0;
	v14 =	vsub.f32 v38, v41  }
0x286: {  	v55 =	vld [tilespmem:s22+$0x1C0];
	v51 =	vmul.f32 v13, v28;
	v7 =	vadd.f32 v7, v8;
	v8 =	vmul.f32 v48, v11  }
0x287: {  	v6 =	vsub.f32 v6, v42;
	v50 =	vld [tilespmem:s25+$0x30]  }
0x288: {  	v54 =	vmul.f32 v14, v45;
	v53 =	vld [tilespmem:s25+$0x0];
	v7 =	vadd.f32 v8, v7;
	v8 =	vmul.f32 v51, v13  }
0x289: {  	v56 =	vld [tilespmem:s22+$0x1D0];
	v57 =	vmul.f32 v6, v45  }
0x28a: {  	v59 =	vld [tilespmem:s25+$0x20];
	v10 =	vsub.f32 v46, v49;
	v7 =	vadd.f32 v8, v7;
	v8 =	vmul.f32 v54, v14  }
0x28b: {  	v58 =	vld.idx.msk [tilespmem:v47+s16+$0x0], $0xffff;
	v6 =	vmul.f32 v57, v6  }
0x28c: {  	v60 =	vld [tilespmem:s22+$0x1E0];
	v11 =	vsub.f32 v50, v52;
	v7 =	vadd.f32 v8, v7;
	v8 =	vmul.f32 v10, v45  }
0x28d: {  	v61 =	vld [tilespmem:s25+$0x30];
	v13 =	vsub.f32 v53, v55  }
0x28e: {  	v62 =	vld [tilespmem:s22+$0x1F0];
	v6 =	vadd.f32 v6, v7;
	v7 =	vmul.f32 v8, v10;
	v8 =	vmul.f32 v11, v45  }
0x28f: {  	v5 =	vsub.f32 v5, v56  }
0x290: {  	v6 =	vadd.f32 v7, v6;
	v7 =	vmul.f32 v8, v11;
	v8 =	vmul.f32 v13, v58  }
0x291: {  	v9 =	vsub.f32 v59, v60  }
0x292: {  	v6 =	vadd.f32 v7, v6;
	v7 =	vmul.f32 v8, v13;
	v8 =	vmul.f32 v5, v58  }
0x293: {  	v63 =	vsub.f32 v61, v62  }
0x294: {  	s21 =	sadd.s32 $0x1, s21;
	v6 =	vadd.f32 v7, v6;
	v5 =	vmul.f32 v8, v5;
	v7 =	vmul.f32 v9, v58  }
0x295: {  	p0 =	sne.s32 s21, $0x8  }
.Ltmp1:
0x296: {  	v5 =	vadd.f32 v5, v6;
	v6 =	vmul.f32 v7, v9;
	v7 =	vmul.f32 v63, v58;
	(pc) =	sbr.rel @p0 .LBB2_2-.Ltmp1, $3  }
0x297: {  	_ = 	snop  }
0x298: {  	v5 =	vadd.f32 v6, v5;
	v6 =	vmul.f32 v7, v63;
	_ =	sdelay $0x1  }
0x299: {  	s19 =	sadd.s32 $0x400, s19;
	s20 =	sadd.s32 $0x400, s20;
	v7 =	vadd.f32 v6, v5  }
0x29a: {  	s18 =	sadd.s32 $0x1, s18  }
0x29b: {  	p0 =	sne.s32 s18, s8  }
.Ltmp2:
0x29c: {  	[tilespmem:$0x14900] =	vst v7;
	(pc) =	sbr.rel @p0 .LBB2_1-.Ltmp2, $4  }
0x29d: {  	[hbm4b:s7+s2] =	stream.linear.scatter [tilespmem:s17], [sflag:$0x2], $0x10, $0x38;
	[tilespmem:$0x14910] =	vst v63  }
0x29e: {  	_ =	swait.ge [sflag:s9], $0x10  }
0x29f: {  	[sflag:s9] =	ssyncset.done $0x0  }
0x2a0: {  	[sflag:s9] =	ssyncadd.s32 $0xFFFFFFF0  }
0x2a1: {  	_ =	sfence.sel $0x180000  }
0x2a2: {  	[bflag:$0x0] =	sbarrier.arrive $0xFFFF  }
0x2a3: {  	p0 =	sne.s32 s1, $0x0;
	_ =	strace $0x90000047  }
0x2a4: {  	s0 =	sadd.s32 @!p0 $0x100000, s0;
	[bflag:$0x2] =	sbarrier.arrive $0xFFFF  }
0x2a5: {  	[sflag:s0] =	ssyncadd.tile.s32 @!p0 $0x1;
	_ =	shalt  }
.Lfunc_end2:
_tile_overlayer_lowered:
.L_overlay_start_2:
0x2a6: {  	(tag) =	ssettag $0x2  }
0x2a7: {  	s0 =	rddreg [dreg:$0x0];
	s2 =	stileid.u32  }
0x2a8: {  	s1 =	rddreg [dreg:$0x1];
	p0 =	sne.s32 s2, $0x0  }
0x2a9: {  	s3 =	rddreg [dreg:$0x2];
	[bflag:$0x3] =	sbarrier.arrive $0xFFFF;
	s2 =	simm.s32 @!p0 $0x1C02  }
0x2aa: {  	[timem:s3], [sflag:s2] =	dma.local @!p0 [hbm:s0], s1  }
0x2ab: {  	s0 =	simm.s32 @!p0 $0x2  }
0x2ac: {  	_ =	swait.ge @!p0 [sflag:s0], s1  }
0x2ad: {  	s1 =	ssub.s32 @!p0 $0x0, s1;
	[sflag:s0] =	ssyncset.done @!p0 $0x0  }
0x2ae: {  	[sflag:s0] =	ssyncadd.s32 @!p0 s1  }
0x2af: {  	[bflag:$0x3] =	sbarrier.arrive $0xFFFF  }
0x2b0: {  	_ =	shalt  }

</sc_bundles>
